<compile_context>
chip_gen: v7x
topology: tpu7x:2x2x1
jax: 0.10.2.dev20260603
libtpu: 0.0.44.dev20260713+nightly
codegen_flags: <defaults>
</compile_context>

<pallas_src>
import jax
import jax.numpy as jnp
from jax import lax
from jax.experimental import pallas as pl
from jax.experimental.pallas import tpu as pltpu
from jax.experimental.pallas import tpu_sc as plsc

NCLASS = 1000
NFEAT = 128
BATCH = 16384
LANES = 16
NC = 2
NS = 16
NW = NC * NS
BPW = BATCH // NW
CHUNK = 64
NCHUNK = BPW // CHUNK
LCOLS = 256
LROWS = 128
SPLIT = 896
TCB = 2048
ROW_CHUNKS = [(SPLIT + k * LROWS, min(LROWS, NCLASS - SPLIT - k * LROWS))
              for k in range((NCLASS - SPLIT + LROWS - 1) // LROWS)]
LSTEPS = [(h, ro, rs) for h in range(BPW // LCOLS) for (ro, rs) in ROW_CHUNKS]


def _sc_body(feat_hbm, lt_hbm, y_hbm, centers_hbm, out_hbm,
             y_v, log_bufs, feat_bufs, cent_bufs, out_v,
             sem_l, sem_f, sem_c):
    wid = lax.axis_index("s") * NC + lax.axis_index("c")
    base = wid * BPW

    pltpu.sync_copy(y_hbm.at[pl.ds(base, BPW)], y_v)

    def logit_copy(s):
        h, ro, rs = LSTEPS[s]
        return pltpu.make_async_copy(
            lt_hbm.at[pl.ds(ro, rs), pl.ds(base + h * LCOLS, LCOLS)],
            log_bufs[s % 2].at[pl.ds(0, rs), :],
            sem_l[s % 2],
        )

    def chunk_copies(c):
        b = c % 2
        feat_cp = pltpu.make_async_copy(
            feat_hbm.at[pl.ds(base + c * CHUNK, CHUNK)],
            feat_bufs[b],
            sem_f[b],
        )
        cent_cp = pltpu.make_async_copy(
            centers_hbm.at[y_v.at[pl.ds(c * CHUNK, CHUNK)]],
            cent_bufs[b],
            sem_c[b],
        )
        return feat_cp, cent_cp

    iota16 = lax.iota(jnp.int32, LANES)

    logit_copy(0).start()
    acc_p = jnp.zeros((LANES,), jnp.float32)
    for s in range(len(LSTEPS)):
        if s + 1 < len(LSTEPS):
            logit_copy(s + 1).start()
        logit_copy(s).wait()
        h, ro, rs = LSTEPS[s]
        buf = log_bufs[s % 2]
        for g in range(LCOLS // LANES):
            y16 = y_v[pl.ds(h * LCOLS + g * LANES, LANES)]
            rl = y16 - ro
            valid = (rl >= 0) & (rl < rs)
            rl0 = jnp.where(valid, rl, 0)
            vals = plsc.load_gather(buf, [rl0, g * LANES + iota16])
            acc_p = acc_p + jnp.where(valid, vals, 0.0)

    for cp in chunk_copies(0):
        cp.start()
    acc_sq = jnp.zeros((LANES,), jnp.float32)
    for c in range(NCHUNK):
        if c + 1 < NCHUNK:
            for cp in chunk_copies(c + 1):
                cp.start()
        for cp in chunk_copies(c):
            cp.wait()
        feat_v, cent_v = feat_bufs[c % 2], cent_bufs[c % 2]

        def row_body(r, acc):
            for j in range(NFEAT // LANES):
                d = (feat_v[r, pl.ds(j * LANES, LANES)]
                     - cent_v[r, pl.ds(j * LANES, LANES)])
                acc = acc + d * d
            return acc

        acc_sq = lax.fori_loop(0, CHUNK, row_body, acc_sq)

    out_v[...] = 0.25 * acc_sq - acc_p
    pltpu.sync_copy(out_v, out_hbm.at[wid])


def _tc_body(lt_ref, y_ref, out_ref):
    labels = y_ref[0, :]
    rows = lax.broadcasted_iota(jnp.int32, (SPLIT, TCB), 0)
    mask = rows == labels[None, :]
    picked = jnp.where(mask, lt_ref[...], 0.0)
    out_ref[...] = jnp.sum(picked, axis=0, keepdims=True)


@jax.jit
def _loss(feat2d, logits_t, y_i32, centers):
    mesh = plsc.VectorSubcoreMesh(core_axis_name="c", subcore_axis_name="s")
    partials = pl.kernel(
        _sc_body,
        out_type=jax.ShapeDtypeStruct((NW, LANES), jnp.float32),
        mesh=mesh,
        compiler_params=pltpu.CompilerParams(
            use_tc_tiling_on_sc=True, needs_layout_passes=False),
        scratch_types=[
            pltpu.VMEM((BPW,), jnp.int32),
            [pltpu.VMEM((LROWS, LCOLS), jnp.float32)] * 2,
            [pltpu.VMEM((CHUNK, NFEAT), jnp.float32)] * 2,
            [pltpu.VMEM((CHUNK, NFEAT), jnp.float32)] * 2,
            pltpu.VMEM((LANES,), jnp.float32),
            [pltpu.SemaphoreType.DMA] * 2,
            [pltpu.SemaphoreType.DMA] * 2,
            [pltpu.SemaphoreType.DMA] * 2,
        ],
    )(feat2d, logits_t, y_i32, centers)

    tc_picked = pl.pallas_call(
        _tc_body,
        grid=(BATCH // TCB,),
        in_specs=[
            pl.BlockSpec((SPLIT, TCB), lambda i: (0, i)),
            pl.BlockSpec((1, TCB), lambda i: (0, i)),
        ],
        out_specs=pl.BlockSpec((1, TCB), lambda i: (0, i)),
        out_shape=jax.ShapeDtypeStruct((1, BATCH), jnp.float32),
    )(logits_t, y_i32.reshape(1, BATCH))

    return (jnp.sum(partials) - jnp.sum(tc_picked)) / BATCH


def kernel(feat, logits, y, centers):
    return _loss(feat, logits.T, y.astype(jnp.int32), centers)

# --- scband reference (transcript-rebuilt; emitter-appended) ---
"""Pipeline reference for scband-softmax-center-loss-62895501083085 (READ-ONLY COPY).

The authoritative reference and input builder live on the scoring server;
editing this copy changes nothing except your own understanding.
"""

import jax, jax.numpy as jnp
import numpy as np

NCLASS = 1000
NFEAT = 128
BATCH = 16384
LOSS_WEIGHT = 0.5


def setup_inputs(seed: int = 0) -> dict:
    key = jax.random.key(seed)
    k1, k2, k3, k4 = jax.random.split(key, 4)
    feat = jax.random.normal(k1, (BATCH, NFEAT), dtype=jnp.float32)
    logits = jax.random.normal(k2, (BATCH, NCLASS), dtype=jnp.float32)
    y = jax.random.randint(k3, (BATCH,), 0, NCLASS, dtype=jnp.int64)
    centers = jax.random.normal(k4, (NCLASS, NFEAT), dtype=jnp.float32)
    return {"feat": feat, "logits": logits, "y": y, "centers": centers}


def reference(feat, logits, y, centers):
    batch_size = feat.shape[0]
    feat = feat.reshape(batch_size, -1)
    # NLLLoss: logits are treated as log-probabilities; mean of -logits[i, y[i]]
    picked = jnp.take_along_axis(logits, y[:, None].astype(jnp.int32), axis=1)[:, 0]
    nll = -jnp.mean(picked)
    # CenterLoss: gather class centers, Euclidean squared distance sum
    centers_batch = jnp.take(centers, y.astype(jnp.int32), axis=0)
    sqdist_sum = jnp.sum((feat - centers_batch) ** 2)
    center_loss = sqdist_sum / 2.0 / batch_size
    return nll + LOSS_WEIGHT * center_loss

if __name__ == "__main__":
    import jax
    _d = setup_inputs()
    print(jax.jit(kernel)(*tuple(_d.values())))

</pallas_src>

<mosaic_0001>
#map = affine_map<(d0, d1) -> (0, 0)>
#map1 = affine_map<(d0, d1) -> (0)>
module attributes {stable_mosaic.version = 14 : i64} {
  func.func @_sc_body(%arg0: i32, %arg1: i32, %arg2: memref<16384x128xf32, #tpu.memory_space<hbm>>, %arg3: memref<1000x16384xf32, #tpu.memory_space<hbm>>, %arg4: memref<16384xi32, #tpu.memory_space<hbm>>, %arg5: memref<1000x128xf32, #tpu.memory_space<hbm>>, %arg6: memref<32x16xf32, #tpu.memory_space<hbm>>, %arg7: memref<512xi32, #tpu.memory_space<vmem>>, %arg8: memref<128x256xf32, #tpu.memory_space<vmem>>, %arg9: memref<128x256xf32, #tpu.memory_space<vmem>>, %arg10: memref<64x128xf32, #tpu.memory_space<vmem>>, %arg11: memref<64x128xf32, #tpu.memory_space<vmem>>, %arg12: memref<64x128xf32, #tpu.memory_space<vmem>>, %arg13: memref<64x128xf32, #tpu.memory_space<vmem>>, %arg14: memref<16xf32, #tpu.memory_space<vmem>>, %arg15: memref<!tpu.dma_semaphore, #tpu.memory_space<semaphore_mem>>, %arg16: memref<!tpu.dma_semaphore, #tpu.memory_space<semaphore_mem>>, %arg17: memref<!tpu.dma_semaphore, #tpu.memory_space<semaphore_mem>>, %arg18: memref<!tpu.dma_semaphore, #tpu.memory_space<semaphore_mem>>, %arg19: memref<!tpu.dma_semaphore, #tpu.memory_space<semaphore_mem>>, %arg20: memref<!tpu.dma_semaphore, #tpu.memory_space<semaphore_mem>>) attributes {dimension_semantics = [#tpu.dimension_semantics<core_parallel>, #tpu.dimension_semantics<subcore_parallel>], iteration_bounds = array<i64: 2, 16>, scalar_prefetch = 0 : i64, scratch_operands = 14 : i64, tpu.core_type = #tpu.core_type<sc_vector_subcore>, window_params = [{transform_indices = #map}, {transform_indices = #map}, {transform_indices = #map1}, {transform_indices = #map}, {transform_indices = #map}]} {
    %mul3A = arith.constant 2 : i32
    %mul3A_0 = arith.muli %arg1, %mul3A : i32
    %add3A = arith.addi %mul3A_0, %arg0 : i32
    %mul3A_1 = arith.constant 512 : i32
    %mul3A_2 = arith.muli %add3A, %mul3A_1 : i32
    "tpu.region"() ({
      %run_scoped3A = tpu.sem_alloc : memref<!tpu.dma_semaphore, #tpu.memory_space<semaphore_mem>>
      %dma_start3A_1008 = tpu.memref_slice %arg4[%mul3A_2] : memref<16384xi32, #tpu.memory_space<hbm>> -> memref<512xi32, #tpu.memory_space<hbm>>
      %dma_start3A_1009 = tpu.memref_slice %arg4[%mul3A_2] : memref<16384xi32, #tpu.memory_space<hbm>> -> memref<512xi32, #tpu.memory_space<hbm>>
      tpu.enqueue_dma source(%dma_start3A_1009 : memref<512xi32, #tpu.memory_space<hbm>>) target(%arg7 : memref<512xi32, #tpu.memory_space<vmem>>) target_semaphore(%run_scoped3A : memref<!tpu.dma_semaphore, #tpu.memory_space<semaphore_mem>>)
      %dma_wait3A_1010 = tpu.memref_slice %arg4[%mul3A_2] : memref<16384xi32, #tpu.memory_space<hbm>> -> memref<512xi32, #tpu.memory_space<hbm>>
      %dma_wait3A_1011 = tpu.memref_slice %arg4[%mul3A_2] : memref<16384xi32, #tpu.memory_space<hbm>> -> memref<512xi32, #tpu.memory_space<hbm>>
      tpu.wait_dma2 semaphore(%run_scoped3A : memref<!tpu.dma_semaphore, #tpu.memory_space<semaphore_mem>>) src(%dma_wait3A_1011 : memref<512xi32, #tpu.memory_space<hbm>>) dst(%arg7 : memref<512xi32, #tpu.memory_space<vmem>>)
      tpu.yield
    }) : () -> ()
    %iota3A = tpu.iota {dimensions = array<i32: 0>} : vector<16xi32>
    %add3A_3 = arith.constant 0 : i32
    %add3A_4 = arith.addi %mul3A_2, %add3A_3 : i32
    %dma_start3A = arith.constant 0 : i32
    %dma_start3A_5 = arith.constant 0 : i32
    %dma_start3A_6 = tpu.memref_slice %arg8[%dma_start3A, %dma_start3A_5] : memref<128x256xf32, #tpu.memory_space<vmem>> -> memref<104x256xf32, #tpu.memory_space<vmem>>
    %dma_start3A_7 = arith.constant 896 : i32
    %dma_start3A_8 = tpu.memref_slice %arg3[%dma_start3A_7, %add3A_4] : memref<1000x16384xf32, #tpu.memory_space<hbm>> -> memref<104x256xf32, #tpu.memory_space<hbm>>
    %dma_start3A_9 = arith.constant 0 : i32
    %dma_start3A_10 = arith.constant 0 : i32
    %dma_start3A_11 = tpu.memref_slice %arg8[%dma_start3A_9, %dma_start3A_10] : memref<128x256xf32, #tpu.memory_space<vmem>> -> memref<104x256xf32, #tpu.memory_space<vmem>>
    %dma_start3A_12 = arith.constant 896 : i32
    %dma_start3A_13 = tpu.memref_slice %arg3[%dma_start3A_12, %add3A_4] : memref<1000x16384xf32, #tpu.memory_space<hbm>> -> memref<104x256xf32, #tpu.memory_space<hbm>>
    tpu.enqueue_dma source(%dma_start3A_13 : memref<104x256xf32, #tpu.memory_space<hbm>>) target(%dma_start3A_11 : memref<104x256xf32, #tpu.memory_space<vmem>>) target_semaphore(%arg15 : memref<!tpu.dma_semaphore, #tpu.memory_space<semaphore_mem>>)
    %broadcast_in_dim3A = arith.constant 0.000000e+00 : f32
    %broadcast_in_dim3A_14 = vector.broadcast %broadcast_in_dim3A : f32 to vector<16xf32>
    %add3A_15 = arith.constant 256 : i32
    %add3A_16 = arith.addi %mul3A_2, %add3A_15 : i32
    %dma_start3A_17 = arith.constant 0 : i32
    %dma_start3A_18 = arith.constant 0 : i32
    %dma_start3A_19 = tpu.memref_slice %arg9[%dma_start3A_17, %dma_start3A_18] : memref<128x256xf32, #tpu.memory_space<vmem>> -> memref<104x256xf32, #tpu.memory_space<vmem>>
    %dma_start3A_20 = arith.constant 896 : i32
    %dma_start3A_21 = tpu.memref_slice %arg3[%dma_start3A_20, %add3A_16] : memref<1000x16384xf32, #tpu.memory_space<hbm>> -> memref<104x256xf32, #tpu.memory_space<hbm>>
    %dma_start3A_22 = arith.constant 0 : i32
    %dma_start3A_23 = arith.constant 0 : i32
    %dma_start3A_24 = tpu.memref_slice %arg9[%dma_start3A_22, %dma_start3A_23] : memref<128x256xf32, #tpu.memory_space<vmem>> -> memref<104x256xf32, #tpu.memory_space<vmem>>
    %dma_start3A_25 = arith.constant 896 : i32
    %dma_start3A_26 = tpu.memref_slice %arg3[%dma_start3A_25, %add3A_16] : memref<1000x16384xf32, #tpu.memory_space<hbm>> -> memref<104x256xf32, #tpu.memory_space<hbm>>
    tpu.enqueue_dma source(%dma_start3A_26 : memref<104x256xf32, #tpu.memory_space<hbm>>) target(%dma_start3A_24 : memref<104x256xf32, #tpu.memory_space<vmem>>) target_semaphore(%arg16 : memref<!tpu.dma_semaphore, #tpu.memory_space<semaphore_mem>>)
    %add3A_27 = arith.constant 0 : i32
    %add3A_28 = arith.addi %mul3A_2, %add3A_27 : i32
    %dma_wait3A = arith.constant 0 : i32
    %dma_wait3A_29 = arith.constant 0 : i32
    %dma_wait3A_30 = tpu.memref_slice %arg8[%dma_wait3A, %dma_wait3A_29] : memref<128x256xf32, #tpu.memory_space<vmem>> -> memref<104x256xf32, #tpu.memory_space<vmem>>
    %dma_wait3A_31 = arith.constant 896 : i32
    %dma_wait3A_32 = tpu.memref_slice %arg3[%dma_wait3A_31, %add3A_28] : memref<1000x16384xf32, #tpu.memory_space<hbm>> -> memref<104x256xf32, #tpu.memory_space<hbm>>
    %dma_wait3A_33 = arith.constant 0 : i32
    %dma_wait3A_34 = arith.constant 0 : i32
    %dma_wait3A_35 = tpu.memref_slice %arg8[%dma_wait3A_33, %dma_wait3A_34] : memref<128x256xf32, #tpu.memory_space<vmem>> -> memref<104x256xf32, #tpu.memory_space<vmem>>
    %dma_wait3A_36 = arith.constant 896 : i32
    %dma_wait3A_37 = tpu.memref_slice %arg3[%dma_wait3A_36, %add3A_28] : memref<1000x16384xf32, #tpu.memory_space<hbm>> -> memref<104x256xf32, #tpu.memory_space<hbm>>
    tpu.wait_dma2 semaphore(%arg15 : memref<!tpu.dma_semaphore, #tpu.memory_space<semaphore_mem>>) src(%dma_wait3A_37 : memref<104x256xf32, #tpu.memory_space<hbm>>) dst(%dma_wait3A_35 : memref<104x256xf32, #tpu.memory_space<vmem>>)
    %get3A = arith.constant 0 : index
    %get3A_38 = tpu.vector_load %arg7[%get3A] {strides = array<i32>} : memref<512xi32, #tpu.memory_space<vmem>>, vector<16xi32>,
    %sub3A = arith.constant 896 : i32
    %sub3A_39 = vector.broadcast %sub3A : i32 to vector<16xi32>
    %sub3A_40 = arith.subi %get3A_38, %sub3A_39 : vector<16xi32>
    %ge3A = arith.constant 0 : i32
    %ge3A_41 = vector.broadcast %ge3A : i32 to vector<16xi32>
    %ge3A_42 = arith.cmpi sge, %sub3A_40, %ge3A_41 : vector<16xi32>
    %lt3A = arith.constant 104 : i32
    %lt3A_43 = vector.broadcast %lt3A : i32 to vector<16xi32>
    %lt3A_44 = arith.cmpi slt, %sub3A_40, %lt3A_43 : vector<16xi32>
    %and3A = arith.andi %ge3A_42, %lt3A_44 : vector<16xi1>
    %jit3A = arith.constant 0 : i32
    %broadcast_in_dim3A_45 = vector.broadcast %jit3A : i32 to vector<16xi32>
    %select_n3A = arith.select %and3A, %sub3A_40, %broadcast_in_dim3A_45 : vector<16xi1>, vector<16xi32>
    %add3A_46 = arith.constant 0 : i32
    %add3A_47 = vector.broadcast %add3A_46 : i32 to vector<16xi32>
    %add3A_48 = arith.addi %add3A_47, %iota3A : vector<16xi32>
    %gather3A = tpu.vector_load_idx %arg8[%select_n3A, %add3A_48] : memref<128x256xf32, #tpu.memory_space<vmem>>[vector<16xi32>, vector<16xi32>], vector<16xf32>,
    %jit3A_49 = arith.constant 0.000000e+00 : f32
    %broadcast_in_dim3A_50 = vector.broadcast %jit3A_49 : f32 to vector<16xf32>
    %select_n3A_51 = arith.select %and3A, %gather3A, %broadcast_in_dim3A_50 : vector<16xi1>, vector<16xf32>
    %add3A_52 = arith.addf %broadcast_in_dim3A_14, %select_n3A_51 : vector<16xf32>
    %get3A_53 = arith.constant 16 : index
    %get3A_54 = tpu.vector_load %arg7[%get3A_53] {strides = array<i32>} : memref<512xi32, #tpu.memory_space<vmem>>, vector<16xi32>,
    %sub3A_55 = arith.constant 896 : i32
    %sub3A_56 = vector.broadcast %sub3A_55 : i32 to vector<16xi32>
    %sub3A_57 = arith.subi %get3A_54, %sub3A_56 : vector<16xi32>
    %ge3A_58 = arith.constant 0 : i32
    %ge3A_59 = vector.broadcast %ge3A_58 : i32 to vector<16xi32>
    %ge3A_60 = arith.cmpi sge, %sub3A_57, %ge3A_59 : vector<16xi32>
    %lt3A_61 = arith.constant 104 : i32
    %lt3A_62 = vector.broadcast %lt3A_61 : i32 to vector<16xi32>
    %lt3A_63 = arith.cmpi slt, %sub3A_57, %lt3A_62 : vector<16xi32>
    %and3A_64 = arith.andi %ge3A_60, %lt3A_63 : vector<16xi1>
    %jit3A_65 = arith.constant 0 : i32
    %broadcast_in_dim3A_66 = vector.broadcast %jit3A_65 : i32 to vector<16xi32>
    %select_n3A_67 = arith.select %and3A_64, %sub3A_57, %broadcast_in_dim3A_66 : vector<16xi1>, vector<16xi32>
    %add3A_68 = arith.constant 16 : i32
    %add3A_69 = vector.broadcast %add3A_68 : i32 to vector<16xi32>
    %add3A_70 = arith.addi %add3A_69, %iota3A : vector<16xi32>
    %gather3A_71 = tpu.vector_load_idx %arg8[%select_n3A_67, %add3A_70] : memref<128x256xf32, #tpu.memory_space<vmem>>[vector<16xi32>, vector<16xi32>], vector<16xf32>,
    %jit3A_72 = arith.constant 0.000000e+00 : f32
    %broadcast_in_dim3A_73 = vector.broadcast %jit3A_72 : f32 to vector<16xf32>
    %select_n3A_74 = arith.select %and3A_64, %gather3A_71, %broadcast_in_dim3A_73 : vector<16xi1>, vector<16xf32>
    %add3A_75 = arith.addf %add3A_52, %select_n3A_74 : vector<16xf32>
    %get3A_76 = arith.constant 32 : index
    %get3A_77 = tpu.vector_load %arg7[%get3A_76] {strides = array<i32>} : memref<512xi32, #tpu.memory_space<vmem>>, vector<16xi32>,
    %sub3A_78 = arith.constant 896 : i32
    %sub3A_79 = vector.broadcast %sub3A_78 : i32 to vector<16xi32>
    %sub3A_80 = arith.subi %get3A_77, %sub3A_79 : vector<16xi32>
    %ge3A_81 = arith.constant 0 : i32
    %ge3A_82 = vector.broadcast %ge3A_81 : i32 to vector<16xi32>
    %ge3A_83 = arith.cmpi sge, %sub3A_80, %ge3A_82 : vector<16xi32>
    %lt3A_84 = arith.constant 104 : i32
    %lt3A_85 = vector.broadcast %lt3A_84 : i32 to vector<16xi32>
    %lt3A_86 = arith.cmpi slt, %sub3A_80, %lt3A_85 : vector<16xi32>
    %and3A_87 = arith.andi %ge3A_83, %lt3A_86 : vector<16xi1>
    %jit3A_88 = arith.constant 0 : i32
    %broadcast_in_dim3A_89 = vector.broadcast %jit3A_88 : i32 to vector<16xi32>
    %select_n3A_90 = arith.select %and3A_87, %sub3A_80, %broadcast_in_dim3A_89 : vector<16xi1>, vector<16xi32>
    %add3A_91 = arith.constant 32 : i32
    %add3A_92 = vector.broadcast %add3A_91 : i32 to vector<16xi32>
    %add3A_93 = arith.addi %add3A_92, %iota3A : vector<16xi32>
    %gather3A_94 = tpu.vector_load_idx %arg8[%select_n3A_90, %add3A_93] : memref<128x256xf32, #tpu.memory_space<vmem>>[vector<16xi32>, vector<16xi32>], vector<16xf32>,
    %jit3A_95 = arith.constant 0.000000e+00 : f32
    %broadcast_in_dim3A_96 = vector.broadcast %jit3A_95 : f32 to vector<16xf32>
    %select_n3A_97 = arith.select %and3A_87, %gather3A_94, %broadcast_in_dim3A_96 : vector<16xi1>, vector<16xf32>
    %add3A_98 = arith.addf %add3A_75, %select_n3A_97 : vector<16xf32>
    %get3A_99 = arith.constant 48 : index
    %get3A_100 = tpu.vector_load %arg7[%get3A_99] {strides = array<i32>} : memref<512xi32, #tpu.memory_space<vmem>>, vector<16xi32>,
    %sub3A_101 = arith.constant 896 : i32
    %sub3A_102 = vector.broadcast %sub3A_101 : i32 to vector<16xi32>
    %sub3A_103 = arith.subi %get3A_100, %sub3A_102 : vector<16xi32>
    %ge3A_104 = arith.constant 0 : i32
    %ge3A_105 = vector.broadcast %ge3A_104 : i32 to vector<16xi32>
    %ge3A_106 = arith.cmpi sge, %sub3A_103, %ge3A_105 : vector<16xi32>
    %lt3A_107 = arith.constant 104 : i32
    %lt3A_108 = vector.broadcast %lt3A_107 : i32 to vector<16xi32>
    %lt3A_109 = arith.cmpi slt, %sub3A_103, %lt3A_108 : vector<16xi32>
    %and3A_110 = arith.andi %ge3A_106, %lt3A_109 : vector<16xi1>
    %jit3A_111 = arith.constant 0 : i32
    %broadcast_in_dim3A_112 = vector.broadcast %jit3A_111 : i32 to vector<16xi32>
    %select_n3A_113 = arith.select %and3A_110, %sub3A_103, %broadcast_in_dim3A_112 : vector<16xi1>, vector<16xi32>
    %add3A_114 = arith.constant 48 : i32
    %add3A_115 = vector.broadcast %add3A_114 : i32 to vector<16xi32>
    %add3A_116 = arith.addi %add3A_115, %iota3A : vector<16xi32>
    %gather3A_117 = tpu.vector_load_idx %arg8[%select_n3A_113, %add3A_116] : memref<128x256xf32, #tpu.memory_space<vmem>>[vector<16xi32>, vector<16xi32>], vector<16xf32>,
    %jit3A_118 = arith.constant 0.000000e+00 : f32
    %broadcast_in_dim3A_119 = vector.broadcast %jit3A_118 : f32 to vector<16xf32>
    %select_n3A_120 = arith.select %and3A_110, %gather3A_117, %broadcast_in_dim3A_119 : vector<16xi1>, vector<16xf32>
    %add3A_121 = arith.addf %add3A_98, %select_n3A_120 : vector<16xf32>
    %get3A_122 = arith.constant 64 : index
    %get3A_123 = tpu.vector_load %arg7[%get3A_122] {strides = array<i32>} : memref<512xi32, #tpu.memory_space<vmem>>, vector<16xi32>,
    %sub3A_124 = arith.constant 896 : i32
    %sub3A_125 = vector.broadcast %sub3A_124 : i32 to vector<16xi32>
    %sub3A_126 = arith.subi %get3A_123, %sub3A_125 : vector<16xi32>
    %ge3A_127 = arith.constant 0 : i32
    %ge3A_128 = vector.broadcast %ge3A_127 : i32 to vector<16xi32>
    %ge3A_129 = arith.cmpi sge, %sub3A_126, %ge3A_128 : vector<16xi32>
    %lt3A_130 = arith.constant 104 : i32
    %lt3A_131 = vector.broadcast %lt3A_130 : i32 to vector<16xi32>
    %lt3A_132 = arith.cmpi slt, %sub3A_126, %lt3A_131 : vector<16xi32>
    %and3A_133 = arith.andi %ge3A_129, %lt3A_132 : vector<16xi1>
    %jit3A_134 = arith.constant 0 : i32
    %broadcast_in_dim3A_135 = vector.broadcast %jit3A_134 : i32 to vector<16xi32>
    %select_n3A_136 = arith.select %and3A_133, %sub3A_126, %broadcast_in_dim3A_135 : vector<16xi1>, vector<16xi32>
    %add3A_137 = arith.constant 64 : i32
    %add3A_138 = vector.broadcast %add3A_137 : i32 to vector<16xi32>
    %add3A_139 = arith.addi %add3A_138, %iota3A : vector<16xi32>
    %gather3A_140 = tpu.vector_load_idx %arg8[%select_n3A_136, %add3A_139] : memref<128x256xf32, #tpu.memory_space<vmem>>[vector<16xi32>, vector<16xi32>], vector<16xf32>,
    %jit3A_141 = arith.constant 0.000000e+00 : f32
    %broadcast_in_dim3A_142 = vector.broadcast %jit3A_141 : f32 to vector<16xf32>
    %select_n3A_143 = arith.select %and3A_133, %gather3A_140, %broadcast_in_dim3A_142 : vector<16xi1>, vector<16xf32>
    %add3A_144 = arith.addf %add3A_121, %select_n3A_143 : vector<16xf32>
    %get3A_145 = arith.constant 80 : index
    %get3A_146 = tpu.vector_load %arg7[%get3A_145] {strides = array<i32>} : memref<512xi32, #tpu.memory_space<vmem>>, vector<16xi32>,
    %sub3A_147 = arith.constant 896 : i32
    %sub3A_148 = vector.broadcast %sub3A_147 : i32 to vector<16xi32>
    %sub3A_149 = arith.subi %get3A_146, %sub3A_148 : vector<16xi32>
    %ge3A_150 = arith.constant 0 : i32
    %ge3A_151 = vector.broadcast %ge3A_150 : i32 to vector<16xi32>
    %ge3A_152 = arith.cmpi sge, %sub3A_149, %ge3A_151 : vector<16xi32>
    %lt3A_153 = arith.constant 104 : i32
    %lt3A_154 = vector.broadcast %lt3A_153 : i32 to vector<16xi32>
    %lt3A_155 = arith.cmpi slt, %sub3A_149, %lt3A_154 : vector<16xi32>
    %and3A_156 = arith.andi %ge3A_152, %lt3A_155 : vector<16xi1>
    %jit3A_157 = arith.constant 0 : i32
    %broadcast_in_dim3A_158 = vector.broadcast %jit3A_157 : i32 to vector<16xi32>
    %select_n3A_159 = arith.select %and3A_156, %sub3A_149, %broadcast_in_dim3A_158 : vector<16xi1>, vector<16xi32>
    %add3A_160 = arith.constant 80 : i32
    %add3A_161 = vector.broadcast %add3A_160 : i32 to vector<16xi32>
    %add3A_162 = arith.addi %add3A_161, %iota3A : vector<16xi32>
    %gather3A_163 = tpu.vector_load_idx %arg8[%select_n3A_159, %add3A_162] : memref<128x256xf32, #tpu.memory_space<vmem>>[vector<16xi32>, vector<16xi32>], vector<16xf32>,
    %jit3A_164 = arith.constant 0.000000e+00 : f32
    %broadcast_in_dim3A_165 = vector.broadcast %jit3A_164 : f32 to vector<16xf32>
    %select_n3A_166 = arith.select %and3A_156, %gather3A_163, %broadcast_in_dim3A_165 : vector<16xi1>, vector<16xf32>
    %add3A_167 = arith.addf %add3A_144, %select_n3A_166 : vector<16xf32>
    %get3A_168 = arith.constant 96 : index
    %get3A_169 = tpu.vector_load %arg7[%get3A_168] {strides = array<i32>} : memref<512xi32, #tpu.memory_space<vmem>>, vector<16xi32>,
    %sub3A_170 = arith.constant 896 : i32
    %sub3A_171 = vector.broadcast %sub3A_170 : i32 to vector<16xi32>
    %sub3A_172 = arith.subi %get3A_169, %sub3A_171 : vector<16xi32>
    %ge3A_173 = arith.constant 0 : i32
    %ge3A_174 = vector.broadcast %ge3A_173 : i32 to vector<16xi32>
    %ge3A_175 = arith.cmpi sge, %sub3A_172, %ge3A_174 : vector<16xi32>
    %lt3A_176 = arith.constant 104 : i32
    %lt3A_177 = vector.broadcast %lt3A_176 : i32 to vector<16xi32>
    %lt3A_178 = arith.cmpi slt, %sub3A_172, %lt3A_177 : vector<16xi32>
    %and3A_179 = arith.andi %ge3A_175, %lt3A_178 : vector<16xi1>
    %jit3A_180 = arith.constant 0 : i32
    %broadcast_in_dim3A_181 = vector.broadcast %jit3A_180 : i32 to vector<16xi32>
    %select_n3A_182 = arith.select %and3A_179, %sub3A_172, %broadcast_in_dim3A_181 : vector<16xi1>, vector<16xi32>
    %add3A_183 = arith.constant 96 : i32
    %add3A_184 = vector.broadcast %add3A_183 : i32 to vector<16xi32>
    %add3A_185 = arith.addi %add3A_184, %iota3A : vector<16xi32>
    %gather3A_186 = tpu.vector_load_idx %arg8[%select_n3A_182, %add3A_185] : memref<128x256xf32, #tpu.memory_space<vmem>>[vector<16xi32>, vector<16xi32>], vector<16xf32>,
    %jit3A_187 = arith.constant 0.000000e+00 : f32
    %broadcast_in_dim3A_188 = vector.broadcast %jit3A_187 : f32 to vector<16xf32>
    %select_n3A_189 = arith.select %and3A_179, %gather3A_186, %broadcast_in_dim3A_188 : vector<16xi1>, vector<16xf32>
    %add3A_190 = arith.addf %add3A_167, %select_n3A_189 : vector<16xf32>
    %get3A_191 = arith.constant 112 : index
    %get3A_192 = tpu.vector_load %arg7[%get3A_191] {strides = array<i32>} : memref<512xi32, #tpu.memory_space<vmem>>, vector<16xi32>,
    %sub3A_193 = arith.constant 896 : i32
    %sub3A_194 = vector.broadcast %sub3A_193 : i32 to vector<16xi32>
    %sub3A_195 = arith.subi %get3A_192, %sub3A_194 : vector<16xi32>
    %ge3A_196 = arith.constant 0 : i32
    %ge3A_197 = vector.broadcast %ge3A_196 : i32 to vector<16xi32>
    %ge3A_198 = arith.cmpi sge, %sub3A_195, %ge3A_197 : vector<16xi32>
    %lt3A_199 = arith.constant 104 : i32
    %lt3A_200 = vector.broadcast %lt3A_199 : i32 to vector<16xi32>
    %lt3A_201 = arith.cmpi slt, %sub3A_195, %lt3A_200 : vector<16xi32>
    %and3A_202 = arith.andi %ge3A_198, %lt3A_201 : vector<16xi1>
    %jit3A_203 = arith.constant 0 : i32
    %broadcast_in_dim3A_204 = vector.broadcast %jit3A_203 : i32 to vector<16xi32>
    %select_n3A_205 = arith.select %and3A_202, %sub3A_195, %broadcast_in_dim3A_204 : vector<16xi1>, vector<16xi32>
    %add3A_206 = arith.constant 112 : i32
    %add3A_207 = vector.broadcast %add3A_206 : i32 to vector<16xi32>
    %add3A_208 = arith.addi %add3A_207, %iota3A : vector<16xi32>
    %gather3A_209 = tpu.vector_load_idx %arg8[%select_n3A_205, %add3A_208] : memref<128x256xf32, #tpu.memory_space<vmem>>[vector<16xi32>, vector<16xi32>], vector<16xf32>,
    %jit3A_210 = arith.constant 0.000000e+00 : f32
    %broadcast_in_dim3A_211 = vector.broadcast %jit3A_210 : f32 to vector<16xf32>
    %select_n3A_212 = arith.select %and3A_202, %gather3A_209, %broadcast_in_dim3A_211 : vector<16xi1>, vector<16xf32>
    %add3A_213 = arith.addf %add3A_190, %select_n3A_212 : vector<16xf32>
    %get3A_214 = arith.constant 128 : index
    %get3A_215 = tpu.vector_load %arg7[%get3A_214] {strides = array<i32>} : memref<512xi32, #tpu.memory_space<vmem>>, vector<16xi32>,
    %sub3A_216 = arith.constant 896 : i32
    %sub3A_217 = vector.broadcast %sub3A_216 : i32 to vector<16xi32>
    %sub3A_218 = arith.subi %get3A_215, %sub3A_217 : vector<16xi32>
    %ge3A_219 = arith.constant 0 : i32
    %ge3A_220 = vector.broadcast %ge3A_219 : i32 to vector<16xi32>
    %ge3A_221 = arith.cmpi sge, %sub3A_218, %ge3A_220 : vector<16xi32>
    %lt3A_222 = arith.constant 104 : i32
    %lt3A_223 = vector.broadcast %lt3A_222 : i32 to vector<16xi32>
    %lt3A_224 = arith.cmpi slt, %sub3A_218, %lt3A_223 : vector<16xi32>
    %and3A_225 = arith.andi %ge3A_221, %lt3A_224 : vector<16xi1>
    %jit3A_226 = arith.constant 0 : i32
    %broadcast_in_dim3A_227 = vector.broadcast %jit3A_226 : i32 to vector<16xi32>
    %select_n3A_228 = arith.select %and3A_225, %sub3A_218, %broadcast_in_dim3A_227 : vector<16xi1>, vector<16xi32>
    %add3A_229 = arith.constant 128 : i32
    %add3A_230 = vector.broadcast %add3A_229 : i32 to vector<16xi32>
    %add3A_231 = arith.addi %add3A_230, %iota3A : vector<16xi32>
    %gather3A_232 = tpu.vector_load_idx %arg8[%select_n3A_228, %add3A_231] : memref<128x256xf32, #tpu.memory_space<vmem>>[vector<16xi32>, vector<16xi32>], vector<16xf32>,
    %jit3A_233 = arith.constant 0.000000e+00 : f32
    %broadcast_in_dim3A_234 = vector.broadcast %jit3A_233 : f32 to vector<16xf32>
    %select_n3A_235 = arith.select %and3A_225, %gather3A_232, %broadcast_in_dim3A_234 : vector<16xi1>, vector<16xf32>
    %add3A_236 = arith.addf %add3A_213, %select_n3A_235 : vector<16xf32>
    %get3A_237 = arith.constant 144 : index
    %get3A_238 = tpu.vector_load %arg7[%get3A_237] {strides = array<i32>} : memref<512xi32, #tpu.memory_space<vmem>>, vector<16xi32>,
    %sub3A_239 = arith.constant 896 : i32
    %sub3A_240 = vector.broadcast %sub3A_239 : i32 to vector<16xi32>
    %sub3A_241 = arith.subi %get3A_238, %sub3A_240 : vector<16xi32>
    %ge3A_242 = arith.constant 0 : i32
    %ge3A_243 = vector.broadcast %ge3A_242 : i32 to vector<16xi32>
    %ge3A_244 = arith.cmpi sge, %sub3A_241, %ge3A_243 : vector<16xi32>
    %lt3A_245 = arith.constant 104 : i32
    %lt3A_246 = vector.broadcast %lt3A_245 : i32 to vector<16xi32>
    %lt3A_247 = arith.cmpi slt, %sub3A_241, %lt3A_246 : vector<16xi32>
    %and3A_248 = arith.andi %ge3A_244, %lt3A_247 : vector<16xi1>
    %jit3A_249 = arith.constant 0 : i32
    %broadcast_in_dim3A_250 = vector.broadcast %jit3A_249 : i32 to vector<16xi32>
    %select_n3A_251 = arith.select %and3A_248, %sub3A_241, %broadcast_in_dim3A_250 : vector<16xi1>, vector<16xi32>
    %add3A_252 = arith.constant 144 : i32
    %add3A_253 = vector.broadcast %add3A_252 : i32 to vector<16xi32>
    %add3A_254 = arith.addi %add3A_253, %iota3A : vector<16xi32>
    %gather3A_255 = tpu.vector_load_idx %arg8[%select_n3A_251, %add3A_254] : memref<128x256xf32, #tpu.memory_space<vmem>>[vector<16xi32>, vector<16xi32>], vector<16xf32>,
    %jit3A_256 = arith.constant 0.000000e+00 : f32
    %broadcast_in_dim3A_257 = vector.broadcast %jit3A_256 : f32 to vector<16xf32>
    %select_n3A_258 = arith.select %and3A_248, %gather3A_255, %broadcast_in_dim3A_257 : vector<16xi1>, vector<16xf32>
    %add3A_259 = arith.addf %add3A_236, %select_n3A_258 : vector<16xf32>
    %get3A_260 = arith.constant 160 : index
    %get3A_261 = tpu.vector_load %arg7[%get3A_260] {strides = array<i32>} : memref<512xi32, #tpu.memory_space<vmem>>, vector<16xi32>,
    %sub3A_262 = arith.constant 896 : i32
    %sub3A_263 = vector.broadcast %sub3A_262 : i32 to vector<16xi32>
    %sub3A_264 = arith.subi %get3A_261, %sub3A_263 : vector<16xi32>
    %ge3A_265 = arith.constant 0 : i32
    %ge3A_266 = vector.broadcast %ge3A_265 : i32 to vector<16xi32>
    %ge3A_267 = arith.cmpi sge, %sub3A_264, %ge3A_266 : vector<16xi32>
    %lt3A_268 = arith.constant 104 : i32
    %lt3A_269 = vector.broadcast %lt3A_268 : i32 to vector<16xi32>
    %lt3A_270 = arith.cmpi slt, %sub3A_264, %lt3A_269 : vector<16xi32>
    %and3A_271 = arith.andi %ge3A_267, %lt3A_270 : vector<16xi1>
    %jit3A_272 = arith.constant 0 : i32
    %broadcast_in_dim3A_273 = vector.broadcast %jit3A_272 : i32 to vector<16xi32>
    %select_n3A_274 = arith.select %and3A_271, %sub3A_264, %broadcast_in_dim3A_273 : vector<16xi1>, vector<16xi32>
    %add3A_275 = arith.constant 160 : i32
    %add3A_276 = vector.broadcast %add3A_275 : i32 to vector<16xi32>
    %add3A_277 = arith.addi %add3A_276, %iota3A : vector<16xi32>
    %gather3A_278 = tpu.vector_load_idx %arg8[%select_n3A_274, %add3A_277] : memref<128x256xf32, #tpu.memory_space<vmem>>[vector<16xi32>, vector<16xi32>], vector<16xf32>,
    %jit3A_279 = arith.constant 0.000000e+00 : f32
    %broadcast_in_dim3A_280 = vector.broadcast %jit3A_279 : f32 to vector<16xf32>
    %select_n3A_281 = arith.select %and3A_271, %gather3A_278, %broadcast_in_dim3A_280 : vector<16xi1>, vector<16xf32>
    %add3A_282 = arith.addf %add3A_259, %select_n3A_281 : vector<16xf32>
    %get3A_283 = arith.constant 176 : index
    %get3A_284 = tpu.vector_load %arg7[%get3A_283] {strides = array<i32>} : memref<512xi32, #tpu.memory_space<vmem>>, vector<16xi32>,
    %sub3A_285 = arith.constant 896 : i32
    %sub3A_286 = vector.broadcast %sub3A_285 : i32 to vector<16xi32>
    %sub3A_287 = arith.subi %get3A_284, %sub3A_286 : vector<16xi32>
    %ge3A_288 = arith.constant 0 : i32
    %ge3A_289 = vector.broadcast %ge3A_288 : i32 to vector<16xi32>
    %ge3A_290 = arith.cmpi sge, %sub3A_287, %ge3A_289 : vector<16xi32>
    %lt3A_291 = arith.constant 104 : i32
    %lt3A_292 = vector.broadcast %lt3A_291 : i32 to vector<16xi32>
    %lt3A_293 = arith.cmpi slt, %sub3A_287, %lt3A_292 : vector<16xi32>
    %and3A_294 = arith.andi %ge3A_290, %lt3A_293 : vector<16xi1>
    %jit3A_295 = arith.constant 0 : i32
    %broadcast_in_dim3A_296 = vector.broadcast %jit3A_295 : i32 to vector<16xi32>
    %select_n3A_297 = arith.select %and3A_294, %sub3A_287, %broadcast_in_dim3A_296 : vector<16xi1>, vector<16xi32>
    %add3A_298 = arith.constant 176 : i32
    %add3A_299 = vector.broadcast %add3A_298 : i32 to vector<16xi32>
    %add3A_300 = arith.addi %add3A_299, %iota3A : vector<16xi32>
    %gather3A_301 = tpu.vector_load_idx %arg8[%select_n3A_297, %add3A_300] : memref<128x256xf32, #tpu.memory_space<vmem>>[vector<16xi32>, vector<16xi32>], vector<16xf32>,
    %jit3A_302 = arith.constant 0.000000e+00 : f32
    %broadcast_in_dim3A_303 = vector.broadcast %jit3A_302 : f32 to vector<16xf32>
    %select_n3A_304 = arith.select %and3A_294, %gather3A_301, %broadcast_in_dim3A_303 : vector<16xi1>, vector<16xf32>
    %add3A_305 = arith.addf %add3A_282, %select_n3A_304 : vector<16xf32>
    %get3A_306 = arith.constant 192 : index
    %get3A_307 = tpu.vector_load %arg7[%get3A_306] {strides = array<i32>} : memref<512xi32, #tpu.memory_space<vmem>>, vector<16xi32>,
    %sub3A_308 = arith.constant 896 : i32
    %sub3A_309 = vector.broadcast %sub3A_308 : i32 to vector<16xi32>
    %sub3A_310 = arith.subi %get3A_307, %sub3A_309 : vector<16xi32>
    %ge3A_311 = arith.constant 0 : i32
    %ge3A_312 = vector.broadcast %ge3A_311 : i32 to vector<16xi32>
    %ge3A_313 = arith.cmpi sge, %sub3A_310, %ge3A_312 : vector<16xi32>
    %lt3A_314 = arith.constant 104 : i32
    %lt3A_315 = vector.broadcast %lt3A_314 : i32 to vector<16xi32>
    %lt3A_316 = arith.cmpi slt, %sub3A_310, %lt3A_315 : vector<16xi32>
    %and3A_317 = arith.andi %ge3A_313, %lt3A_316 : vector<16xi1>
    %jit3A_318 = arith.constant 0 : i32
    %broadcast_in_dim3A_319 = vector.broadcast %jit3A_318 : i32 to vector<16xi32>
    %select_n3A_320 = arith.select %and3A_317, %sub3A_310, %broadcast_in_dim3A_319 : vector<16xi1>, vector<16xi32>
    %add3A_321 = arith.constant 192 : i32
    %add3A_322 = vector.broadcast %add3A_321 : i32 to vector<16xi32>
    %add3A_323 = arith.addi %add3A_322, %iota3A : vector<16xi32>
    %gather3A_324 = tpu.vector_load_idx %arg8[%select_n3A_320, %add3A_323] : memref<128x256xf32, #tpu.memory_space<vmem>>[vector<16xi32>, vector<16xi32>], vector<16xf32>,
    %jit3A_325 = arith.constant 0.000000e+00 : f32
    %broadcast_in_dim3A_326 = vector.broadcast %jit3A_325 : f32 to vector<16xf32>
    %select_n3A_327 = arith.select %and3A_317, %gather3A_324, %broadcast_in_dim3A_326 : vector<16xi1>, vector<16xf32>
    %add3A_328 = arith.addf %add3A_305, %select_n3A_327 : vector<16xf32>
    %get3A_329 = arith.constant 208 : index
    %get3A_330 = tpu.vector_load %arg7[%get3A_329] {strides = array<i32>} : memref<512xi32, #tpu.memory_space<vmem>>, vector<16xi32>,
    %sub3A_331 = arith.constant 896 : i32
    %sub3A_332 = vector.broadcast %sub3A_331 : i32 to vector<16xi32>
    %sub3A_333 = arith.subi %get3A_330, %sub3A_332 : vector<16xi32>
    %ge3A_334 = arith.constant 0 : i32
    %ge3A_335 = vector.broadcast %ge3A_334 : i32 to vector<16xi32>
    %ge3A_336 = arith.cmpi sge, %sub3A_333, %ge3A_335 : vector<16xi32>
    %lt3A_337 = arith.constant 104 : i32
    %lt3A_338 = vector.broadcast %lt3A_337 : i32 to vector<16xi32>
    %lt3A_339 = arith.cmpi slt, %sub3A_333, %lt3A_338 : vector<16xi32>
    %and3A_340 = arith.andi %ge3A_336, %lt3A_339 : vector<16xi1>
    %jit3A_341 = arith.constant 0 : i32
    %broadcast_in_dim3A_342 = vector.broadcast %jit3A_341 : i32 to vector<16xi32>
    %select_n3A_343 = arith.select %and3A_340, %sub3A_333, %broadcast_in_dim3A_342 : vector<16xi1>, vector<16xi32>
    %add3A_344 = arith.constant 208 : i32
    %add3A_345 = vector.broadcast %add3A_344 : i32 to vector<16xi32>
    %add3A_346 = arith.addi %add3A_345, %iota3A : vector<16xi32>
    %gather3A_347 = tpu.vector_load_idx %arg8[%select_n3A_343, %add3A_346] : memref<128x256xf32, #tpu.memory_space<vmem>>[vector<16xi32>, vector<16xi32>], vector<16xf32>,
    %jit3A_348 = arith.constant 0.000000e+00 : f32
    %broadcast_in_dim3A_349 = vector.broadcast %jit3A_348 : f32 to vector<16xf32>
    %select_n3A_350 = arith.select %and3A_340, %gather3A_347, %broadcast_in_dim3A_349 : vector<16xi1>, vector<16xf32>
    %add3A_351 = arith.addf %add3A_328, %select_n3A_350 : vector<16xf32>
    %get3A_352 = arith.constant 224 : index
    %get3A_353 = tpu.vector_load %arg7[%get3A_352] {strides = array<i32>} : memref<512xi32, #tpu.memory_space<vmem>>, vector<16xi32>,
    %sub3A_354 = arith.constant 896 : i32
    %sub3A_355 = vector.broadcast %sub3A_354 : i32 to vector<16xi32>
    %sub3A_356 = arith.subi %get3A_353, %sub3A_355 : vector<16xi32>
    %ge3A_357 = arith.constant 0 : i32
    %ge3A_358 = vector.broadcast %ge3A_357 : i32 to vector<16xi32>
    %ge3A_359 = arith.cmpi sge, %sub3A_356, %ge3A_358 : vector<16xi32>
    %lt3A_360 = arith.constant 104 : i32
    %lt3A_361 = vector.broadcast %lt3A_360 : i32 to vector<16xi32>
    %lt3A_362 = arith.cmpi slt, %sub3A_356, %lt3A_361 : vector<16xi32>
    %and3A_363 = arith.andi %ge3A_359, %lt3A_362 : vector<16xi1>
    %jit3A_364 = arith.constant 0 : i32
    %broadcast_in_dim3A_365 = vector.broadcast %jit3A_364 : i32 to vector<16xi32>
    %select_n3A_366 = arith.select %and3A_363, %sub3A_356, %broadcast_in_dim3A_365 : vector<16xi1>, vector<16xi32>
    %add3A_367 = arith.constant 224 : i32
    %add3A_368 = vector.broadcast %add3A_367 : i32 to vector<16xi32>
    %add3A_369 = arith.addi %add3A_368, %iota3A : vector<16xi32>
    %gather3A_370 = tpu.vector_load_idx %arg8[%select_n3A_366, %add3A_369] : memref<128x256xf32, #tpu.memory_space<vmem>>[vector<16xi32>, vector<16xi32>], vector<16xf32>,
    %jit3A_371 = arith.constant 0.000000e+00 : f32
    %broadcast_in_dim3A_372 = vector.broadcast %jit3A_371 : f32 to vector<16xf32>
    %select_n3A_373 = arith.select %and3A_363, %gather3A_370, %broadcast_in_dim3A_372 : vector<16xi1>, vector<16xf32>
    %add3A_374 = arith.addf %add3A_351, %select_n3A_373 : vector<16xf32>
    %get3A_375 = arith.constant 240 : index
    %get3A_376 = tpu.vector_load %arg7[%get3A_375] {strides = array<i32>} : memref<512xi32, #tpu.memory_space<vmem>>, vector<16xi32>,
    %sub3A_377 = arith.constant 896 : i32
    %sub3A_378 = vector.broadcast %sub3A_377 : i32 to vector<16xi32>
    %sub3A_379 = arith.subi %get3A_376, %sub3A_378 : vector<16xi32>
    %ge3A_380 = arith.constant 0 : i32
    %ge3A_381 = vector.broadcast %ge3A_380 : i32 to vector<16xi32>
    %ge3A_382 = arith.cmpi sge, %sub3A_379, %ge3A_381 : vector<16xi32>
    %lt3A_383 = arith.constant 104 : i32
    %lt3A_384 = vector.broadcast %lt3A_383 : i32 to vector<16xi32>
    %lt3A_385 = arith.cmpi slt, %sub3A_379, %lt3A_384 : vector<16xi32>
    %and3A_386 = arith.andi %ge3A_382, %lt3A_385 : vector<16xi1>
    %jit3A_387 = arith.constant 0 : i32
    %broadcast_in_dim3A_388 = vector.broadcast %jit3A_387 : i32 to vector<16xi32>
    %select_n3A_389 = arith.select %and3A_386, %sub3A_379, %broadcast_in_dim3A_388 : vector<16xi1>, vector<16xi32>
    %add3A_390 = arith.constant 240 : i32
    %add3A_391 = vector.broadcast %add3A_390 : i32 to vector<16xi32>
    %add3A_392 = arith.addi %add3A_391, %iota3A : vector<16xi32>
    %gather3A_393 = tpu.vector_load_idx %arg8[%select_n3A_389, %add3A_392] : memref<128x256xf32, #tpu.memory_space<vmem>>[vector<16xi32>, vector<16xi32>], vector<16xf32>,
    %jit3A_394 = arith.constant 0.000000e+00 : f32
    %broadcast_in_dim3A_395 = vector.broadcast %jit3A_394 : f32 to vector<16xf32>
    %select_n3A_396 = arith.select %and3A_386, %gather3A_393, %broadcast_in_dim3A_395 : vector<16xi1>, vector<16xf32>
    %add3A_397 = arith.addf %add3A_374, %select_n3A_396 : vector<16xf32>
    %add3A_398 = arith.constant 256 : i32
    %add3A_399 = arith.addi %mul3A_2, %add3A_398 : i32
    %dma_wait3A_400 = arith.constant 0 : i32
    %dma_wait3A_401 = arith.constant 0 : i32
    %dma_wait3A_402 = tpu.memref_slice %arg9[%dma_wait3A_400, %dma_wait3A_401] : memref<128x256xf32, #tpu.memory_space<vmem>> -> memref<104x256xf32, #tpu.memory_space<vmem>>
    %dma_wait3A_403 = arith.constant 896 : i32
    %dma_wait3A_404 = tpu.memref_slice %arg3[%dma_wait3A_403, %add3A_399] : memref<1000x16384xf32, #tpu.memory_space<hbm>> -> memref<104x256xf32, #tpu.memory_space<hbm>>
    %dma_wait3A_405 = arith.constant 0 : i32
    %dma_wait3A_406 = arith.constant 0 : i32
    %dma_wait3A_407 = tpu.memref_slice %arg9[%dma_wait3A_405, %dma_wait3A_406] : memref<128x256xf32, #tpu.memory_space<vmem>> -> memref<104x256xf32, #tpu.memory_space<vmem>>
    %dma_wait3A_408 = arith.constant 896 : i32
    %dma_wait3A_409 = tpu.memref_slice %arg3[%dma_wait3A_408, %add3A_399] : memref<1000x16384xf32, #tpu.memory_space<hbm>> -> memref<104x256xf32, #tpu.memory_space<hbm>>
    tpu.wait_dma2 semaphore(%arg16 : memref<!tpu.dma_semaphore, #tpu.memory_space<semaphore_mem>>) src(%dma_wait3A_409 : memref<104x256xf32, #tpu.memory_space<hbm>>) dst(%dma_wait3A_407 : memref<104x256xf32, #tpu.memory_space<vmem>>)
    %get3A_410 = arith.constant 256 : index
    %get3A_411 = tpu.vector_load %arg7[%get3A_410] {strides = array<i32>} : memref<512xi32, #tpu.memory_space<vmem>>, vector<16xi32>,
    %sub3A_412 = arith.constant 896 : i32
    %sub3A_413 = vector.broadcast %sub3A_412 : i32 to vector<16xi32>
    %sub3A_414 = arith.subi %get3A_411, %sub3A_413 : vector<16xi32>
    %ge3A_415 = arith.constant 0 : i32
    %ge3A_416 = vector.broadcast %ge3A_415 : i32 to vector<16xi32>
    %ge3A_417 = arith.cmpi sge, %sub3A_414, %ge3A_416 : vector<16xi32>
    %lt3A_418 = arith.constant 104 : i32
    %lt3A_419 = vector.broadcast %lt3A_418 : i32 to vector<16xi32>
    %lt3A_420 = arith.cmpi slt, %sub3A_414, %lt3A_419 : vector<16xi32>
    %and3A_421 = arith.andi %ge3A_417, %lt3A_420 : vector<16xi1>
    %jit3A_422 = arith.constant 0 : i32
    %broadcast_in_dim3A_423 = vector.broadcast %jit3A_422 : i32 to vector<16xi32>
    %select_n3A_424 = arith.select %and3A_421, %sub3A_414, %broadcast_in_dim3A_423 : vector<16xi1>, vector<16xi32>
    %add3A_425 = arith.constant 0 : i32
    %add3A_426 = vector.broadcast %add3A_425 : i32 to vector<16xi32>
    %add3A_427 = arith.addi %add3A_426, %iota3A : vector<16xi32>
    %gather3A_428 = tpu.vector_load_idx %arg9[%select_n3A_424, %add3A_427] : memref<128x256xf32, #tpu.memory_space<vmem>>[vector<16xi32>, vector<16xi32>], vector<16xf32>,
    %jit3A_429 = arith.constant 0.000000e+00 : f32
    %broadcast_in_dim3A_430 = vector.broadcast %jit3A_429 : f32 to vector<16xf32>
    %select_n3A_431 = arith.select %and3A_421, %gather3A_428, %broadcast_in_dim3A_430 : vector<16xi1>, vector<16xf32>
    %add3A_432 = arith.addf %add3A_397, %select_n3A_431 : vector<16xf32>
    %get3A_433 = arith.constant 272 : index
    %get3A_434 = tpu.vector_load %arg7[%get3A_433] {strides = array<i32>} : memref<512xi32, #tpu.memory_space<vmem>>, vector<16xi32>,
    %sub3A_435 = arith.constant 896 : i32
    %sub3A_436 = vector.broadcast %sub3A_435 : i32 to vector<16xi32>
    %sub3A_437 = arith.subi %get3A_434, %sub3A_436 : vector<16xi32>
    %ge3A_438 = arith.constant 0 : i32
    %ge3A_439 = vector.broadcast %ge3A_438 : i32 to vector<16xi32>
    %ge3A_440 = arith.cmpi sge, %sub3A_437, %ge3A_439 : vector<16xi32>
    %lt3A_441 = arith.constant 104 : i32
    %lt3A_442 = vector.broadcast %lt3A_441 : i32 to vector<16xi32>
    %lt3A_443 = arith.cmpi slt, %sub3A_437, %lt3A_442 : vector<16xi32>
    %and3A_444 = arith.andi %ge3A_440, %lt3A_443 : vector<16xi1>
    %jit3A_445 = arith.constant 0 : i32
    %broadcast_in_dim3A_446 = vector.broadcast %jit3A_445 : i32 to vector<16xi32>
    %select_n3A_447 = arith.select %and3A_444, %sub3A_437, %broadcast_in_dim3A_446 : vector<16xi1>, vector<16xi32>
    %add3A_448 = arith.constant 16 : i32
    %add3A_449 = vector.broadcast %add3A_448 : i32 to vector<16xi32>
    %add3A_450 = arith.addi %add3A_449, %iota3A : vector<16xi32>
    %gather3A_451 = tpu.vector_load_idx %arg9[%select_n3A_447, %add3A_450] : memref<128x256xf32, #tpu.memory_space<vmem>>[vector<16xi32>, vector<16xi32>], vector<16xf32>,
    %jit3A_452 = arith.constant 0.000000e+00 : f32
    %broadcast_in_dim3A_453 = vector.broadcast %jit3A_452 : f32 to vector<16xf32>
    %select_n3A_454 = arith.select %and3A_444, %gather3A_451, %broadcast_in_dim3A_453 : vector<16xi1>, vector<16xf32>
    %add3A_455 = arith.addf %add3A_432, %select_n3A_454 : vector<16xf32>
    %get3A_456 = arith.constant 288 : index
    %get3A_457 = tpu.vector_load %arg7[%get3A_456] {strides = array<i32>} : memref<512xi32, #tpu.memory_space<vmem>>, vector<16xi32>,
    %sub3A_458 = arith.constant 896 : i32
    %sub3A_459 = vector.broadcast %sub3A_458 : i32 to vector<16xi32>
    %sub3A_460 = arith.subi %get3A_457, %sub3A_459 : vector<16xi32>
    %ge3A_461 = arith.constant 0 : i32
    %ge3A_462 = vector.broadcast %ge3A_461 : i32 to vector<16xi32>
    %ge3A_463 = arith.cmpi sge, %sub3A_460, %ge3A_462 : vector<16xi32>
    %lt3A_464 = arith.constant 104 : i32
    %lt3A_465 = vector.broadcast %lt3A_464 : i32 to vector<16xi32>
    %lt3A_466 = arith.cmpi slt, %sub3A_460, %lt3A_465 : vector<16xi32>
    %and3A_467 = arith.andi %ge3A_463, %lt3A_466 : vector<16xi1>
    %jit3A_468 = arith.constant 0 : i32
    %broadcast_in_dim3A_469 = vector.broadcast %jit3A_468 : i32 to vector<16xi32>
    %select_n3A_470 = arith.select %and3A_467, %sub3A_460, %broadcast_in_dim3A_469 : vector<16xi1>, vector<16xi32>
    %add3A_471 = arith.constant 32 : i32
    %add3A_472 = vector.broadcast %add3A_471 : i32 to vector<16xi32>
    %add3A_473 = arith.addi %add3A_472, %iota3A : vector<16xi32>
    %gather3A_474 = tpu.vector_load_idx %arg9[%select_n3A_470, %add3A_473] : memref<128x256xf32, #tpu.memory_space<vmem>>[vector<16xi32>, vector<16xi32>], vector<16xf32>,
    %jit3A_475 = arith.constant 0.000000e+00 : f32
    %broadcast_in_dim3A_476 = vector.broadcast %jit3A_475 : f32 to vector<16xf32>
    %select_n3A_477 = arith.select %and3A_467, %gather3A_474, %broadcast_in_dim3A_476 : vector<16xi1>, vector<16xf32>
    %add3A_478 = arith.addf %add3A_455, %select_n3A_477 : vector<16xf32>
    %get3A_479 = arith.constant 304 : index
    %get3A_480 = tpu.vector_load %arg7[%get3A_479] {strides = array<i32>} : memref<512xi32, #tpu.memory_space<vmem>>, vector<16xi32>,
    %sub3A_481 = arith.constant 896 : i32
    %sub3A_482 = vector.broadcast %sub3A_481 : i32 to vector<16xi32>
    %sub3A_483 = arith.subi %get3A_480, %sub3A_482 : vector<16xi32>
    %ge3A_484 = arith.constant 0 : i32
    %ge3A_485 = vector.broadcast %ge3A_484 : i32 to vector<16xi32>
    %ge3A_486 = arith.cmpi sge, %sub3A_483, %ge3A_485 : vector<16xi32>
    %lt3A_487 = arith.constant 104 : i32
    %lt3A_488 = vector.broadcast %lt3A_487 : i32 to vector<16xi32>
    %lt3A_489 = arith.cmpi slt, %sub3A_483, %lt3A_488 : vector<16xi32>
    %and3A_490 = arith.andi %ge3A_486, %lt3A_489 : vector<16xi1>
    %jit3A_491 = arith.constant 0 : i32
    %broadcast_in_dim3A_492 = vector.broadcast %jit3A_491 : i32 to vector<16xi32>
    %select_n3A_493 = arith.select %and3A_490, %sub3A_483, %broadcast_in_dim3A_492 : vector<16xi1>, vector<16xi32>
    %add3A_494 = arith.constant 48 : i32
    %add3A_495 = vector.broadcast %add3A_494 : i32 to vector<16xi32>
    %add3A_496 = arith.addi %add3A_495, %iota3A : vector<16xi32>
    %gather3A_497 = tpu.vector_load_idx %arg9[%select_n3A_493, %add3A_496] : memref<128x256xf32, #tpu.memory_space<vmem>>[vector<16xi32>, vector<16xi32>], vector<16xf32>,
    %jit3A_498 = arith.constant 0.000000e+00 : f32
    %broadcast_in_dim3A_499 = vector.broadcast %jit3A_498 : f32 to vector<16xf32>
    %select_n3A_500 = arith.select %and3A_490, %gather3A_497, %broadcast_in_dim3A_499 : vector<16xi1>, vector<16xf32>
    %add3A_501 = arith.addf %add3A_478, %select_n3A_500 : vector<16xf32>
    %get3A_502 = arith.constant 320 : index
    %get3A_503 = tpu.vector_load %arg7[%get3A_502] {strides = array<i32>} : memref<512xi32, #tpu.memory_space<vmem>>, vector<16xi32>,
    %sub3A_504 = arith.constant 896 : i32
    %sub3A_505 = vector.broadcast %sub3A_504 : i32 to vector<16xi32>
    %sub3A_506 = arith.subi %get3A_503, %sub3A_505 : vector<16xi32>
    %ge3A_507 = arith.constant 0 : i32
    %ge3A_508 = vector.broadcast %ge3A_507 : i32 to vector<16xi32>
    %ge3A_509 = arith.cmpi sge, %sub3A_506, %ge3A_508 : vector<16xi32>
    %lt3A_510 = arith.constant 104 : i32
    %lt3A_511 = vector.broadcast %lt3A_510 : i32 to vector<16xi32>
    %lt3A_512 = arith.cmpi slt, %sub3A_506, %lt3A_511 : vector<16xi32>
    %and3A_513 = arith.andi %ge3A_509, %lt3A_512 : vector<16xi1>
    %jit3A_514 = arith.constant 0 : i32
    %broadcast_in_dim3A_515 = vector.broadcast %jit3A_514 : i32 to vector<16xi32>
    %select_n3A_516 = arith.select %and3A_513, %sub3A_506, %broadcast_in_dim3A_515 : vector<16xi1>, vector<16xi32>
    %add3A_517 = arith.constant 64 : i32
    %add3A_518 = vector.broadcast %add3A_517 : i32 to vector<16xi32>
    %add3A_519 = arith.addi %add3A_518, %iota3A : vector<16xi32>
    %gather3A_520 = tpu.vector_load_idx %arg9[%select_n3A_516, %add3A_519] : memref<128x256xf32, #tpu.memory_space<vmem>>[vector<16xi32>, vector<16xi32>], vector<16xf32>,
    %jit3A_521 = arith.constant 0.000000e+00 : f32
    %broadcast_in_dim3A_522 = vector.broadcast %jit3A_521 : f32 to vector<16xf32>
    %select_n3A_523 = arith.select %and3A_513, %gather3A_520, %broadcast_in_dim3A_522 : vector<16xi1>, vector<16xf32>
    %add3A_524 = arith.addf %add3A_501, %select_n3A_523 : vector<16xf32>
    %get3A_525 = arith.constant 336 : index
    %get3A_526 = tpu.vector_load %arg7[%get3A_525] {strides = array<i32>} : memref<512xi32, #tpu.memory_space<vmem>>, vector<16xi32>,
    %sub3A_527 = arith.constant 896 : i32
    %sub3A_528 = vector.broadcast %sub3A_527 : i32 to vector<16xi32>
    %sub3A_529 = arith.subi %get3A_526, %sub3A_528 : vector<16xi32>
    %ge3A_530 = arith.constant 0 : i32
    %ge3A_531 = vector.broadcast %ge3A_530 : i32 to vector<16xi32>
    %ge3A_532 = arith.cmpi sge, %sub3A_529, %ge3A_531 : vector<16xi32>
    %lt3A_533 = arith.constant 104 : i32
    %lt3A_534 = vector.broadcast %lt3A_533 : i32 to vector<16xi32>
    %lt3A_535 = arith.cmpi slt, %sub3A_529, %lt3A_534 : vector<16xi32>
    %and3A_536 = arith.andi %ge3A_532, %lt3A_535 : vector<16xi1>
    %jit3A_537 = arith.constant 0 : i32
    %broadcast_in_dim3A_538 = vector.broadcast %jit3A_537 : i32 to vector<16xi32>
    %select_n3A_539 = arith.select %and3A_536, %sub3A_529, %broadcast_in_dim3A_538 : vector<16xi1>, vector<16xi32>
    %add3A_540 = arith.constant 80 : i32
    %add3A_541 = vector.broadcast %add3A_540 : i32 to vector<16xi32>
    %add3A_542 = arith.addi %add3A_541, %iota3A : vector<16xi32>
    %gather3A_543 = tpu.vector_load_idx %arg9[%select_n3A_539, %add3A_542] : memref<128x256xf32, #tpu.memory_space<vmem>>[vector<16xi32>, vector<16xi32>], vector<16xf32>,
    %jit3A_544 = arith.constant 0.000000e+00 : f32
    %broadcast_in_dim3A_545 = vector.broadcast %jit3A_544 : f32 to vector<16xf32>
    %select_n3A_546 = arith.select %and3A_536, %gather3A_543, %broadcast_in_dim3A_545 : vector<16xi1>, vector<16xf32>
    %add3A_547 = arith.addf %add3A_524, %select_n3A_546 : vector<16xf32>
    %get3A_548 = arith.constant 352 : index
    %get3A_549 = tpu.vector_load %arg7[%get3A_548] {strides = array<i32>} : memref<512xi32, #tpu.memory_space<vmem>>, vector<16xi32>,
    %sub3A_550 = arith.constant 896 : i32
    %sub3A_551 = vector.broadcast %sub3A_550 : i32 to vector<16xi32>
    %sub3A_552 = arith.subi %get3A_549, %sub3A_551 : vector<16xi32>
    %ge3A_553 = arith.constant 0 : i32
    %ge3A_554 = vector.broadcast %ge3A_553 : i32 to vector<16xi32>
    %ge3A_555 = arith.cmpi sge, %sub3A_552, %ge3A_554 : vector<16xi32>
    %lt3A_556 = arith.constant 104 : i32
    %lt3A_557 = vector.broadcast %lt3A_556 : i32 to vector<16xi32>
    %lt3A_558 = arith.cmpi slt, %sub3A_552, %lt3A_557 : vector<16xi32>
    %and3A_559 = arith.andi %ge3A_555, %lt3A_558 : vector<16xi1>
    %jit3A_560 = arith.constant 0 : i32
    %broadcast_in_dim3A_561 = vector.broadcast %jit3A_560 : i32 to vector<16xi32>
    %select_n3A_562 = arith.select %and3A_559, %sub3A_552, %broadcast_in_dim3A_561 : vector<16xi1>, vector<16xi32>
    %add3A_563 = arith.constant 96 : i32
    %add3A_564 = vector.broadcast %add3A_563 : i32 to vector<16xi32>
    %add3A_565 = arith.addi %add3A_564, %iota3A : vector<16xi32>
    %gather3A_566 = tpu.vector_load_idx %arg9[%select_n3A_562, %add3A_565] : memref<128x256xf32, #tpu.memory_space<vmem>>[vector<16xi32>, vector<16xi32>], vector<16xf32>,
    %jit3A_567 = arith.constant 0.000000e+00 : f32
    %broadcast_in_dim3A_568 = vector.broadcast %jit3A_567 : f32 to vector<16xf32>
    %select_n3A_569 = arith.select %and3A_559, %gather3A_566, %broadcast_in_dim3A_568 : vector<16xi1>, vector<16xf32>
    %add3A_570 = arith.addf %add3A_547, %select_n3A_569 : vector<16xf32>
    %get3A_571 = arith.constant 368 : index
    %get3A_572 = tpu.vector_load %arg7[%get3A_571] {strides = array<i32>} : memref<512xi32, #tpu.memory_space<vmem>>, vector<16xi32>,
    %sub3A_573 = arith.constant 896 : i32
    %sub3A_574 = vector.broadcast %sub3A_573 : i32 to vector<16xi32>
    %sub3A_575 = arith.subi %get3A_572, %sub3A_574 : vector<16xi32>
    %ge3A_576 = arith.constant 0 : i32
    %ge3A_577 = vector.broadcast %ge3A_576 : i32 to vector<16xi32>
    %ge3A_578 = arith.cmpi sge, %sub3A_575, %ge3A_577 : vector<16xi32>
    %lt3A_579 = arith.constant 104 : i32
    %lt3A_580 = vector.broadcast %lt3A_579 : i32 to vector<16xi32>
    %lt3A_581 = arith.cmpi slt, %sub3A_575, %lt3A_580 : vector<16xi32>
    %and3A_582 = arith.andi %ge3A_578, %lt3A_581 : vector<16xi1>
    %jit3A_583 = arith.constant 0 : i32
    %broadcast_in_dim3A_584 = vector.broadcast %jit3A_583 : i32 to vector<16xi32>
    %select_n3A_585 = arith.select %and3A_582, %sub3A_575, %broadcast_in_dim3A_584 : vector<16xi1>, vector<16xi32>
    %add3A_586 = arith.constant 112 : i32
    %add3A_587 = vector.broadcast %add3A_586 : i32 to vector<16xi32>
    %add3A_588 = arith.addi %add3A_587, %iota3A : vector<16xi32>
    %gather3A_589 = tpu.vector_load_idx %arg9[%select_n3A_585, %add3A_588] : memref<128x256xf32, #tpu.memory_space<vmem>>[vector<16xi32>, vector<16xi32>], vector<16xf32>,
    %jit3A_590 = arith.constant 0.000000e+00 : f32
    %broadcast_in_dim3A_591 = vector.broadcast %jit3A_590 : f32 to vector<16xf32>
    %select_n3A_592 = arith.select %and3A_582, %gather3A_589, %broadcast_in_dim3A_591 : vector<16xi1>, vector<16xf32>
    %add3A_593 = arith.addf %add3A_570, %select_n3A_592 : vector<16xf32>
    %get3A_594 = arith.constant 384 : index
    %get3A_595 = tpu.vector_load %arg7[%get3A_594] {strides = array<i32>} : memref<512xi32, #tpu.memory_space<vmem>>, vector<16xi32>,
    %sub3A_596 = arith.constant 896 : i32
    %sub3A_597 = vector.broadcast %sub3A_596 : i32 to vector<16xi32>
    %sub3A_598 = arith.subi %get3A_595, %sub3A_597 : vector<16xi32>
    %ge3A_599 = arith.constant 0 : i32
    %ge3A_600 = vector.broadcast %ge3A_599 : i32 to vector<16xi32>
    %ge3A_601 = arith.cmpi sge, %sub3A_598, %ge3A_600 : vector<16xi32>
    %lt3A_602 = arith.constant 104 : i32
    %lt3A_603 = vector.broadcast %lt3A_602 : i32 to vector<16xi32>
    %lt3A_604 = arith.cmpi slt, %sub3A_598, %lt3A_603 : vector<16xi32>
    %and3A_605 = arith.andi %ge3A_601, %lt3A_604 : vector<16xi1>
    %jit3A_606 = arith.constant 0 : i32
    %broadcast_in_dim3A_607 = vector.broadcast %jit3A_606 : i32 to vector<16xi32>
    %select_n3A_608 = arith.select %and3A_605, %sub3A_598, %broadcast_in_dim3A_607 : vector<16xi1>, vector<16xi32>
    %add3A_609 = arith.constant 128 : i32
    %add3A_610 = vector.broadcast %add3A_609 : i32 to vector<16xi32>
    %add3A_611 = arith.addi %add3A_610, %iota3A : vector<16xi32>
    %gather3A_612 = tpu.vector_load_idx %arg9[%select_n3A_608, %add3A_611] : memref<128x256xf32, #tpu.memory_space<vmem>>[vector<16xi32>, vector<16xi32>], vector<16xf32>,
    %jit3A_613 = arith.constant 0.000000e+00 : f32
    %broadcast_in_dim3A_614 = vector.broadcast %jit3A_613 : f32 to vector<16xf32>
    %select_n3A_615 = arith.select %and3A_605, %gather3A_612, %broadcast_in_dim3A_614 : vector<16xi1>, vector<16xf32>
    %add3A_616 = arith.addf %add3A_593, %select_n3A_615 : vector<16xf32>
    %get3A_617 = arith.constant 400 : index
    %get3A_618 = tpu.vector_load %arg7[%get3A_617] {strides = array<i32>} : memref<512xi32, #tpu.memory_space<vmem>>, vector<16xi32>,
    %sub3A_619 = arith.constant 896 : i32
    %sub3A_620 = vector.broadcast %sub3A_619 : i32 to vector<16xi32>
    %sub3A_621 = arith.subi %get3A_618, %sub3A_620 : vector<16xi32>
    %ge3A_622 = arith.constant 0 : i32
    %ge3A_623 = vector.broadcast %ge3A_622 : i32 to vector<16xi32>
    %ge3A_624 = arith.cmpi sge, %sub3A_621, %ge3A_623 : vector<16xi32>
    %lt3A_625 = arith.constant 104 : i32
    %lt3A_626 = vector.broadcast %lt3A_625 : i32 to vector<16xi32>
    %lt3A_627 = arith.cmpi slt, %sub3A_621, %lt3A_626 : vector<16xi32>
    %and3A_628 = arith.andi %ge3A_624, %lt3A_627 : vector<16xi1>
    %jit3A_629 = arith.constant 0 : i32
    %broadcast_in_dim3A_630 = vector.broadcast %jit3A_629 : i32 to vector<16xi32>
    %select_n3A_631 = arith.select %and3A_628, %sub3A_621, %broadcast_in_dim3A_630 : vector<16xi1>, vector<16xi32>
    %add3A_632 = arith.constant 144 : i32
    %add3A_633 = vector.broadcast %add3A_632 : i32 to vector<16xi32>
    %add3A_634 = arith.addi %add3A_633, %iota3A : vector<16xi32>
    %gather3A_635 = tpu.vector_load_idx %arg9[%select_n3A_631, %add3A_634] : memref<128x256xf32, #tpu.memory_space<vmem>>[vector<16xi32>, vector<16xi32>], vector<16xf32>,
    %jit3A_636 = arith.constant 0.000000e+00 : f32
    %broadcast_in_dim3A_637 = vector.broadcast %jit3A_636 : f32 to vector<16xf32>
    %select_n3A_638 = arith.select %and3A_628, %gather3A_635, %broadcast_in_dim3A_637 : vector<16xi1>, vector<16xf32>
    %add3A_639 = arith.addf %add3A_616, %select_n3A_638 : vector<16xf32>
    %get3A_640 = arith.constant 416 : index
    %get3A_641 = tpu.vector_load %arg7[%get3A_640] {strides = array<i32>} : memref<512xi32, #tpu.memory_space<vmem>>, vector<16xi32>,
    %sub3A_642 = arith.constant 896 : i32
    %sub3A_643 = vector.broadcast %sub3A_642 : i32 to vector<16xi32>
    %sub3A_644 = arith.subi %get3A_641, %sub3A_643 : vector<16xi32>
    %ge3A_645 = arith.constant 0 : i32
    %ge3A_646 = vector.broadcast %ge3A_645 : i32 to vector<16xi32>
    %ge3A_647 = arith.cmpi sge, %sub3A_644, %ge3A_646 : vector<16xi32>
    %lt3A_648 = arith.constant 104 : i32
    %lt3A_649 = vector.broadcast %lt3A_648 : i32 to vector<16xi32>
    %lt3A_650 = arith.cmpi slt, %sub3A_644, %lt3A_649 : vector<16xi32>
    %and3A_651 = arith.andi %ge3A_647, %lt3A_650 : vector<16xi1>
    %jit3A_652 = arith.constant 0 : i32
    %broadcast_in_dim3A_653 = vector.broadcast %jit3A_652 : i32 to vector<16xi32>
    %select_n3A_654 = arith.select %and3A_651, %sub3A_644, %broadcast_in_dim3A_653 : vector<16xi1>, vector<16xi32>
    %add3A_655 = arith.constant 160 : i32
    %add3A_656 = vector.broadcast %add3A_655 : i32 to vector<16xi32>
    %add3A_657 = arith.addi %add3A_656, %iota3A : vector<16xi32>
    %gather3A_658 = tpu.vector_load_idx %arg9[%select_n3A_654, %add3A_657] : memref<128x256xf32, #tpu.memory_space<vmem>>[vector<16xi32>, vector<16xi32>], vector<16xf32>,
    %jit3A_659 = arith.constant 0.000000e+00 : f32
    %broadcast_in_dim3A_660 = vector.broadcast %jit3A_659 : f32 to vector<16xf32>
    %select_n3A_661 = arith.select %and3A_651, %gather3A_658, %broadcast_in_dim3A_660 : vector<16xi1>, vector<16xf32>
    %add3A_662 = arith.addf %add3A_639, %select_n3A_661 : vector<16xf32>
    %get3A_663 = arith.constant 432 : index
    %get3A_664 = tpu.vector_load %arg7[%get3A_663] {strides = array<i32>} : memref<512xi32, #tpu.memory_space<vmem>>, vector<16xi32>,
    %sub3A_665 = arith.constant 896 : i32
    %sub3A_666 = vector.broadcast %sub3A_665 : i32 to vector<16xi32>
    %sub3A_667 = arith.subi %get3A_664, %sub3A_666 : vector<16xi32>
    %ge3A_668 = arith.constant 0 : i32
    %ge3A_669 = vector.broadcast %ge3A_668 : i32 to vector<16xi32>
    %ge3A_670 = arith.cmpi sge, %sub3A_667, %ge3A_669 : vector<16xi32>
    %lt3A_671 = arith.constant 104 : i32
    %lt3A_672 = vector.broadcast %lt3A_671 : i32 to vector<16xi32>
    %lt3A_673 = arith.cmpi slt, %sub3A_667, %lt3A_672 : vector<16xi32>
    %and3A_674 = arith.andi %ge3A_670, %lt3A_673 : vector<16xi1>
    %jit3A_675 = arith.constant 0 : i32
    %broadcast_in_dim3A_676 = vector.broadcast %jit3A_675 : i32 to vector<16xi32>
    %select_n3A_677 = arith.select %and3A_674, %sub3A_667, %broadcast_in_dim3A_676 : vector<16xi1>, vector<16xi32>
    %add3A_678 = arith.constant 176 : i32
    %add3A_679 = vector.broadcast %add3A_678 : i32 to vector<16xi32>
    %add3A_680 = arith.addi %add3A_679, %iota3A : vector<16xi32>
    %gather3A_681 = tpu.vector_load_idx %arg9[%select_n3A_677, %add3A_680] : memref<128x256xf32, #tpu.memory_space<vmem>>[vector<16xi32>, vector<16xi32>], vector<16xf32>,
    %jit3A_682 = arith.constant 0.000000e+00 : f32
    %broadcast_in_dim3A_683 = vector.broadcast %jit3A_682 : f32 to vector<16xf32>
    %select_n3A_684 = arith.select %and3A_674, %gather3A_681, %broadcast_in_dim3A_683 : vector<16xi1>, vector<16xf32>
    %add3A_685 = arith.addf %add3A_662, %select_n3A_684 : vector<16xf32>
    %get3A_686 = arith.constant 448 : index
    %get3A_687 = tpu.vector_load %arg7[%get3A_686] {strides = array<i32>} : memref<512xi32, #tpu.memory_space<vmem>>, vector<16xi32>,
    %sub3A_688 = arith.constant 896 : i32
    %sub3A_689 = vector.broadcast %sub3A_688 : i32 to vector<16xi32>
    %sub3A_690 = arith.subi %get3A_687, %sub3A_689 : vector<16xi32>
    %ge3A_691 = arith.constant 0 : i32
    %ge3A_692 = vector.broadcast %ge3A_691 : i32 to vector<16xi32>
    %ge3A_693 = arith.cmpi sge, %sub3A_690, %ge3A_692 : vector<16xi32>
    %lt3A_694 = arith.constant 104 : i32
    %lt3A_695 = vector.broadcast %lt3A_694 : i32 to vector<16xi32>
    %lt3A_696 = arith.cmpi slt, %sub3A_690, %lt3A_695 : vector<16xi32>
    %and3A_697 = arith.andi %ge3A_693, %lt3A_696 : vector<16xi1>
    %jit3A_698 = arith.constant 0 : i32
    %broadcast_in_dim3A_699 = vector.broadcast %jit3A_698 : i32 to vector<16xi32>
    %select_n3A_700 = arith.select %and3A_697, %sub3A_690, %broadcast_in_dim3A_699 : vector<16xi1>, vector<16xi32>
    %add3A_701 = arith.constant 192 : i32
    %add3A_702 = vector.broadcast %add3A_701 : i32 to vector<16xi32>
    %add3A_703 = arith.addi %add3A_702, %iota3A : vector<16xi32>
    %gather3A_704 = tpu.vector_load_idx %arg9[%select_n3A_700, %add3A_703] : memref<128x256xf32, #tpu.memory_space<vmem>>[vector<16xi32>, vector<16xi32>], vector<16xf32>,
    %jit3A_705 = arith.constant 0.000000e+00 : f32
    %broadcast_in_dim3A_706 = vector.broadcast %jit3A_705 : f32 to vector<16xf32>
    %select_n3A_707 = arith.select %and3A_697, %gather3A_704, %broadcast_in_dim3A_706 : vector<16xi1>, vector<16xf32>
    %add3A_708 = arith.addf %add3A_685, %select_n3A_707 : vector<16xf32>
    %get3A_709 = arith.constant 464 : index
    %get3A_710 = tpu.vector_load %arg7[%get3A_709] {strides = array<i32>} : memref<512xi32, #tpu.memory_space<vmem>>, vector<16xi32>,
    %sub3A_711 = arith.constant 896 : i32
    %sub3A_712 = vector.broadcast %sub3A_711 : i32 to vector<16xi32>
    %sub3A_713 = arith.subi %get3A_710, %sub3A_712 : vector<16xi32>
    %ge3A_714 = arith.constant 0 : i32
    %ge3A_715 = vector.broadcast %ge3A_714 : i32 to vector<16xi32>
    %ge3A_716 = arith.cmpi sge, %sub3A_713, %ge3A_715 : vector<16xi32>
    %lt3A_717 = arith.constant 104 : i32
    %lt3A_718 = vector.broadcast %lt3A_717 : i32 to vector<16xi32>
    %lt3A_719 = arith.cmpi slt, %sub3A_713, %lt3A_718 : vector<16xi32>
    %and3A_720 = arith.andi %ge3A_716, %lt3A_719 : vector<16xi1>
    %jit3A_721 = arith.constant 0 : i32
    %broadcast_in_dim3A_722 = vector.broadcast %jit3A_721 : i32 to vector<16xi32>
    %select_n3A_723 = arith.select %and3A_720, %sub3A_713, %broadcast_in_dim3A_722 : vector<16xi1>, vector<16xi32>
    %add3A_724 = arith.constant 208 : i32
    %add3A_725 = vector.broadcast %add3A_724 : i32 to vector<16xi32>
    %add3A_726 = arith.addi %add3A_725, %iota3A : vector<16xi32>
    %gather3A_727 = tpu.vector_load_idx %arg9[%select_n3A_723, %add3A_726] : memref<128x256xf32, #tpu.memory_space<vmem>>[vector<16xi32>, vector<16xi32>], vector<16xf32>,
    %jit3A_728 = arith.constant 0.000000e+00 : f32
    %broadcast_in_dim3A_729 = vector.broadcast %jit3A_728 : f32 to vector<16xf32>
    %select_n3A_730 = arith.select %and3A_720, %gather3A_727, %broadcast_in_dim3A_729 : vector<16xi1>, vector<16xf32>
    %add3A_731 = arith.addf %add3A_708, %select_n3A_730 : vector<16xf32>
    %get3A_732 = arith.constant 480 : index
    %get3A_733 = tpu.vector_load %arg7[%get3A_732] {strides = array<i32>} : memref<512xi32, #tpu.memory_space<vmem>>, vector<16xi32>,
    %sub3A_734 = arith.constant 896 : i32
    %sub3A_735 = vector.broadcast %sub3A_734 : i32 to vector<16xi32>
    %sub3A_736 = arith.subi %get3A_733, %sub3A_735 : vector<16xi32>
    %ge3A_737 = arith.constant 0 : i32
    %ge3A_738 = vector.broadcast %ge3A_737 : i32 to vector<16xi32>
    %ge3A_739 = arith.cmpi sge, %sub3A_736, %ge3A_738 : vector<16xi32>
    %lt3A_740 = arith.constant 104 : i32
    %lt3A_741 = vector.broadcast %lt3A_740 : i32 to vector<16xi32>
    %lt3A_742 = arith.cmpi slt, %sub3A_736, %lt3A_741 : vector<16xi32>
    %and3A_743 = arith.andi %ge3A_739, %lt3A_742 : vector<16xi1>
    %jit3A_744 = arith.constant 0 : i32
    %broadcast_in_dim3A_745 = vector.broadcast %jit3A_744 : i32 to vector<16xi32>
    %select_n3A_746 = arith.select %and3A_743, %sub3A_736, %broadcast_in_dim3A_745 : vector<16xi1>, vector<16xi32>
    %add3A_747 = arith.constant 224 : i32
    %add3A_748 = vector.broadcast %add3A_747 : i32 to vector<16xi32>
    %add3A_749 = arith.addi %add3A_748, %iota3A : vector<16xi32>
    %gather3A_750 = tpu.vector_load_idx %arg9[%select_n3A_746, %add3A_749] : memref<128x256xf32, #tpu.memory_space<vmem>>[vector<16xi32>, vector<16xi32>], vector<16xf32>,
    %jit3A_751 = arith.constant 0.000000e+00 : f32
    %broadcast_in_dim3A_752 = vector.broadcast %jit3A_751 : f32 to vector<16xf32>
    %select_n3A_753 = arith.select %and3A_743, %gather3A_750, %broadcast_in_dim3A_752 : vector<16xi1>, vector<16xf32>
    %add3A_754 = arith.addf %add3A_731, %select_n3A_753 : vector<16xf32>
    %get3A_755 = arith.constant 496 : index
    %get3A_756 = tpu.vector_load %arg7[%get3A_755] {strides = array<i32>} : memref<512xi32, #tpu.memory_space<vmem>>, vector<16xi32>,
    %sub3A_757 = arith.constant 896 : i32
    %sub3A_758 = vector.broadcast %sub3A_757 : i32 to vector<16xi32>
    %sub3A_759 = arith.subi %get3A_756, %sub3A_758 : vector<16xi32>
    %ge3A_760 = arith.constant 0 : i32
    %ge3A_761 = vector.broadcast %ge3A_760 : i32 to vector<16xi32>
    %ge3A_762 = arith.cmpi sge, %sub3A_759, %ge3A_761 : vector<16xi32>
    %lt3A_763 = arith.constant 104 : i32
    %lt3A_764 = vector.broadcast %lt3A_763 : i32 to vector<16xi32>
    %lt3A_765 = arith.cmpi slt, %sub3A_759, %lt3A_764 : vector<16xi32>
    %and3A_766 = arith.andi %ge3A_762, %lt3A_765 : vector<16xi1>
    %jit3A_767 = arith.constant 0 : i32
    %broadcast_in_dim3A_768 = vector.broadcast %jit3A_767 : i32 to vector<16xi32>
    %select_n3A_769 = arith.select %and3A_766, %sub3A_759, %broadcast_in_dim3A_768 : vector<16xi1>, vector<16xi32>
    %add3A_770 = arith.constant 240 : i32
    %add3A_771 = vector.broadcast %add3A_770 : i32 to vector<16xi32>
    %add3A_772 = arith.addi %add3A_771, %iota3A : vector<16xi32>
    %gather3A_773 = tpu.vector_load_idx %arg9[%select_n3A_769, %add3A_772] : memref<128x256xf32, #tpu.memory_space<vmem>>[vector<16xi32>, vector<16xi32>], vector<16xf32>,
    %jit3A_774 = arith.constant 0.000000e+00 : f32
    %broadcast_in_dim3A_775 = vector.broadcast %jit3A_774 : f32 to vector<16xf32>
    %select_n3A_776 = arith.select %and3A_766, %gather3A_773, %broadcast_in_dim3A_775 : vector<16xi1>, vector<16xf32>
    %add3A_777 = arith.addf %add3A_754, %select_n3A_776 : vector<16xf32>
    %add3A_778 = arith.constant 0 : i32
    %add3A_779 = arith.addi %mul3A_2, %add3A_778 : i32
    %dma_start3A_780 = arith.constant 0 : i32
    %dma_start3A_781 = tpu.memref_slice %arg2[%add3A_779, %dma_start3A_780] : memref<16384x128xf32, #tpu.memory_space<hbm>> -> memref<64x128xf32, #tpu.memory_space<hbm>>
    %dma_start3A_782 = arith.constant 0 : i32
    %dma_start3A_783 = tpu.memref_slice %arg2[%add3A_779, %dma_start3A_782] : memref<16384x128xf32, #tpu.memory_space<hbm>> -> memref<64x128xf32, #tpu.memory_space<hbm>>
    tpu.enqueue_dma source(%dma_start3A_783 : memref<64x128xf32, #tpu.memory_space<hbm>>) target(%arg10 : memref<64x128xf32, #tpu.memory_space<vmem>>) target_semaphore(%arg17 : memref<!tpu.dma_semaphore, #tpu.memory_space<semaphore_mem>>)
    %dma_start3A_784 = arith.constant 0 : i32
    %dma_start3A_785 = tpu.memref_slice %arg7[%dma_start3A_784] : memref<512xi32, #tpu.memory_space<vmem>> -> memref<64xi32, #tpu.memory_space<vmem>>
    %dma_start3A_786 = arith.constant 0 : i32
    %dma_start3A_787 = arith.constant 0 : i32
    %dma_start3A_788 = tpu.memref_slice %arg5[%dma_start3A_786, %dma_start3A_787] : memref<1000x128xf32, #tpu.memory_space<hbm>> -> memref<1000x128xf32, #tpu.memory_space<hbm>>
    tpu.enqueue_indirect_dma source(%dma_start3A_788 : memref<1000x128xf32, #tpu.memory_space<hbm>>) target(%arg12 : memref<64x128xf32, #tpu.memory_space<vmem>>) offsets(%dma_start3A_785 : memref<64xi32, #tpu.memory_space<vmem>>) semaphore(%arg19 : memref<!tpu.dma_semaphore, #tpu.memory_space<semaphore_mem>>)
    %broadcast_in_dim3A_789 = arith.constant 0.000000e+00 : f32
    %broadcast_in_dim3A_790 = vector.broadcast %broadcast_in_dim3A_789 : f32 to vector<16xf32>
    %add3A_791 = arith.constant 64 : i32
    %add3A_792 = arith.addi %mul3A_2, %add3A_791 : i32
    %dma_start3A_793 = arith.constant 0 : i32
    %dma_start3A_794 = tpu.memref_slice %arg2[%add3A_792, %dma_start3A_793] : memref<16384x128xf32, #tpu.memory_space<hbm>> -> memref<64x128xf32, #tpu.memory_space<hbm>>
    %dma_start3A_795 = arith.constant 0 : i32
    %dma_start3A_796 = tpu.memref_slice %arg2[%add3A_792, %dma_start3A_795] : memref<16384x128xf32, #tpu.memory_space<hbm>> -> memref<64x128xf32, #tpu.memory_space<hbm>>
    tpu.enqueue_dma source(%dma_start3A_796 : memref<64x128xf32, #tpu.memory_space<hbm>>) target(%arg11 : memref<64x128xf32, #tpu.memory_space<vmem>>) target_semaphore(%arg18 : memref<!tpu.dma_semaphore, #tpu.memory_space<semaphore_mem>>)
    %dma_start3A_797 = arith.constant 64 : i32
    %dma_start3A_798 = tpu.memref_slice %arg7[%dma_start3A_797] : memref<512xi32, #tpu.memory_space<vmem>> -> memref<64xi32, #tpu.memory_space<vmem>>
    %dma_start3A_799 = arith.constant 0 : i32
    %dma_start3A_800 = arith.constant 0 : i32
    %dma_start3A_801 = tpu.memref_slice %arg5[%dma_start3A_799, %dma_start3A_800] : memref<1000x128xf32, #tpu.memory_space<hbm>> -> memref<1000x128xf32, #tpu.memory_space<hbm>>
    tpu.enqueue_indirect_dma source(%dma_start3A_801 : memref<1000x128xf32, #tpu.memory_space<hbm>>) target(%arg13 : memref<64x128xf32, #tpu.memory_space<vmem>>) offsets(%dma_start3A_798 : memref<64xi32, #tpu.memory_space<vmem>>) semaphore(%arg20 : memref<!tpu.dma_semaphore, #tpu.memory_space<semaphore_mem>>)
    %add3A_802 = arith.constant 0 : i32
    %add3A_803 = arith.addi %mul3A_2, %add3A_802 : i32
    %dma_wait3A_804 = arith.constant 0 : i32
    %dma_wait3A_805 = tpu.memref_slice %arg2[%add3A_803, %dma_wait3A_804] : memref<16384x128xf32, #tpu.memory_space<hbm>> -> memref<64x128xf32, #tpu.memory_space<hbm>>
    %dma_wait3A_806 = arith.constant 0 : i32
    %dma_wait3A_807 = tpu.memref_slice %arg2[%add3A_803, %dma_wait3A_806] : memref<16384x128xf32, #tpu.memory_space<hbm>> -> memref<64x128xf32, #tpu.memory_space<hbm>>
    tpu.wait_dma2 semaphore(%arg17 : memref<!tpu.dma_semaphore, #tpu.memory_space<semaphore_mem>>) src(%dma_wait3A_807 : memref<64x128xf32, #tpu.memory_space<hbm>>) dst(%arg10 : memref<64x128xf32, #tpu.memory_space<vmem>>)
    %dma_wait3A_808 = arith.constant 0 : i32
    %dma_wait3A_809 = tpu.memref_slice %arg7[%dma_wait3A_808] : memref<512xi32, #tpu.memory_space<vmem>> -> memref<64xi32, #tpu.memory_space<vmem>>
    %dma_wait3A_810 = arith.constant 0 : i32
    %dma_wait3A_811 = arith.constant 0 : i32
    %dma_wait3A_812 = tpu.memref_slice %arg5[%dma_wait3A_810, %dma_wait3A_811] : memref<1000x128xf32, #tpu.memory_space<hbm>> -> memref<1000x128xf32, #tpu.memory_space<hbm>>
    tpu.wait_indirect_dma semaphore(%arg19 : memref<!tpu.dma_semaphore, #tpu.memory_space<semaphore_mem>>) src(%dma_wait3A_812 : memref<1000x128xf32, #tpu.memory_space<hbm>>) dst(%arg12 : memref<64x128xf32, #tpu.memory_space<vmem>>)
    %scan3A = arith.constant 0 : i32
    %scan3A_813 = arith.constant 64 : i32
    %scan3A_814 = arith.addi %scan3A, %scan3A_813 : i32
    %scan3A_815 = arith.constant 1 : i32
    %scan3A_816 = scf.for %scan3A_1008 = %scan3A to %scan3A_814 step %scan3A_815 iter_args(%scan3A_1009 = %broadcast_in_dim3A_790) -> (vector<16xf32>)  : i32 {
      %get3A_1010 = arith.index_cast %scan3A_1008 : i32 to index
      %get3A_1011 = arith.constant 0 : index
      %get3A_1012 = tpu.vector_load %arg10[%get3A_1010, %get3A_1011] {strides = array<i32>} : memref<64x128xf32, #tpu.memory_space<vmem>>, vector<16xf32>,
      %get3A_1013 = arith.index_cast %scan3A_1008 : i32 to index
      %get3A_1014 = arith.constant 0 : index
      %get3A_1015 = tpu.vector_load %arg12[%get3A_1013, %get3A_1014] {strides = array<i32>} : memref<64x128xf32, #tpu.memory_space<vmem>>, vector<16xf32>,
      %sub3A_1016 = arith.subf %get3A_1012, %get3A_1015 : vector<16xf32>
      %mul3A_1017 = arith.mulf %sub3A_1016, %sub3A_1016 : vector<16xf32>
      %add3A_1018 = arith.addf %scan3A_1009, %mul3A_1017 : vector<16xf32>
      %get3A_1019 = arith.index_cast %scan3A_1008 : i32 to index
      %get3A_1020 = arith.constant 16 : index
      %get3A_1021 = tpu.vector_load %arg10[%get3A_1019, %get3A_1020] {strides = array<i32>} : memref<64x128xf32, #tpu.memory_space<vmem>>, vector<16xf32>,
      %get3A_1022 = arith.index_cast %scan3A_1008 : i32 to index
      %get3A_1023 = arith.constant 16 : index
      %get3A_1024 = tpu.vector_load %arg12[%get3A_1022, %get3A_1023] {strides = array<i32>} : memref<64x128xf32, #tpu.memory_space<vmem>>, vector<16xf32>,
      %sub3A_1025 = arith.subf %get3A_1021, %get3A_1024 : vector<16xf32>
      %mul3A_1026 = arith.mulf %sub3A_1025, %sub3A_1025 : vector<16xf32>
      %add3A_1027 = arith.addf %add3A_1018, %mul3A_1026 : vector<16xf32>
      %get3A_1028 = arith.index_cast %scan3A_1008 : i32 to index
      %get3A_1029 = arith.constant 32 : index
      %get3A_1030 = tpu.vector_load %arg10[%get3A_1028, %get3A_1029] {strides = array<i32>} : memref<64x128xf32, #tpu.memory_space<vmem>>, vector<16xf32>,
      %get3A_1031 = arith.index_cast %scan3A_1008 : i32 to index
      %get3A_1032 = arith.constant 32 : index
      %get3A_1033 = tpu.vector_load %arg12[%get3A_1031, %get3A_1032] {strides = array<i32>} : memref<64x128xf32, #tpu.memory_space<vmem>>, vector<16xf32>,
      %sub3A_1034 = arith.subf %get3A_1030, %get3A_1033 : vector<16xf32>
      %mul3A_1035 = arith.mulf %sub3A_1034, %sub3A_1034 : vector<16xf32>
      %add3A_1036 = arith.addf %add3A_1027, %mul3A_1035 : vector<16xf32>
      %get3A_1037 = arith.index_cast %scan3A_1008 : i32 to index
      %get3A_1038 = arith.constant 48 : index
      %get3A_1039 = tpu.vector_load %arg10[%get3A_1037, %get3A_1038] {strides = array<i32>} : memref<64x128xf32, #tpu.memory_space<vmem>>, vector<16xf32>,
      %get3A_1040 = arith.index_cast %scan3A_1008 : i32 to index
      %get3A_1041 = arith.constant 48 : index
      %get3A_1042 = tpu.vector_load %arg12[%get3A_1040, %get3A_1041] {strides = array<i32>} : memref<64x128xf32, #tpu.memory_space<vmem>>, vector<16xf32>,
      %sub3A_1043 = arith.subf %get3A_1039, %get3A_1042 : vector<16xf32>
      %mul3A_1044 = arith.mulf %sub3A_1043, %sub3A_1043 : vector<16xf32>
      %add3A_1045 = arith.addf %add3A_1036, %mul3A_1044 : vector<16xf32>
      %get3A_1046 = arith.index_cast %scan3A_1008 : i32 to index
      %get3A_1047 = arith.constant 64 : index
      %get3A_1048 = tpu.vector_load %arg10[%get3A_1046, %get3A_1047] {strides = array<i32>} : memref<64x128xf32, #tpu.memory_space<vmem>>, vector<16xf32>,
      %get3A_1049 = arith.index_cast %scan3A_1008 : i32 to index
      %get3A_1050 = arith.constant 64 : index
      %get3A_1051 = tpu.vector_load %arg12[%get3A_1049, %get3A_1050] {strides = array<i32>} : memref<64x128xf32, #tpu.memory_space<vmem>>, vector<16xf32>,
      %sub3A_1052 = arith.subf %get3A_1048, %get3A_1051 : vector<16xf32>
      %mul3A_1053 = arith.mulf %sub3A_1052, %sub3A_1052 : vector<16xf32>
      %add3A_1054 = arith.addf %add3A_1045, %mul3A_1053 : vector<16xf32>
      %get3A_1055 = arith.index_cast %scan3A_1008 : i32 to index
      %get3A_1056 = arith.constant 80 : index
      %get3A_1057 = tpu.vector_load %arg10[%get3A_1055, %get3A_1056] {strides = array<i32>} : memref<64x128xf32, #tpu.memory_space<vmem>>, vector<16xf32>,
      %get3A_1058 = arith.index_cast %scan3A_1008 : i32 to index
      %get3A_1059 = arith.constant 80 : index
      %get3A_1060 = tpu.vector_load %arg12[%get3A_1058, %get3A_1059] {strides = array<i32>} : memref<64x128xf32, #tpu.memory_space<vmem>>, vector<16xf32>,
      %sub3A_1061 = arith.subf %get3A_1057, %get3A_1060 : vector<16xf32>
      %mul3A_1062 = arith.mulf %sub3A_1061, %sub3A_1061 : vector<16xf32>
      %add3A_1063 = arith.addf %add3A_1054, %mul3A_1062 : vector<16xf32>
      %get3A_1064 = arith.index_cast %scan3A_1008 : i32 to index
      %get3A_1065 = arith.constant 96 : index
      %get3A_1066 = tpu.vector_load %arg10[%get3A_1064, %get3A_1065] {strides = array<i32>} : memref<64x128xf32, #tpu.memory_space<vmem>>, vector<16xf32>,
      %get3A_1067 = arith.index_cast %scan3A_1008 : i32 to index
      %get3A_1068 = arith.constant 96 : index
      %get3A_1069 = tpu.vector_load %arg12[%get3A_1067, %get3A_1068] {strides = array<i32>} : memref<64x128xf32, #tpu.memory_space<vmem>>, vector<16xf32>,
      %sub3A_1070 = arith.subf %get3A_1066, %get3A_1069 : vector<16xf32>
      %mul3A_1071 = arith.mulf %sub3A_1070, %sub3A_1070 : vector<16xf32>
      %add3A_1072 = arith.addf %add3A_1063, %mul3A_1071 : vector<16xf32>
      %get3A_1073 = arith.index_cast %scan3A_1008 : i32 to index
      %get3A_1074 = arith.constant 112 : index
      %get3A_1075 = tpu.vector_load %arg10[%get3A_1073, %get3A_1074] {strides = array<i32>} : memref<64x128xf32, #tpu.memory_space<vmem>>, vector<16xf32>,
      %get3A_1076 = arith.index_cast %scan3A_1008 : i32 to index
      %get3A_1077 = arith.constant 112 : index
      %get3A_1078 = tpu.vector_load %arg12[%get3A_1076, %get3A_1077] {strides = array<i32>} : memref<64x128xf32, #tpu.memory_space<vmem>>, vector<16xf32>,
      %sub3A_1079 = arith.subf %get3A_1075, %get3A_1078 : vector<16xf32>
      %mul3A_1080 = arith.mulf %sub3A_1079, %sub3A_1079 : vector<16xf32>
      %add3A_1081 = arith.addf %add3A_1072, %mul3A_1080 : vector<16xf32>
      scf.yield %add3A_1081 : vector<16xf32>
    }
    %scan3A_817 = arith.constant 64 : i32
    %add3A_818 = arith.constant 128 : i32
    %add3A_819 = arith.addi %mul3A_2, %add3A_818 : i32
    %dma_start3A_820 = arith.constant 0 : i32
    %dma_start3A_821 = tpu.memref_slice %arg2[%add3A_819, %dma_start3A_820] : memref<16384x128xf32, #tpu.memory_space<hbm>> -> memref<64x128xf32, #tpu.memory_space<hbm>>
    %dma_start3A_822 = arith.constant 0 : i32
    %dma_start3A_823 = tpu.memref_slice %arg2[%add3A_819, %dma_start3A_822] : memref<16384x128xf32, #tpu.memory_space<hbm>> -> memref<64x128xf32, #tpu.memory_space<hbm>>
    tpu.enqueue_dma source(%dma_start3A_823 : memref<64x128xf32, #tpu.memory_space<hbm>>) target(%arg10 : memref<64x128xf32, #tpu.memory_space<vmem>>) target_semaphore(%arg17 : memref<!tpu.dma_semaphore, #tpu.memory_space<semaphore_mem>>)
    %dma_start3A_824 = arith.constant 128 : i32
    %dma_start3A_825 = tpu.memref_slice %arg7[%dma_start3A_824] : memref<512xi32, #tpu.memory_space<vmem>> -> memref<64xi32, #tpu.memory_space<vmem>>
    %dma_start3A_826 = arith.constant 0 : i32
    %dma_start3A_827 = arith.constant 0 : i32
    %dma_start3A_828 = tpu.memref_slice %arg5[%dma_start3A_826, %dma_start3A_827] : memref<1000x128xf32, #tpu.memory_space<hbm>> -> memref<1000x128xf32, #tpu.memory_space<hbm>>
    tpu.enqueue_indirect_dma source(%dma_start3A_828 : memref<1000x128xf32, #tpu.memory_space<hbm>>) target(%arg12 : memref<64x128xf32, #tpu.memory_space<vmem>>) offsets(%dma_start3A_825 : memref<64xi32, #tpu.memory_space<vmem>>) semaphore(%arg19 : memref<!tpu.dma_semaphore, #tpu.memory_space<semaphore_mem>>)
    %add3A_829 = arith.constant 64 : i32
    %add3A_830 = arith.addi %mul3A_2, %add3A_829 : i32
    %dma_wait3A_831 = arith.constant 0 : i32
    %dma_wait3A_832 = tpu.memref_slice %arg2[%add3A_830, %dma_wait3A_831] : memref<16384x128xf32, #tpu.memory_space<hbm>> -> memref<64x128xf32, #tpu.memory_space<hbm>>
    %dma_wait3A_833 = arith.constant 0 : i32
    %dma_wait3A_834 = tpu.memref_slice %arg2[%add3A_830, %dma_wait3A_833] : memref<16384x128xf32, #tpu.memory_space<hbm>> -> memref<64x128xf32, #tpu.memory_space<hbm>>
    tpu.wait_dma2 semaphore(%arg18 : memref<!tpu.dma_semaphore, #tpu.memory_space<semaphore_mem>>) src(%dma_wait3A_834 : memref<64x128xf32, #tpu.memory_space<hbm>>) dst(%arg11 : memref<64x128xf32, #tpu.memory_space<vmem>>)
    %dma_wait3A_835 = arith.constant 64 : i32
    %dma_wait3A_836 = tpu.memref_slice %arg7[%dma_wait3A_835] : memref<512xi32, #tpu.memory_space<vmem>> -> memref<64xi32, #tpu.memory_space<vmem>>
    %dma_wait3A_837 = arith.constant 0 : i32
    %dma_wait3A_838 = arith.constant 0 : i32
    %dma_wait3A_839 = tpu.memref_slice %arg5[%dma_wait3A_837, %dma_wait3A_838] : memref<1000x128xf32, #tpu.memory_space<hbm>> -> memref<1000x128xf32, #tpu.memory_space<hbm>>
    tpu.wait_indirect_dma semaphore(%arg20 : memref<!tpu.dma_semaphore, #tpu.memory_space<semaphore_mem>>) src(%dma_wait3A_839 : memref<1000x128xf32, #tpu.memory_space<hbm>>) dst(%arg13 : memref<64x128xf32, #tpu.memory_space<vmem>>)
    %scan3A_840 = arith.constant 0 : i32
    %scan3A_841 = arith.constant 64 : i32
    %scan3A_842 = arith.addi %scan3A_840, %scan3A_841 : i32
    %scan3A_843 = arith.constant 1 : i32
    %scan3A_844 = scf.for %scan3A_1008 = %scan3A_840 to %scan3A_842 step %scan3A_843 iter_args(%scan3A_1009 = %scan3A_816) -> (vector<16xf32>)  : i32 {
      %get3A_1010 = arith.index_cast %scan3A_1008 : i32 to index
      %get3A_1011 = arith.constant 0 : index
      %get3A_1012 = tpu.vector_load %arg11[%get3A_1010, %get3A_1011] {strides = array<i32>} : memref<64x128xf32, #tpu.memory_space<vmem>>, vector<16xf32>,
      %get3A_1013 = arith.index_cast %scan3A_1008 : i32 to index
      %get3A_1014 = arith.constant 0 : index
      %get3A_1015 = tpu.vector_load %arg13[%get3A_1013, %get3A_1014] {strides = array<i32>} : memref<64x128xf32, #tpu.memory_space<vmem>>, vector<16xf32>,
      %sub3A_1016 = arith.subf %get3A_1012, %get3A_1015 : vector<16xf32>
      %mul3A_1017 = arith.mulf %sub3A_1016, %sub3A_1016 : vector<16xf32>
      %add3A_1018 = arith.addf %scan3A_1009, %mul3A_1017 : vector<16xf32>
      %get3A_1019 = arith.index_cast %scan3A_1008 : i32 to index
      %get3A_1020 = arith.constant 16 : index
      %get3A_1021 = tpu.vector_load %arg11[%get3A_1019, %get3A_1020] {strides = array<i32>} : memref<64x128xf32, #tpu.memory_space<vmem>>, vector<16xf32>,
      %get3A_1022 = arith.index_cast %scan3A_1008 : i32 to index
      %get3A_1023 = arith.constant 16 : index
      %get3A_1024 = tpu.vector_load %arg13[%get3A_1022, %get3A_1023] {strides = array<i32>} : memref<64x128xf32, #tpu.memory_space<vmem>>, vector<16xf32>,
      %sub3A_1025 = arith.subf %get3A_1021, %get3A_1024 : vector<16xf32>
      %mul3A_1026 = arith.mulf %sub3A_1025, %sub3A_1025 : vector<16xf32>
      %add3A_1027 = arith.addf %add3A_1018, %mul3A_1026 : vector<16xf32>
      %get3A_1028 = arith.index_cast %scan3A_1008 : i32 to index
      %get3A_1029 = arith.constant 32 : index
      %get3A_1030 = tpu.vector_load %arg11[%get3A_1028, %get3A_1029] {strides = array<i32>} : memref<64x128xf32, #tpu.memory_space<vmem>>, vector<16xf32>,
      %get3A_1031 = arith.index_cast %scan3A_1008 : i32 to index
      %get3A_1032 = arith.constant 32 : index
      %get3A_1033 = tpu.vector_load %arg13[%get3A_1031, %get3A_1032] {strides = array<i32>} : memref<64x128xf32, #tpu.memory_space<vmem>>, vector<16xf32>,
      %sub3A_1034 = arith.subf %get3A_1030, %get3A_1033 : vector<16xf32>
      %mul3A_1035 = arith.mulf %sub3A_1034, %sub3A_1034 : vector<16xf32>
      %add3A_1036 = arith.addf %add3A_1027, %mul3A_1035 : vector<16xf32>
      %get3A_1037 = arith.index_cast %scan3A_1008 : i32 to index
      %get3A_1038 = arith.constant 48 : index
      %get3A_1039 = tpu.vector_load %arg11[%get3A_1037, %get3A_1038] {strides = array<i32>} : memref<64x128xf32, #tpu.memory_space<vmem>>, vector<16xf32>,
      %get3A_1040 = arith.index_cast %scan3A_1008 : i32 to index
      %get3A_1041 = arith.constant 48 : index
      %get3A_1042 = tpu.vector_load %arg13[%get3A_1040, %get3A_1041] {strides = array<i32>} : memref<64x128xf32, #tpu.memory_space<vmem>>, vector<16xf32>,
      %sub3A_1043 = arith.subf %get3A_1039, %get3A_1042 : vector<16xf32>
      %mul3A_1044 = arith.mulf %sub3A_1043, %sub3A_1043 : vector<16xf32>
      %add3A_1045 = arith.addf %add3A_1036, %mul3A_1044 : vector<16xf32>
      %get3A_1046 = arith.index_cast %scan3A_1008 : i32 to index
      %get3A_1047 = arith.constant 64 : index
      %get3A_1048 = tpu.vector_load %arg11[%get3A_1046, %get3A_1047] {strides = array<i32>} : memref<64x128xf32, #tpu.memory_space<vmem>>, vector<16xf32>,
      %get3A_1049 = arith.index_cast %scan3A_1008 : i32 to index
      %get3A_1050 = arith.constant 64 : index
      %get3A_1051 = tpu.vector_load %arg13[%get3A_1049, %get3A_1050] {strides = array<i32>} : memref<64x128xf32, #tpu.memory_space<vmem>>, vector<16xf32>,
      %sub3A_1052 = arith.subf %get3A_1048, %get3A_1051 : vector<16xf32>
      %mul3A_1053 = arith.mulf %sub3A_1052, %sub3A_1052 : vector<16xf32>
      %add3A_1054 = arith.addf %add3A_1045, %mul3A_1053 : vector<16xf32>
      %get3A_1055 = arith.index_cast %scan3A_1008 : i32 to index
      %get3A_1056 = arith.constant 80 : index
      %get3A_1057 = tpu.vector_load %arg11[%get3A_1055, %get3A_1056] {strides = array<i32>} : memref<64x128xf32, #tpu.memory_space<vmem>>, vector<16xf32>,
      %get3A_1058 = arith.index_cast %scan3A_1008 : i32 to index
      %get3A_1059 = arith.constant 80 : index
      %get3A_1060 = tpu.vector_load %arg13[%get3A_1058, %get3A_1059] {strides = array<i32>} : memref<64x128xf32, #tpu.memory_space<vmem>>, vector<16xf32>,
      %sub3A_1061 = arith.subf %get3A_1057, %get3A_1060 : vector<16xf32>
      %mul3A_1062 = arith.mulf %sub3A_1061, %sub3A_1061 : vector<16xf32>
      %add3A_1063 = arith.addf %add3A_1054, %mul3A_1062 : vector<16xf32>
      %get3A_1064 = arith.index_cast %scan3A_1008 : i32 to index
      %get3A_1065 = arith.constant 96 : index
      %get3A_1066 = tpu.vector_load %arg11[%get3A_1064, %get3A_1065] {strides = array<i32>} : memref<64x128xf32, #tpu.memory_space<vmem>>, vector<16xf32>,
      %get3A_1067 = arith.index_cast %scan3A_1008 : i32 to index
      %get3A_1068 = arith.constant 96 : index
      %get3A_1069 = tpu.vector_load %arg13[%get3A_1067, %get3A_1068] {strides = array<i32>} : memref<64x128xf32, #tpu.memory_space<vmem>>, vector<16xf32>,
      %sub3A_1070 = arith.subf %get3A_1066, %get3A_1069 : vector<16xf32>
      %mul3A_1071 = arith.mulf %sub3A_1070, %sub3A_1070 : vector<16xf32>
      %add3A_1072 = arith.addf %add3A_1063, %mul3A_1071 : vector<16xf32>
      %get3A_1073 = arith.index_cast %scan3A_1008 : i32 to index
      %get3A_1074 = arith.constant 112 : index
      %get3A_1075 = tpu.vector_load %arg11[%get3A_1073, %get3A_1074] {strides = array<i32>} : memref<64x128xf32, #tpu.memory_space<vmem>>, vector<16xf32>,
      %get3A_1076 = arith.index_cast %scan3A_1008 : i32 to index
      %get3A_1077 = arith.constant 112 : index
      %get3A_1078 = tpu.vector_load %arg13[%get3A_1076, %get3A_1077] {strides = array<i32>} : memref<64x128xf32, #tpu.memory_space<vmem>>, vector<16xf32>,
      %sub3A_1079 = arith.subf %get3A_1075, %get3A_1078 : vector<16xf32>
      %mul3A_1080 = arith.mulf %sub3A_1079, %sub3A_1079 : vector<16xf32>
      %add3A_1081 = arith.addf %add3A_1072, %mul3A_1080 : vector<16xf32>
      scf.yield %add3A_1081 : vector<16xf32>
    }
    %scan3A_845 = arith.constant 64 : i32
    %add3A_846 = arith.constant 192 : i32
    %add3A_847 = arith.addi %mul3A_2, %add3A_846 : i32
    %dma_start3A_848 = arith.constant 0 : i32
    %dma_start3A_849 = tpu.memref_slice %arg2[%add3A_847, %dma_start3A_848] : memref<16384x128xf32, #tpu.memory_space<hbm>> -> memref<64x128xf32, #tpu.memory_space<hbm>>
    %dma_start3A_850 = arith.constant 0 : i32
    %dma_start3A_851 = tpu.memref_slice %arg2[%add3A_847, %dma_start3A_850] : memref<16384x128xf32, #tpu.memory_space<hbm>> -> memref<64x128xf32, #tpu.memory_space<hbm>>
    tpu.enqueue_dma source(%dma_start3A_851 : memref<64x128xf32, #tpu.memory_space<hbm>>) target(%arg11 : memref<64x128xf32, #tpu.memory_space<vmem>>) target_semaphore(%arg18 : memref<!tpu.dma_semaphore, #tpu.memory_space<semaphore_mem>>)
    %dma_start3A_852 = arith.constant 192 : i32
    %dma_start3A_853 = tpu.memref_slice %arg7[%dma_start3A_852] : memref<512xi32, #tpu.memory_space<vmem>> -> memref<64xi32, #tpu.memory_space<vmem>>
    %dma_start3A_854 = arith.constant 0 : i32
    %dma_start3A_855 = arith.constant 0 : i32
    %dma_start3A_856 = tpu.memref_slice %arg5[%dma_start3A_854, %dma_start3A_855] : memref<1000x128xf32, #tpu.memory_space<hbm>> -> memref<1000x128xf32, #tpu.memory_space<hbm>>
    tpu.enqueue_indirect_dma source(%dma_start3A_856 : memref<1000x128xf32, #tpu.memory_space<hbm>>) target(%arg13 : memref<64x128xf32, #tpu.memory_space<vmem>>) offsets(%dma_start3A_853 : memref<64xi32, #tpu.memory_space<vmem>>) semaphore(%arg20 : memref<!tpu.dma_semaphore, #tpu.memory_space<semaphore_mem>>)
    %add3A_857 = arith.constant 128 : i32
    %add3A_858 = arith.addi %mul3A_2, %add3A_857 : i32
    %dma_wait3A_859 = arith.constant 0 : i32
    %dma_wait3A_860 = tpu.memref_slice %arg2[%add3A_858, %dma_wait3A_859] : memref<16384x128xf32, #tpu.memory_space<hbm>> -> memref<64x128xf32, #tpu.memory_space<hbm>>
    %dma_wait3A_861 = arith.constant 0 : i32
    %dma_wait3A_862 = tpu.memref_slice %arg2[%add3A_858, %dma_wait3A_861] : memref<16384x128xf32, #tpu.memory_space<hbm>> -> memref<64x128xf32, #tpu.memory_space<hbm>>
    tpu.wait_dma2 semaphore(%arg17 : memref<!tpu.dma_semaphore, #tpu.memory_space<semaphore_mem>>) src(%dma_wait3A_862 : memref<64x128xf32, #tpu.memory_space<hbm>>) dst(%arg10 : memref<64x128xf32, #tpu.memory_space<vmem>>)
    %dma_wait3A_863 = arith.constant 128 : i32
    %dma_wait3A_864 = tpu.memref_slice %arg7[%dma_wait3A_863] : memref<512xi32, #tpu.memory_space<vmem>> -> memref<64xi32, #tpu.memory_space<vmem>>
    %dma_wait3A_865 = arith.constant 0 : i32
    %dma_wait3A_866 = arith.constant 0 : i32
    %dma_wait3A_867 = tpu.memref_slice %arg5[%dma_wait3A_865, %dma_wait3A_866] : memref<1000x128xf32, #tpu.memory_space<hbm>> -> memref<1000x128xf32, #tpu.memory_space<hbm>>
    tpu.wait_indirect_dma semaphore(%arg19 : memref<!tpu.dma_semaphore, #tpu.memory_space<semaphore_mem>>) src(%dma_wait3A_867 : memref<1000x128xf32, #tpu.memory_space<hbm>>) dst(%arg12 : memref<64x128xf32, #tpu.memory_space<vmem>>)
    %scan3A_868 = arith.constant 0 : i32
    %scan3A_869 = arith.constant 64 : i32
    %scan3A_870 = arith.addi %scan3A_868, %scan3A_869 : i32
    %scan3A_871 = arith.constant 1 : i32
    %scan3A_872 = scf.for %scan3A_1008 = %scan3A_868 to %scan3A_870 step %scan3A_871 iter_args(%scan3A_1009 = %scan3A_844) -> (vector<16xf32>)  : i32 {
      %get3A_1010 = arith.index_cast %scan3A_1008 : i32 to index
      %get3A_1011 = arith.constant 0 : index
      %get3A_1012 = tpu.vector_load %arg10[%get3A_1010, %get3A_1011] {strides = array<i32>} : memref<64x128xf32, #tpu.memory_space<vmem>>, vector<16xf32>,
      %get3A_1013 = arith.index_cast %scan3A_1008 : i32 to index
      %get3A_1014 = arith.constant 0 : index
      %get3A_1015 = tpu.vector_load %arg12[%get3A_1013, %get3A_1014] {strides = array<i32>} : memref<64x128xf32, #tpu.memory_space<vmem>>, vector<16xf32>,
      %sub3A_1016 = arith.subf %get3A_1012, %get3A_1015 : vector<16xf32>
      %mul3A_1017 = arith.mulf %sub3A_1016, %sub3A_1016 : vector<16xf32>
      %add3A_1018 = arith.addf %scan3A_1009, %mul3A_1017 : vector<16xf32>
      %get3A_1019 = arith.index_cast %scan3A_1008 : i32 to index
      %get3A_1020 = arith.constant 16 : index
      %get3A_1021 = tpu.vector_load %arg10[%get3A_1019, %get3A_1020] {strides = array<i32>} : memref<64x128xf32, #tpu.memory_space<vmem>>, vector<16xf32>,
      %get3A_1022 = arith.index_cast %scan3A_1008 : i32 to index
      %get3A_1023 = arith.constant 16 : index
      %get3A_1024 = tpu.vector_load %arg12[%get3A_1022, %get3A_1023] {strides = array<i32>} : memref<64x128xf32, #tpu.memory_space<vmem>>, vector<16xf32>,
      %sub3A_1025 = arith.subf %get3A_1021, %get3A_1024 : vector<16xf32>
      %mul3A_1026 = arith.mulf %sub3A_1025, %sub3A_1025 : vector<16xf32>
      %add3A_1027 = arith.addf %add3A_1018, %mul3A_1026 : vector<16xf32>
      %get3A_1028 = arith.index_cast %scan3A_1008 : i32 to index
      %get3A_1029 = arith.constant 32 : index
      %get3A_1030 = tpu.vector_load %arg10[%get3A_1028, %get3A_1029] {strides = array<i32>} : memref<64x128xf32, #tpu.memory_space<vmem>>, vector<16xf32>,
      %get3A_1031 = arith.index_cast %scan3A_1008 : i32 to index
      %get3A_1032 = arith.constant 32 : index
      %get3A_1033 = tpu.vector_load %arg12[%get3A_1031, %get3A_1032] {strides = array<i32>} : memref<64x128xf32, #tpu.memory_space<vmem>>, vector<16xf32>,
      %sub3A_1034 = arith.subf %get3A_1030, %get3A_1033 : vector<16xf32>
      %mul3A_1035 = arith.mulf %sub3A_1034, %sub3A_1034 : vector<16xf32>
      %add3A_1036 = arith.addf %add3A_1027, %mul3A_1035 : vector<16xf32>
      %get3A_1037 = arith.index_cast %scan3A_1008 : i32 to index
      %get3A_1038 = arith.constant 48 : index
      %get3A_1039 = tpu.vector_load %arg10[%get3A_1037, %get3A_1038] {strides = array<i32>} : memref<64x128xf32, #tpu.memory_space<vmem>>, vector<16xf32>,
      %get3A_1040 = arith.index_cast %scan3A_1008 : i32 to index
      %get3A_1041 = arith.constant 48 : index
      %get3A_1042 = tpu.vector_load %arg12[%get3A_1040, %get3A_1041] {strides = array<i32>} : memref<64x128xf32, #tpu.memory_space<vmem>>, vector<16xf32>,
      %sub3A_1043 = arith.subf %get3A_1039, %get3A_1042 : vector<16xf32>
      %mul3A_1044 = arith.mulf %sub3A_1043, %sub3A_1043 : vector<16xf32>
      %add3A_1045 = arith.addf %add3A_1036, %mul3A_1044 : vector<16xf32>
      %get3A_1046 = arith.index_cast %scan3A_1008 : i32 to index
      %get3A_1047 = arith.constant 64 : index
      %get3A_1048 = tpu.vector_load %arg10[%get3A_1046, %get3A_1047] {strides = array<i32>} : memref<64x128xf32, #tpu.memory_space<vmem>>, vector<16xf32>,
      %get3A_1049 = arith.index_cast %scan3A_1008 : i32 to index
      %get3A_1050 = arith.constant 64 : index
      %get3A_1051 = tpu.vector_load %arg12[%get3A_1049, %get3A_1050] {strides = array<i32>} : memref<64x128xf32, #tpu.memory_space<vmem>>, vector<16xf32>,
      %sub3A_1052 = arith.subf %get3A_1048, %get3A_1051 : vector<16xf32>
      %mul3A_1053 = arith.mulf %sub3A_1052, %sub3A_1052 : vector<16xf32>
      %add3A_1054 = arith.addf %add3A_1045, %mul3A_1053 : vector<16xf32>
      %get3A_1055 = arith.index_cast %scan3A_1008 : i32 to index
      %get3A_1056 = arith.constant 80 : index
      %get3A_1057 = tpu.vector_load %arg10[%get3A_1055, %get3A_1056] {strides = array<i32>} : memref<64x128xf32, #tpu.memory_space<vmem>>, vector<16xf32>,
      %get3A_1058 = arith.index_cast %scan3A_1008 : i32 to index
      %get3A_1059 = arith.constant 80 : index
      %get3A_1060 = tpu.vector_load %arg12[%get3A_1058, %get3A_1059] {strides = array<i32>} : memref<64x128xf32, #tpu.memory_space<vmem>>, vector<16xf32>,
      %sub3A_1061 = arith.subf %get3A_1057, %get3A_1060 : vector<16xf32>
      %mul3A_1062 = arith.mulf %sub3A_1061, %sub3A_1061 : vector<16xf32>
      %add3A_1063 = arith.addf %add3A_1054, %mul3A_1062 : vector<16xf32>
      %get3A_1064 = arith.index_cast %scan3A_1008 : i32 to index
      %get3A_1065 = arith.constant 96 : index
      %get3A_1066 = tpu.vector_load %arg10[%get3A_1064, %get3A_1065] {strides = array<i32>} : memref<64x128xf32, #tpu.memory_space<vmem>>, vector<16xf32>,
      %get3A_1067 = arith.index_cast %scan3A_1008 : i32 to index
      %get3A_1068 = arith.constant 96 : index
      %get3A_1069 = tpu.vector_load %arg12[%get3A_1067, %get3A_1068] {strides = array<i32>} : memref<64x128xf32, #tpu.memory_space<vmem>>, vector<16xf32>,
      %sub3A_1070 = arith.subf %get3A_1066, %get3A_1069 : vector<16xf32>
      %mul3A_1071 = arith.mulf %sub3A_1070, %sub3A_1070 : vector<16xf32>
      %add3A_1072 = arith.addf %add3A_1063, %mul3A_1071 : vector<16xf32>
      %get3A_1073 = arith.index_cast %scan3A_1008 : i32 to index
      %get3A_1074 = arith.constant 112 : index
      %get3A_1075 = tpu.vector_load %arg10[%get3A_1073, %get3A_1074] {strides = array<i32>} : memref<64x128xf32, #tpu.memory_space<vmem>>, vector<16xf32>,
      %get3A_1076 = arith.index_cast %scan3A_1008 : i32 to index
      %get3A_1077 = arith.constant 112 : index
      %get3A_1078 = tpu.vector_load %arg12[%get3A_1076, %get3A_1077] {strides = array<i32>} : memref<64x128xf32, #tpu.memory_space<vmem>>, vector<16xf32>,
      %sub3A_1079 = arith.subf %get3A_1075, %get3A_1078 : vector<16xf32>
      %mul3A_1080 = arith.mulf %sub3A_1079, %sub3A_1079 : vector<16xf32>
      %add3A_1081 = arith.addf %add3A_1072, %mul3A_1080 : vector<16xf32>
      scf.yield %add3A_1081 : vector<16xf32>
    }
    %scan3A_873 = arith.constant 64 : i32
    %add3A_874 = arith.constant 256 : i32
    %add3A_875 = arith.addi %mul3A_2, %add3A_874 : i32
    %dma_start3A_876 = arith.constant 0 : i32
    %dma_start3A_877 = tpu.memref_slice %arg2[%add3A_875, %dma_start3A_876] : memref<16384x128xf32, #tpu.memory_space<hbm>> -> memref<64x128xf32, #tpu.memory_space<hbm>>
    %dma_start3A_878 = arith.constant 0 : i32
    %dma_start3A_879 = tpu.memref_slice %arg2[%add3A_875, %dma_start3A_878] : memref<16384x128xf32, #tpu.memory_space<hbm>> -> memref<64x128xf32, #tpu.memory_space<hbm>>
    tpu.enqueue_dma source(%dma_start3A_879 : memref<64x128xf32, #tpu.memory_space<hbm>>) target(%arg10 : memref<64x128xf32, #tpu.memory_space<vmem>>) target_semaphore(%arg17 : memref<!tpu.dma_semaphore, #tpu.memory_space<semaphore_mem>>)
    %dma_start3A_880 = arith.constant 256 : i32
    %dma_start3A_881 = tpu.memref_slice %arg7[%dma_start3A_880] : memref<512xi32, #tpu.memory_space<vmem>> -> memref<64xi32, #tpu.memory_space<vmem>>
    %dma_start3A_882 = arith.constant 0 : i32
    %dma_start3A_883 = arith.constant 0 : i32
    %dma_start3A_884 = tpu.memref_slice %arg5[%dma_start3A_882, %dma_start3A_883] : memref<1000x128xf32, #tpu.memory_space<hbm>> -> memref<1000x128xf32, #tpu.memory_space<hbm>>
    tpu.enqueue_indirect_dma source(%dma_start3A_884 : memref<1000x128xf32, #tpu.memory_space<hbm>>) target(%arg12 : memref<64x128xf32, #tpu.memory_space<vmem>>) offsets(%dma_start3A_881 : memref<64xi32, #tpu.memory_space<vmem>>) semaphore(%arg19 : memref<!tpu.dma_semaphore, #tpu.memory_space<semaphore_mem>>)
    %add3A_885 = arith.constant 192 : i32
    %add3A_886 = arith.addi %mul3A_2, %add3A_885 : i32
    %dma_wait3A_887 = arith.constant 0 : i32
    %dma_wait3A_888 = tpu.memref_slice %arg2[%add3A_886, %dma_wait3A_887] : memref<16384x128xf32, #tpu.memory_space<hbm>> -> memref<64x128xf32, #tpu.memory_space<hbm>>
    %dma_wait3A_889 = arith.constant 0 : i32
    %dma_wait3A_890 = tpu.memref_slice %arg2[%add3A_886, %dma_wait3A_889] : memref<16384x128xf32, #tpu.memory_space<hbm>> -> memref<64x128xf32, #tpu.memory_space<hbm>>
    tpu.wait_dma2 semaphore(%arg18 : memref<!tpu.dma_semaphore, #tpu.memory_space<semaphore_mem>>) src(%dma_wait3A_890 : memref<64x128xf32, #tpu.memory_space<hbm>>) dst(%arg11 : memref<64x128xf32, #tpu.memory_space<vmem>>)
    %dma_wait3A_891 = arith.constant 192 : i32
    %dma_wait3A_892 = tpu.memref_slice %arg7[%dma_wait3A_891] : memref<512xi32, #tpu.memory_space<vmem>> -> memref<64xi32, #tpu.memory_space<vmem>>
    %dma_wait3A_893 = arith.constant 0 : i32
    %dma_wait3A_894 = arith.constant 0 : i32
    %dma_wait3A_895 = tpu.memref_slice %arg5[%dma_wait3A_893, %dma_wait3A_894] : memref<1000x128xf32, #tpu.memory_space<hbm>> -> memref<1000x128xf32, #tpu.memory_space<hbm>>
    tpu.wait_indirect_dma semaphore(%arg20 : memref<!tpu.dma_semaphore, #tpu.memory_space<semaphore_mem>>) src(%dma_wait3A_895 : memref<1000x128xf32, #tpu.memory_space<hbm>>) dst(%arg13 : memref<64x128xf32, #tpu.memory_space<vmem>>)
    %scan3A_896 = arith.constant 0 : i32
    %scan3A_897 = arith.constant 64 : i32
    %scan3A_898 = arith.addi %scan3A_896, %scan3A_897 : i32
    %scan3A_899 = arith.constant 1 : i32
    %scan3A_900 = scf.for %scan3A_1008 = %scan3A_896 to %scan3A_898 step %scan3A_899 iter_args(%scan3A_1009 = %scan3A_872) -> (vector<16xf32>)  : i32 {
      %get3A_1010 = arith.index_cast %scan3A_1008 : i32 to index
      %get3A_1011 = arith.constant 0 : index
      %get3A_1012 = tpu.vector_load %arg11[%get3A_1010, %get3A_1011] {strides = array<i32>} : memref<64x128xf32, #tpu.memory_space<vmem>>, vector<16xf32>,
      %get3A_1013 = arith.index_cast %scan3A_1008 : i32 to index
      %get3A_1014 = arith.constant 0 : index
      %get3A_1015 = tpu.vector_load %arg13[%get3A_1013, %get3A_1014] {strides = array<i32>} : memref<64x128xf32, #tpu.memory_space<vmem>>, vector<16xf32>,
      %sub3A_1016 = arith.subf %get3A_1012, %get3A_1015 : vector<16xf32>
      %mul3A_1017 = arith.mulf %sub3A_1016, %sub3A_1016 : vector<16xf32>
      %add3A_1018 = arith.addf %scan3A_1009, %mul3A_1017 : vector<16xf32>
      %get3A_1019 = arith.index_cast %scan3A_1008 : i32 to index
      %get3A_1020 = arith.constant 16 : index
      %get3A_1021 = tpu.vector_load %arg11[%get3A_1019, %get3A_1020] {strides = array<i32>} : memref<64x128xf32, #tpu.memory_space<vmem>>, vector<16xf32>,
      %get3A_1022 = arith.index_cast %scan3A_1008 : i32 to index
      %get3A_1023 = arith.constant 16 : index
      %get3A_1024 = tpu.vector_load %arg13[%get3A_1022, %get3A_1023] {strides = array<i32>} : memref<64x128xf32, #tpu.memory_space<vmem>>, vector<16xf32>,
      %sub3A_1025 = arith.subf %get3A_1021, %get3A_1024 : vector<16xf32>
      %mul3A_1026 = arith.mulf %sub3A_1025, %sub3A_1025 : vector<16xf32>
      %add3A_1027 = arith.addf %add3A_1018, %mul3A_1026 : vector<16xf32>
      %get3A_1028 = arith.index_cast %scan3A_1008 : i32 to index
      %get3A_1029 = arith.constant 32 : index
      %get3A_1030 = tpu.vector_load %arg11[%get3A_1028, %get3A_1029] {strides = array<i32>} : memref<64x128xf32, #tpu.memory_space<vmem>>, vector<16xf32>,
      %get3A_1031 = arith.index_cast %scan3A_1008 : i32 to index
      %get3A_1032 = arith.constant 32 : index
      %get3A_1033 = tpu.vector_load %arg13[%get3A_1031, %get3A_1032] {strides = array<i32>} : memref<64x128xf32, #tpu.memory_space<vmem>>, vector<16xf32>,
      %sub3A_1034 = arith.subf %get3A_1030, %get3A_1033 : vector<16xf32>
      %mul3A_1035 = arith.mulf %sub3A_1034, %sub3A_1034 : vector<16xf32>
      %add3A_1036 = arith.addf %add3A_1027, %mul3A_1035 : vector<16xf32>
      %get3A_1037 = arith.index_cast %scan3A_1008 : i32 to index
      %get3A_1038 = arith.constant 48 : index
      %get3A_1039 = tpu.vector_load %arg11[%get3A_1037, %get3A_1038] {strides = array<i32>} : memref<64x128xf32, #tpu.memory_space<vmem>>, vector<16xf32>,
      %get3A_1040 = arith.index_cast %scan3A_1008 : i32 to index
      %get3A_1041 = arith.constant 48 : index
      %get3A_1042 = tpu.vector_load %arg13[%get3A_1040, %get3A_1041] {strides = array<i32>} : memref<64x128xf32, #tpu.memory_space<vmem>>, vector<16xf32>,
      %sub3A_1043 = arith.subf %get3A_1039, %get3A_1042 : vector<16xf32>
      %mul3A_1044 = arith.mulf %sub3A_1043, %sub3A_1043 : vector<16xf32>
      %add3A_1045 = arith.addf %add3A_1036, %mul3A_1044 : vector<16xf32>
      %get3A_1046 = arith.index_cast %scan3A_1008 : i32 to index
      %get3A_1047 = arith.constant 64 : index
      %get3A_1048 = tpu.vector_load %arg11[%get3A_1046, %get3A_1047] {strides = array<i32>} : memref<64x128xf32, #tpu.memory_space<vmem>>, vector<16xf32>,
      %get3A_1049 = arith.index_cast %scan3A_1008 : i32 to index
      %get3A_1050 = arith.constant 64 : index
      %get3A_1051 = tpu.vector_load %arg13[%get3A_1049, %get3A_1050] {strides = array<i32>} : memref<64x128xf32, #tpu.memory_space<vmem>>, vector<16xf32>,
      %sub3A_1052 = arith.subf %get3A_1048, %get3A_1051 : vector<16xf32>
      %mul3A_1053 = arith.mulf %sub3A_1052, %sub3A_1052 : vector<16xf32>
      %add3A_1054 = arith.addf %add3A_1045, %mul3A_1053 : vector<16xf32>
      %get3A_1055 = arith.index_cast %scan3A_1008 : i32 to index
      %get3A_1056 = arith.constant 80 : index
      %get3A_1057 = tpu.vector_load %arg11[%get3A_1055, %get3A_1056] {strides = array<i32>} : memref<64x128xf32, #tpu.memory_space<vmem>>, vector<16xf32>,
      %get3A_1058 = arith.index_cast %scan3A_1008 : i32 to index
      %get3A_1059 = arith.constant 80 : index
      %get3A_1060 = tpu.vector_load %arg13[%get3A_1058, %get3A_1059] {strides = array<i32>} : memref<64x128xf32, #tpu.memory_space<vmem>>, vector<16xf32>,
      %sub3A_1061 = arith.subf %get3A_1057, %get3A_1060 : vector<16xf32>
      %mul3A_1062 = arith.mulf %sub3A_1061, %sub3A_1061 : vector<16xf32>
      %add3A_1063 = arith.addf %add3A_1054, %mul3A_1062 : vector<16xf32>
      %get3A_1064 = arith.index_cast %scan3A_1008 : i32 to index
      %get3A_1065 = arith.constant 96 : index
      %get3A_1066 = tpu.vector_load %arg11[%get3A_1064, %get3A_1065] {strides = array<i32>} : memref<64x128xf32, #tpu.memory_space<vmem>>, vector<16xf32>,
      %get3A_1067 = arith.index_cast %scan3A_1008 : i32 to index
      %get3A_1068 = arith.constant 96 : index
      %get3A_1069 = tpu.vector_load %arg13[%get3A_1067, %get3A_1068] {strides = array<i32>} : memref<64x128xf32, #tpu.memory_space<vmem>>, vector<16xf32>,
      %sub3A_1070 = arith.subf %get3A_1066, %get3A_1069 : vector<16xf32>
      %mul3A_1071 = arith.mulf %sub3A_1070, %sub3A_1070 : vector<16xf32>
      %add3A_1072 = arith.addf %add3A_1063, %mul3A_1071 : vector<16xf32>
      %get3A_1073 = arith.index_cast %scan3A_1008 : i32 to index
      %get3A_1074 = arith.constant 112 : index
      %get3A_1075 = tpu.vector_load %arg11[%get3A_1073, %get3A_1074] {strides = array<i32>} : memref<64x128xf32, #tpu.memory_space<vmem>>, vector<16xf32>,
      %get3A_1076 = arith.index_cast %scan3A_1008 : i32 to index
      %get3A_1077 = arith.constant 112 : index
      %get3A_1078 = tpu.vector_load %arg13[%get3A_1076, %get3A_1077] {strides = array<i32>} : memref<64x128xf32, #tpu.memory_space<vmem>>, vector<16xf32>,
      %sub3A_1079 = arith.subf %get3A_1075, %get3A_1078 : vector<16xf32>
      %mul3A_1080 = arith.mulf %sub3A_1079, %sub3A_1079 : vector<16xf32>
      %add3A_1081 = arith.addf %add3A_1072, %mul3A_1080 : vector<16xf32>
      scf.yield %add3A_1081 : vector<16xf32>
    }
    %scan3A_901 = arith.constant 64 : i32
    %add3A_902 = arith.constant 320 : i32
    %add3A_903 = arith.addi %mul3A_2, %add3A_902 : i32
    %dma_start3A_904 = arith.constant 0 : i32
    %dma_start3A_905 = tpu.memref_slice %arg2[%add3A_903, %dma_start3A_904] : memref<16384x128xf32, #tpu.memory_space<hbm>> -> memref<64x128xf32, #tpu.memory_space<hbm>>
    %dma_start3A_906 = arith.constant 0 : i32
    %dma_start3A_907 = tpu.memref_slice %arg2[%add3A_903, %dma_start3A_906] : memref<16384x128xf32, #tpu.memory_space<hbm>> -> memref<64x128xf32, #tpu.memory_space<hbm>>
    tpu.enqueue_dma source(%dma_start3A_907 : memref<64x128xf32, #tpu.memory_space<hbm>>) target(%arg11 : memref<64x128xf32, #tpu.memory_space<vmem>>) target_semaphore(%arg18 : memref<!tpu.dma_semaphore, #tpu.memory_space<semaphore_mem>>)
    %dma_start3A_908 = arith.constant 320 : i32
    %dma_start3A_909 = tpu.memref_slice %arg7[%dma_start3A_908] : memref<512xi32, #tpu.memory_space<vmem>> -> memref<64xi32, #tpu.memory_space<vmem>>
    %dma_start3A_910 = arith.constant 0 : i32
    %dma_start3A_911 = arith.constant 0 : i32
    %dma_start3A_912 = tpu.memref_slice %arg5[%dma_start3A_910, %dma_start3A_911] : memref<1000x128xf32, #tpu.memory_space<hbm>> -> memref<1000x128xf32, #tpu.memory_space<hbm>>
    tpu.enqueue_indirect_dma source(%dma_start3A_912 : memref<1000x128xf32, #tpu.memory_space<hbm>>) target(%arg13 : memref<64x128xf32, #tpu.memory_space<vmem>>) offsets(%dma_start3A_909 : memref<64xi32, #tpu.memory_space<vmem>>) semaphore(%arg20 : memref<!tpu.dma_semaphore, #tpu.memory_space<semaphore_mem>>)
    %add3A_913 = arith.constant 256 : i32
    %add3A_914 = arith.addi %mul3A_2, %add3A_913 : i32
    %dma_wait3A_915 = arith.constant 0 : i32
    %dma_wait3A_916 = tpu.memref_slice %arg2[%add3A_914, %dma_wait3A_915] : memref<16384x128xf32, #tpu.memory_space<hbm>> -> memref<64x128xf32, #tpu.memory_space<hbm>>
    %dma_wait3A_917 = arith.constant 0 : i32
    %dma_wait3A_918 = tpu.memref_slice %arg2[%add3A_914, %dma_wait3A_917] : memref<16384x128xf32, #tpu.memory_space<hbm>> -> memref<64x128xf32, #tpu.memory_space<hbm>>
    tpu.wait_dma2 semaphore(%arg17 : memref<!tpu.dma_semaphore, #tpu.memory_space<semaphore_mem>>) src(%dma_wait3A_918 : memref<64x128xf32, #tpu.memory_space<hbm>>) dst(%arg10 : memref<64x128xf32, #tpu.memory_space<vmem>>)
    %dma_wait3A_919 = arith.constant 256 : i32
    %dma_wait3A_920 = tpu.memref_slice %arg7[%dma_wait3A_919] : memref<512xi32, #tpu.memory_space<vmem>> -> memref<64xi32, #tpu.memory_space<vmem>>
    %dma_wait3A_921 = arith.constant 0 : i32
    %dma_wait3A_922 = arith.constant 0 : i32
    %dma_wait3A_923 = tpu.memref_slice %arg5[%dma_wait3A_921, %dma_wait3A_922] : memref<1000x128xf32, #tpu.memory_space<hbm>> -> memref<1000x128xf32, #tpu.memory_space<hbm>>
    tpu.wait_indirect_dma semaphore(%arg19 : memref<!tpu.dma_semaphore, #tpu.memory_space<semaphore_mem>>) src(%dma_wait3A_923 : memref<1000x128xf32, #tpu.memory_space<hbm>>) dst(%arg12 : memref<64x128xf32, #tpu.memory_space<vmem>>)
    %scan3A_924 = arith.constant 0 : i32
    %scan3A_925 = arith.constant 64 : i32
    %scan3A_926 = arith.addi %scan3A_924, %scan3A_925 : i32
    %scan3A_927 = arith.constant 1 : i32
    %scan3A_928 = scf.for %scan3A_1008 = %scan3A_924 to %scan3A_926 step %scan3A_927 iter_args(%scan3A_1009 = %scan3A_900) -> (vector<16xf32>)  : i32 {
      %get3A_1010 = arith.index_cast %scan3A_1008 : i32 to index
      %get3A_1011 = arith.constant 0 : index
      %get3A_1012 = tpu.vector_load %arg10[%get3A_1010, %get3A_1011] {strides = array<i32>} : memref<64x128xf32, #tpu.memory_space<vmem>>, vector<16xf32>,
      %get3A_1013 = arith.index_cast %scan3A_1008 : i32 to index
      %get3A_1014 = arith.constant 0 : index
      %get3A_1015 = tpu.vector_load %arg12[%get3A_1013, %get3A_1014] {strides = array<i32>} : memref<64x128xf32, #tpu.memory_space<vmem>>, vector<16xf32>,
      %sub3A_1016 = arith.subf %get3A_1012, %get3A_1015 : vector<16xf32>
      %mul3A_1017 = arith.mulf %sub3A_1016, %sub3A_1016 : vector<16xf32>
      %add3A_1018 = arith.addf %scan3A_1009, %mul3A_1017 : vector<16xf32>
      %get3A_1019 = arith.index_cast %scan3A_1008 : i32 to index
      %get3A_1020 = arith.constant 16 : index
      %get3A_1021 = tpu.vector_load %arg10[%get3A_1019, %get3A_1020] {strides = array<i32>} : memref<64x128xf32, #tpu.memory_space<vmem>>, vector<16xf32>,
      %get3A_1022 = arith.index_cast %scan3A_1008 : i32 to index
      %get3A_1023 = arith.constant 16 : index
      %get3A_1024 = tpu.vector_load %arg12[%get3A_1022, %get3A_1023] {strides = array<i32>} : memref<64x128xf32, #tpu.memory_space<vmem>>, vector<16xf32>,
      %sub3A_1025 = arith.subf %get3A_1021, %get3A_1024 : vector<16xf32>
      %mul3A_1026 = arith.mulf %sub3A_1025, %sub3A_1025 : vector<16xf32>
      %add3A_1027 = arith.addf %add3A_1018, %mul3A_1026 : vector<16xf32>
      %get3A_1028 = arith.index_cast %scan3A_1008 : i32 to index
      %get3A_1029 = arith.constant 32 : index
      %get3A_1030 = tpu.vector_load %arg10[%get3A_1028, %get3A_1029] {strides = array<i32>} : memref<64x128xf32, #tpu.memory_space<vmem>>, vector<16xf32>,
      %get3A_1031 = arith.index_cast %scan3A_1008 : i32 to index
      %get3A_1032 = arith.constant 32 : index
      %get3A_1033 = tpu.vector_load %arg12[%get3A_1031, %get3A_1032] {strides = array<i32>} : memref<64x128xf32, #tpu.memory_space<vmem>>, vector<16xf32>,
      %sub3A_1034 = arith.subf %get3A_1030, %get3A_1033 : vector<16xf32>
      %mul3A_1035 = arith.mulf %sub3A_1034, %sub3A_1034 : vector<16xf32>
      %add3A_1036 = arith.addf %add3A_1027, %mul3A_1035 : vector<16xf32>
      %get3A_1037 = arith.index_cast %scan3A_1008 : i32 to index
      %get3A_1038 = arith.constant 48 : index
      %get3A_1039 = tpu.vector_load %arg10[%get3A_1037, %get3A_1038] {strides = array<i32>} : memref<64x128xf32, #tpu.memory_space<vmem>>, vector<16xf32>,
      %get3A_1040 = arith.index_cast %scan3A_1008 : i32 to index
      %get3A_1041 = arith.constant 48 : index
      %get3A_1042 = tpu.vector_load %arg12[%get3A_1040, %get3A_1041] {strides = array<i32>} : memref<64x128xf32, #tpu.memory_space<vmem>>, vector<16xf32>,
      %sub3A_1043 = arith.subf %get3A_1039, %get3A_1042 : vector<16xf32>
      %mul3A_1044 = arith.mulf %sub3A_1043, %sub3A_1043 : vector<16xf32>
      %add3A_1045 = arith.addf %add3A_1036, %mul3A_1044 : vector<16xf32>
      %get3A_1046 = arith.index_cast %scan3A_1008 : i32 to index
      %get3A_1047 = arith.constant 64 : index
      %get3A_1048 = tpu.vector_load %arg10[%get3A_1046, %get3A_1047] {strides = array<i32>} : memref<64x128xf32, #tpu.memory_space<vmem>>, vector<16xf32>,
      %get3A_1049 = arith.index_cast %scan3A_1008 : i32 to index
      %get3A_1050 = arith.constant 64 : index
      %get3A_1051 = tpu.vector_load %arg12[%get3A_1049, %get3A_1050] {strides = array<i32>} : memref<64x128xf32, #tpu.memory_space<vmem>>, vector<16xf32>,
      %sub3A_1052 = arith.subf %get3A_1048, %get3A_1051 : vector<16xf32>
      %mul3A_1053 = arith.mulf %sub3A_1052, %sub3A_1052 : vector<16xf32>
      %add3A_1054 = arith.addf %add3A_1045, %mul3A_1053 : vector<16xf32>
      %get3A_1055 = arith.index_cast %scan3A_1008 : i32 to index
      %get3A_1056 = arith.constant 80 : index
      %get3A_1057 = tpu.vector_load %arg10[%get3A_1055, %get3A_1056] {strides = array<i32>} : memref<64x128xf32, #tpu.memory_space<vmem>>, vector<16xf32>,
      %get3A_1058 = arith.index_cast %scan3A_1008 : i32 to index
      %get3A_1059 = arith.constant 80 : index
      %get3A_1060 = tpu.vector_load %arg12[%get3A_1058, %get3A_1059] {strides = array<i32>} : memref<64x128xf32, #tpu.memory_space<vmem>>, vector<16xf32>,
      %sub3A_1061 = arith.subf %get3A_1057, %get3A_1060 : vector<16xf32>
      %mul3A_1062 = arith.mulf %sub3A_1061, %sub3A_1061 : vector<16xf32>
      %add3A_1063 = arith.addf %add3A_1054, %mul3A_1062 : vector<16xf32>
      %get3A_1064 = arith.index_cast %scan3A_1008 : i32 to index
      %get3A_1065 = arith.constant 96 : index
      %get3A_1066 = tpu.vector_load %arg10[%get3A_1064, %get3A_1065] {strides = array<i32>} : memref<64x128xf32, #tpu.memory_space<vmem>>, vector<16xf32>,
      %get3A_1067 = arith.index_cast %scan3A_1008 : i32 to index
      %get3A_1068 = arith.constant 96 : index
      %get3A_1069 = tpu.vector_load %arg12[%get3A_1067, %get3A_1068] {strides = array<i32>} : memref<64x128xf32, #tpu.memory_space<vmem>>, vector<16xf32>,
      %sub3A_1070 = arith.subf %get3A_1066, %get3A_1069 : vector<16xf32>
      %mul3A_1071 = arith.mulf %sub3A_1070, %sub3A_1070 : vector<16xf32>
      %add3A_1072 = arith.addf %add3A_1063, %mul3A_1071 : vector<16xf32>
      %get3A_1073 = arith.index_cast %scan3A_1008 : i32 to index
      %get3A_1074 = arith.constant 112 : index
      %get3A_1075 = tpu.vector_load %arg10[%get3A_1073, %get3A_1074] {strides = array<i32>} : memref<64x128xf32, #tpu.memory_space<vmem>>, vector<16xf32>,
      %get3A_1076 = arith.index_cast %scan3A_1008 : i32 to index
      %get3A_1077 = arith.constant 112 : index
      %get3A_1078 = tpu.vector_load %arg12[%get3A_1076, %get3A_1077] {strides = array<i32>} : memref<64x128xf32, #tpu.memory_space<vmem>>, vector<16xf32>,
      %sub3A_1079 = arith.subf %get3A_1075, %get3A_1078 : vector<16xf32>
      %mul3A_1080 = arith.mulf %sub3A_1079, %sub3A_1079 : vector<16xf32>
      %add3A_1081 = arith.addf %add3A_1072, %mul3A_1080 : vector<16xf32>
      scf.yield %add3A_1081 : vector<16xf32>
    }
    %scan3A_929 = arith.constant 64 : i32
    %add3A_930 = arith.constant 384 : i32
    %add3A_931 = arith.addi %mul3A_2, %add3A_930 : i32
    %dma_start3A_932 = arith.constant 0 : i32
    %dma_start3A_933 = tpu.memref_slice %arg2[%add3A_931, %dma_start3A_932] : memref<16384x128xf32, #tpu.memory_space<hbm>> -> memref<64x128xf32, #tpu.memory_space<hbm>>
    %dma_start3A_934 = arith.constant 0 : i32
    %dma_start3A_935 = tpu.memref_slice %arg2[%add3A_931, %dma_start3A_934] : memref<16384x128xf32, #tpu.memory_space<hbm>> -> memref<64x128xf32, #tpu.memory_space<hbm>>
    tpu.enqueue_dma source(%dma_start3A_935 : memref<64x128xf32, #tpu.memory_space<hbm>>) target(%arg10 : memref<64x128xf32, #tpu.memory_space<vmem>>) target_semaphore(%arg17 : memref<!tpu.dma_semaphore, #tpu.memory_space<semaphore_mem>>)
    %dma_start3A_936 = arith.constant 384 : i32
    %dma_start3A_937 = tpu.memref_slice %arg7[%dma_start3A_936] : memref<512xi32, #tpu.memory_space<vmem>> -> memref<64xi32, #tpu.memory_space<vmem>>
    %dma_start3A_938 = arith.constant 0 : i32
    %dma_start3A_939 = arith.constant 0 : i32
    %dma_start3A_940 = tpu.memref_slice %arg5[%dma_start3A_938, %dma_start3A_939] : memref<1000x128xf32, #tpu.memory_space<hbm>> -> memref<1000x128xf32, #tpu.memory_space<hbm>>
    tpu.enqueue_indirect_dma source(%dma_start3A_940 : memref<1000x128xf32, #tpu.memory_space<hbm>>) target(%arg12 : memref<64x128xf32, #tpu.memory_space<vmem>>) offsets(%dma_start3A_937 : memref<64xi32, #tpu.memory_space<vmem>>) semaphore(%arg19 : memref<!tpu.dma_semaphore, #tpu.memory_space<semaphore_mem>>)
    %add3A_941 = arith.constant 320 : i32
    %add3A_942 = arith.addi %mul3A_2, %add3A_941 : i32
    %dma_wait3A_943 = arith.constant 0 : i32
    %dma_wait3A_944 = tpu.memref_slice %arg2[%add3A_942, %dma_wait3A_943] : memref<16384x128xf32, #tpu.memory_space<hbm>> -> memref<64x128xf32, #tpu.memory_space<hbm>>
    %dma_wait3A_945 = arith.constant 0 : i32
    %dma_wait3A_946 = tpu.memref_slice %arg2[%add3A_942, %dma_wait3A_945] : memref<16384x128xf32, #tpu.memory_space<hbm>> -> memref<64x128xf32, #tpu.memory_space<hbm>>
    tpu.wait_dma2 semaphore(%arg18 : memref<!tpu.dma_semaphore, #tpu.memory_space<semaphore_mem>>) src(%dma_wait3A_946 : memref<64x128xf32, #tpu.memory_space<hbm>>) dst(%arg11 : memref<64x128xf32, #tpu.memory_space<vmem>>)
    %dma_wait3A_947 = arith.constant 320 : i32
    %dma_wait3A_948 = tpu.memref_slice %arg7[%dma_wait3A_947] : memref<512xi32, #tpu.memory_space<vmem>> -> memref<64xi32, #tpu.memory_space<vmem>>
    %dma_wait3A_949 = arith.constant 0 : i32
    %dma_wait3A_950 = arith.constant 0 : i32
    %dma_wait3A_951 = tpu.memref_slice %arg5[%dma_wait3A_949, %dma_wait3A_950] : memref<1000x128xf32, #tpu.memory_space<hbm>> -> memref<1000x128xf32, #tpu.memory_space<hbm>>
    tpu.wait_indirect_dma semaphore(%arg20 : memref<!tpu.dma_semaphore, #tpu.memory_space<semaphore_mem>>) src(%dma_wait3A_951 : memref<1000x128xf32, #tpu.memory_space<hbm>>) dst(%arg13 : memref<64x128xf32, #tpu.memory_space<vmem>>)
    %scan3A_952 = arith.constant 0 : i32
    %scan3A_953 = arith.constant 64 : i32
    %scan3A_954 = arith.addi %scan3A_952, %scan3A_953 : i32
    %scan3A_955 = arith.constant 1 : i32
    %scan3A_956 = scf.for %scan3A_1008 = %scan3A_952 to %scan3A_954 step %scan3A_955 iter_args(%scan3A_1009 = %scan3A_928) -> (vector<16xf32>)  : i32 {
      %get3A_1010 = arith.index_cast %scan3A_1008 : i32 to index
      %get3A_1011 = arith.constant 0 : index
      %get3A_1012 = tpu.vector_load %arg11[%get3A_1010, %get3A_1011] {strides = array<i32>} : memref<64x128xf32, #tpu.memory_space<vmem>>, vector<16xf32>,
      %get3A_1013 = arith.index_cast %scan3A_1008 : i32 to index
      %get3A_1014 = arith.constant 0 : index
      %get3A_1015 = tpu.vector_load %arg13[%get3A_1013, %get3A_1014] {strides = array<i32>} : memref<64x128xf32, #tpu.memory_space<vmem>>, vector<16xf32>,
      %sub3A_1016 = arith.subf %get3A_1012, %get3A_1015 : vector<16xf32>
      %mul3A_1017 = arith.mulf %sub3A_1016, %sub3A_1016 : vector<16xf32>
      %add3A_1018 = arith.addf %scan3A_1009, %mul3A_1017 : vector<16xf32>
      %get3A_1019 = arith.index_cast %scan3A_1008 : i32 to index
      %get3A_1020 = arith.constant 16 : index
      %get3A_1021 = tpu.vector_load %arg11[%get3A_1019, %get3A_1020] {strides = array<i32>} : memref<64x128xf32, #tpu.memory_space<vmem>>, vector<16xf32>,
      %get3A_1022 = arith.index_cast %scan3A_1008 : i32 to index
      %get3A_1023 = arith.constant 16 : index
      %get3A_1024 = tpu.vector_load %arg13[%get3A_1022, %get3A_1023] {strides = array<i32>} : memref<64x128xf32, #tpu.memory_space<vmem>>, vector<16xf32>,
      %sub3A_1025 = arith.subf %get3A_1021, %get3A_1024 : vector<16xf32>
      %mul3A_1026 = arith.mulf %sub3A_1025, %sub3A_1025 : vector<16xf32>
      %add3A_1027 = arith.addf %add3A_1018, %mul3A_1026 : vector<16xf32>
      %get3A_1028 = arith.index_cast %scan3A_1008 : i32 to index
      %get3A_1029 = arith.constant 32 : index
      %get3A_1030 = tpu.vector_load %arg11[%get3A_1028, %get3A_1029] {strides = array<i32>} : memref<64x128xf32, #tpu.memory_space<vmem>>, vector<16xf32>,
      %get3A_1031 = arith.index_cast %scan3A_1008 : i32 to index
      %get3A_1032 = arith.constant 32 : index
      %get3A_1033 = tpu.vector_load %arg13[%get3A_1031, %get3A_1032] {strides = array<i32>} : memref<64x128xf32, #tpu.memory_space<vmem>>, vector<16xf32>,
      %sub3A_1034 = arith.subf %get3A_1030, %get3A_1033 : vector<16xf32>
      %mul3A_1035 = arith.mulf %sub3A_1034, %sub3A_1034 : vector<16xf32>
      %add3A_1036 = arith.addf %add3A_1027, %mul3A_1035 : vector<16xf32>
      %get3A_1037 = arith.index_cast %scan3A_1008 : i32 to index
      %get3A_1038 = arith.constant 48 : index
      %get3A_1039 = tpu.vector_load %arg11[%get3A_1037, %get3A_1038] {strides = array<i32>} : memref<64x128xf32, #tpu.memory_space<vmem>>, vector<16xf32>,
      %get3A_1040 = arith.index_cast %scan3A_1008 : i32 to index
      %get3A_1041 = arith.constant 48 : index
      %get3A_1042 = tpu.vector_load %arg13[%get3A_1040, %get3A_1041] {strides = array<i32>} : memref<64x128xf32, #tpu.memory_space<vmem>>, vector<16xf32>,
      %sub3A_1043 = arith.subf %get3A_1039, %get3A_1042 : vector<16xf32>
      %mul3A_1044 = arith.mulf %sub3A_1043, %sub3A_1043 : vector<16xf32>
      %add3A_1045 = arith.addf %add3A_1036, %mul3A_1044 : vector<16xf32>
      %get3A_1046 = arith.index_cast %scan3A_1008 : i32 to index
      %get3A_1047 = arith.constant 64 : index
      %get3A_1048 = tpu.vector_load %arg11[%get3A_1046, %get3A_1047] {strides = array<i32>} : memref<64x128xf32, #tpu.memory_space<vmem>>, vector<16xf32>,
      %get3A_1049 = arith.index_cast %scan3A_1008 : i32 to index
      %get3A_1050 = arith.constant 64 : index
      %get3A_1051 = tpu.vector_load %arg13[%get3A_1049, %get3A_1050] {strides = array<i32>} : memref<64x128xf32, #tpu.memory_space<vmem>>, vector<16xf32>,
      %sub3A_1052 = arith.subf %get3A_1048, %get3A_1051 : vector<16xf32>
      %mul3A_1053 = arith.mulf %sub3A_1052, %sub3A_1052 : vector<16xf32>
      %add3A_1054 = arith.addf %add3A_1045, %mul3A_1053 : vector<16xf32>
      %get3A_1055 = arith.index_cast %scan3A_1008 : i32 to index
      %get3A_1056 = arith.constant 80 : index
      %get3A_1057 = tpu.vector_load %arg11[%get3A_1055, %get3A_1056] {strides = array<i32>} : memref<64x128xf32, #tpu.memory_space<vmem>>, vector<16xf32>,
      %get3A_1058 = arith.index_cast %scan3A_1008 : i32 to index
      %get3A_1059 = arith.constant 80 : index
      %get3A_1060 = tpu.vector_load %arg13[%get3A_1058, %get3A_1059] {strides = array<i32>} : memref<64x128xf32, #tpu.memory_space<vmem>>, vector<16xf32>,
      %sub3A_1061 = arith.subf %get3A_1057, %get3A_1060 : vector<16xf32>
      %mul3A_1062 = arith.mulf %sub3A_1061, %sub3A_1061 : vector<16xf32>
      %add3A_1063 = arith.addf %add3A_1054, %mul3A_1062 : vector<16xf32>
      %get3A_1064 = arith.index_cast %scan3A_1008 : i32 to index
      %get3A_1065 = arith.constant 96 : index
      %get3A_1066 = tpu.vector_load %arg11[%get3A_1064, %get3A_1065] {strides = array<i32>} : memref<64x128xf32, #tpu.memory_space<vmem>>, vector<16xf32>,
      %get3A_1067 = arith.index_cast %scan3A_1008 : i32 to index
      %get3A_1068 = arith.constant 96 : index
      %get3A_1069 = tpu.vector_load %arg13[%get3A_1067, %get3A_1068] {strides = array<i32>} : memref<64x128xf32, #tpu.memory_space<vmem>>, vector<16xf32>,
      %sub3A_1070 = arith.subf %get3A_1066, %get3A_1069 : vector<16xf32>
      %mul3A_1071 = arith.mulf %sub3A_1070, %sub3A_1070 : vector<16xf32>
      %add3A_1072 = arith.addf %add3A_1063, %mul3A_1071 : vector<16xf32>
      %get3A_1073 = arith.index_cast %scan3A_1008 : i32 to index
      %get3A_1074 = arith.constant 112 : index
      %get3A_1075 = tpu.vector_load %arg11[%get3A_1073, %get3A_1074] {strides = array<i32>} : memref<64x128xf32, #tpu.memory_space<vmem>>, vector<16xf32>,
      %get3A_1076 = arith.index_cast %scan3A_1008 : i32 to index
      %get3A_1077 = arith.constant 112 : index
      %get3A_1078 = tpu.vector_load %arg13[%get3A_1076, %get3A_1077] {strides = array<i32>} : memref<64x128xf32, #tpu.memory_space<vmem>>, vector<16xf32>,
      %sub3A_1079 = arith.subf %get3A_1075, %get3A_1078 : vector<16xf32>
      %mul3A_1080 = arith.mulf %sub3A_1079, %sub3A_1079 : vector<16xf32>
      %add3A_1081 = arith.addf %add3A_1072, %mul3A_1080 : vector<16xf32>
      scf.yield %add3A_1081 : vector<16xf32>
    }
    %scan3A_957 = arith.constant 64 : i32
    %add3A_958 = arith.constant 448 : i32
    %add3A_959 = arith.addi %mul3A_2, %add3A_958 : i32
    %dma_start3A_960 = arith.constant 0 : i32
    %dma_start3A_961 = tpu.memref_slice %arg2[%add3A_959, %dma_start3A_960] : memref<16384x128xf32, #tpu.memory_space<hbm>> -> memref<64x128xf32, #tpu.memory_space<hbm>>
    %dma_start3A_962 = arith.constant 0 : i32
    %dma_start3A_963 = tpu.memref_slice %arg2[%add3A_959, %dma_start3A_962] : memref<16384x128xf32, #tpu.memory_space<hbm>> -> memref<64x128xf32, #tpu.memory_space<hbm>>
    tpu.enqueue_dma source(%dma_start3A_963 : memref<64x128xf32, #tpu.memory_space<hbm>>) target(%arg11 : memref<64x128xf32, #tpu.memory_space<vmem>>) target_semaphore(%arg18 : memref<!tpu.dma_semaphore, #tpu.memory_space<semaphore_mem>>)
    %dma_start3A_964 = arith.constant 448 : i32
    %dma_start3A_965 = tpu.memref_slice %arg7[%dma_start3A_964] : memref<512xi32, #tpu.memory_space<vmem>> -> memref<64xi32, #tpu.memory_space<vmem>>
    %dma_start3A_966 = arith.constant 0 : i32
    %dma_start3A_967 = arith.constant 0 : i32
    %dma_start3A_968 = tpu.memref_slice %arg5[%dma_start3A_966, %dma_start3A_967] : memref<1000x128xf32, #tpu.memory_space<hbm>> -> memref<1000x128xf32, #tpu.memory_space<hbm>>
    tpu.enqueue_indirect_dma source(%dma_start3A_968 : memref<1000x128xf32, #tpu.memory_space<hbm>>) target(%arg13 : memref<64x128xf32, #tpu.memory_space<vmem>>) offsets(%dma_start3A_965 : memref<64xi32, #tpu.memory_space<vmem>>) semaphore(%arg20 : memref<!tpu.dma_semaphore, #tpu.memory_space<semaphore_mem>>)
    %add3A_969 = arith.constant 384 : i32
    %add3A_970 = arith.addi %mul3A_2, %add3A_969 : i32
    %dma_wait3A_971 = arith.constant 0 : i32
    %dma_wait3A_972 = tpu.memref_slice %arg2[%add3A_970, %dma_wait3A_971] : memref<16384x128xf32, #tpu.memory_space<hbm>> -> memref<64x128xf32, #tpu.memory_space<hbm>>
    %dma_wait3A_973 = arith.constant 0 : i32
    %dma_wait3A_974 = tpu.memref_slice %arg2[%add3A_970, %dma_wait3A_973] : memref<16384x128xf32, #tpu.memory_space<hbm>> -> memref<64x128xf32, #tpu.memory_space<hbm>>
    tpu.wait_dma2 semaphore(%arg17 : memref<!tpu.dma_semaphore, #tpu.memory_space<semaphore_mem>>) src(%dma_wait3A_974 : memref<64x128xf32, #tpu.memory_space<hbm>>) dst(%arg10 : memref<64x128xf32, #tpu.memory_space<vmem>>)
    %dma_wait3A_975 = arith.constant 384 : i32
    %dma_wait3A_976 = tpu.memref_slice %arg7[%dma_wait3A_975] : memref<512xi32, #tpu.memory_space<vmem>> -> memref<64xi32, #tpu.memory_space<vmem>>
    %dma_wait3A_977 = arith.constant 0 : i32
    %dma_wait3A_978 = arith.constant 0 : i32
    %dma_wait3A_979 = tpu.memref_slice %arg5[%dma_wait3A_977, %dma_wait3A_978] : memref<1000x128xf32, #tpu.memory_space<hbm>> -> memref<1000x128xf32, #tpu.memory_space<hbm>>
    tpu.wait_indirect_dma semaphore(%arg19 : memref<!tpu.dma_semaphore, #tpu.memory_space<semaphore_mem>>) src(%dma_wait3A_979 : memref<1000x128xf32, #tpu.memory_space<hbm>>) dst(%arg12 : memref<64x128xf32, #tpu.memory_space<vmem>>)
    %scan3A_980 = arith.constant 0 : i32
    %scan3A_981 = arith.constant 64 : i32
    %scan3A_982 = arith.addi %scan3A_980, %scan3A_981 : i32
    %scan3A_983 = arith.constant 1 : i32
    %scan3A_984 = scf.for %scan3A_1008 = %scan3A_980 to %scan3A_982 step %scan3A_983 iter_args(%scan3A_1009 = %scan3A_956) -> (vector<16xf32>)  : i32 {
      %get3A_1010 = arith.index_cast %scan3A_1008 : i32 to index
      %get3A_1011 = arith.constant 0 : index
      %get3A_1012 = tpu.vector_load %arg10[%get3A_1010, %get3A_1011] {strides = array<i32>} : memref<64x128xf32, #tpu.memory_space<vmem>>, vector<16xf32>,
      %get3A_1013 = arith.index_cast %scan3A_1008 : i32 to index
      %get3A_1014 = arith.constant 0 : index
      %get3A_1015 = tpu.vector_load %arg12[%get3A_1013, %get3A_1014] {strides = array<i32>} : memref<64x128xf32, #tpu.memory_space<vmem>>, vector<16xf32>,
      %sub3A_1016 = arith.subf %get3A_1012, %get3A_1015 : vector<16xf32>
      %mul3A_1017 = arith.mulf %sub3A_1016, %sub3A_1016 : vector<16xf32>
      %add3A_1018 = arith.addf %scan3A_1009, %mul3A_1017 : vector<16xf32>
      %get3A_1019 = arith.index_cast %scan3A_1008 : i32 to index
      %get3A_1020 = arith.constant 16 : index
      %get3A_1021 = tpu.vector_load %arg10[%get3A_1019, %get3A_1020] {strides = array<i32>} : memref<64x128xf32, #tpu.memory_space<vmem>>, vector<16xf32>,
      %get3A_1022 = arith.index_cast %scan3A_1008 : i32 to index
      %get3A_1023 = arith.constant 16 : index
      %get3A_1024 = tpu.vector_load %arg12[%get3A_1022, %get3A_1023] {strides = array<i32>} : memref<64x128xf32, #tpu.memory_space<vmem>>, vector<16xf32>,
      %sub3A_1025 = arith.subf %get3A_1021, %get3A_1024 : vector<16xf32>
      %mul3A_1026 = arith.mulf %sub3A_1025, %sub3A_1025 : vector<16xf32>
      %add3A_1027 = arith.addf %add3A_1018, %mul3A_1026 : vector<16xf32>
      %get3A_1028 = arith.index_cast %scan3A_1008 : i32 to index
      %get3A_1029 = arith.constant 32 : index
      %get3A_1030 = tpu.vector_load %arg10[%get3A_1028, %get3A_1029] {strides = array<i32>} : memref<64x128xf32, #tpu.memory_space<vmem>>, vector<16xf32>,
      %get3A_1031 = arith.index_cast %scan3A_1008 : i32 to index
      %get3A_1032 = arith.constant 32 : index
      %get3A_1033 = tpu.vector_load %arg12[%get3A_1031, %get3A_1032] {strides = array<i32>} : memref<64x128xf32, #tpu.memory_space<vmem>>, vector<16xf32>,
      %sub3A_1034 = arith.subf %get3A_1030, %get3A_1033 : vector<16xf32>
      %mul3A_1035 = arith.mulf %sub3A_1034, %sub3A_1034 : vector<16xf32>
      %add3A_1036 = arith.addf %add3A_1027, %mul3A_1035 : vector<16xf32>
      %get3A_1037 = arith.index_cast %scan3A_1008 : i32 to index
      %get3A_1038 = arith.constant 48 : index
      %get3A_1039 = tpu.vector_load %arg10[%get3A_1037, %get3A_1038] {strides = array<i32>} : memref<64x128xf32, #tpu.memory_space<vmem>>, vector<16xf32>,
      %get3A_1040 = arith.index_cast %scan3A_1008 : i32 to index
      %get3A_1041 = arith.constant 48 : index
      %get3A_1042 = tpu.vector_load %arg12[%get3A_1040, %get3A_1041] {strides = array<i32>} : memref<64x128xf32, #tpu.memory_space<vmem>>, vector<16xf32>,
      %sub3A_1043 = arith.subf %get3A_1039, %get3A_1042 : vector<16xf32>
      %mul3A_1044 = arith.mulf %sub3A_1043, %sub3A_1043 : vector<16xf32>
      %add3A_1045 = arith.addf %add3A_1036, %mul3A_1044 : vector<16xf32>
      %get3A_1046 = arith.index_cast %scan3A_1008 : i32 to index
      %get3A_1047 = arith.constant 64 : index
      %get3A_1048 = tpu.vector_load %arg10[%get3A_1046, %get3A_1047] {strides = array<i32>} : memref<64x128xf32, #tpu.memory_space<vmem>>, vector<16xf32>,
      %get3A_1049 = arith.index_cast %scan3A_1008 : i32 to index
      %get3A_1050 = arith.constant 64 : index
      %get3A_1051 = tpu.vector_load %arg12[%get3A_1049, %get3A_1050] {strides = array<i32>} : memref<64x128xf32, #tpu.memory_space<vmem>>, vector<16xf32>,
      %sub3A_1052 = arith.subf %get3A_1048, %get3A_1051 : vector<16xf32>
      %mul3A_1053 = arith.mulf %sub3A_1052, %sub3A_1052 : vector<16xf32>
      %add3A_1054 = arith.addf %add3A_1045, %mul3A_1053 : vector<16xf32>
      %get3A_1055 = arith.index_cast %scan3A_1008 : i32 to index
      %get3A_1056 = arith.constant 80 : index
      %get3A_1057 = tpu.vector_load %arg10[%get3A_1055, %get3A_1056] {strides = array<i32>} : memref<64x128xf32, #tpu.memory_space<vmem>>, vector<16xf32>,
      %get3A_1058 = arith.index_cast %scan3A_1008 : i32 to index
      %get3A_1059 = arith.constant 80 : index
      %get3A_1060 = tpu.vector_load %arg12[%get3A_1058, %get3A_1059] {strides = array<i32>} : memref<64x128xf32, #tpu.memory_space<vmem>>, vector<16xf32>,
      %sub3A_1061 = arith.subf %get3A_1057, %get3A_1060 : vector<16xf32>
      %mul3A_1062 = arith.mulf %sub3A_1061, %sub3A_1061 : vector<16xf32>
      %add3A_1063 = arith.addf %add3A_1054, %mul3A_1062 : vector<16xf32>
      %get3A_1064 = arith.index_cast %scan3A_1008 : i32 to index
      %get3A_1065 = arith.constant 96 : index
      %get3A_1066 = tpu.vector_load %arg10[%get3A_1064, %get3A_1065] {strides = array<i32>} : memref<64x128xf32, #tpu.memory_space<vmem>>, vector<16xf32>,
      %get3A_1067 = arith.index_cast %scan3A_1008 : i32 to index
      %get3A_1068 = arith.constant 96 : index
      %get3A_1069 = tpu.vector_load %arg12[%get3A_1067, %get3A_1068] {strides = array<i32>} : memref<64x128xf32, #tpu.memory_space<vmem>>, vector<16xf32>,
      %sub3A_1070 = arith.subf %get3A_1066, %get3A_1069 : vector<16xf32>
      %mul3A_1071 = arith.mulf %sub3A_1070, %sub3A_1070 : vector<16xf32>
      %add3A_1072 = arith.addf %add3A_1063, %mul3A_1071 : vector<16xf32>
      %get3A_1073 = arith.index_cast %scan3A_1008 : i32 to index
      %get3A_1074 = arith.constant 112 : index
      %get3A_1075 = tpu.vector_load %arg10[%get3A_1073, %get3A_1074] {strides = array<i32>} : memref<64x128xf32, #tpu.memory_space<vmem>>, vector<16xf32>,
      %get3A_1076 = arith.index_cast %scan3A_1008 : i32 to index
      %get3A_1077 = arith.constant 112 : index
      %get3A_1078 = tpu.vector_load %arg12[%get3A_1076, %get3A_1077] {strides = array<i32>} : memref<64x128xf32, #tpu.memory_space<vmem>>, vector<16xf32>,
      %sub3A_1079 = arith.subf %get3A_1075, %get3A_1078 : vector<16xf32>
      %mul3A_1080 = arith.mulf %sub3A_1079, %sub3A_1079 : vector<16xf32>
      %add3A_1081 = arith.addf %add3A_1072, %mul3A_1080 : vector<16xf32>
      scf.yield %add3A_1081 : vector<16xf32>
    }
    %scan3A_985 = arith.constant 64 : i32
    %add3A_986 = arith.constant 448 : i32
    %add3A_987 = arith.addi %mul3A_2, %add3A_986 : i32
    %dma_wait3A_988 = arith.constant 0 : i32
    %dma_wait3A_989 = tpu.memref_slice %arg2[%add3A_987, %dma_wait3A_988] : memref<16384x128xf32, #tpu.memory_space<hbm>> -> memref<64x128xf32, #tpu.memory_space<hbm>>
    %dma_wait3A_990 = arith.constant 0 : i32
    %dma_wait3A_991 = tpu.memref_slice %arg2[%add3A_987, %dma_wait3A_990] : memref<16384x128xf32, #tpu.memory_space<hbm>> -> memref<64x128xf32, #tpu.memory_space<hbm>>
    tpu.wait_dma2 semaphore(%arg18 : memref<!tpu.dma_semaphore, #tpu.memory_space<semaphore_mem>>) src(%dma_wait3A_991 : memref<64x128xf32, #tpu.memory_space<hbm>>) dst(%arg11 : memref<64x128xf32, #tpu.memory_space<vmem>>)
    %dma_wait3A_992 = arith.constant 448 : i32
    %dma_wait3A_993 = tpu.memref_slice %arg7[%dma_wait3A_992] : memref<512xi32, #tpu.memory_space<vmem>> -> memref<64xi32, #tpu.memory_space<vmem>>
    %dma_wait3A_994 = arith.constant 0 : i32
    %dma_wait3A_995 = arith.constant 0 : i32
    %dma_wait3A_996 = tpu.memref_slice %arg5[%dma_wait3A_994, %dma_wait3A_995] : memref<1000x128xf32, #tpu.memory_space<hbm>> -> memref<1000x128xf32, #tpu.memory_space<hbm>>
    tpu.wait_indirect_dma semaphore(%arg20 : memref<!tpu.dma_semaphore, #tpu.memory_space<semaphore_mem>>) src(%dma_wait3A_996 : memref<1000x128xf32, #tpu.memory_space<hbm>>) dst(%arg13 : memref<64x128xf32, #tpu.memory_space<vmem>>)
    %scan3A_997 = arith.constant 0 : i32
    %scan3A_998 = arith.constant 64 : i32
    %scan3A_999 = arith.addi %scan3A_997, %scan3A_998 : i32
    %scan3A_1000 = arith.constant 1 : i32
    %scan3A_1001 = scf.for %scan3A_1008 = %scan3A_997 to %scan3A_999 step %scan3A_1000 iter_args(%scan3A_1009 = %scan3A_984) -> (vector<16xf32>)  : i32 {
      %get3A_1010 = arith.index_cast %scan3A_1008 : i32 to index
      %get3A_1011 = arith.constant 0 : index
      %get3A_1012 = tpu.vector_load %arg11[%get3A_1010, %get3A_1011] {strides = array<i32>} : memref<64x128xf32, #tpu.memory_space<vmem>>, vector<16xf32>,
      %get3A_1013 = arith.index_cast %scan3A_1008 : i32 to index
      %get3A_1014 = arith.constant 0 : index
      %get3A_1015 = tpu.vector_load %arg13[%get3A_1013, %get3A_1014] {strides = array<i32>} : memref<64x128xf32, #tpu.memory_space<vmem>>, vector<16xf32>,
      %sub3A_1016 = arith.subf %get3A_1012, %get3A_1015 : vector<16xf32>
      %mul3A_1017 = arith.mulf %sub3A_1016, %sub3A_1016 : vector<16xf32>
      %add3A_1018 = arith.addf %scan3A_1009, %mul3A_1017 : vector<16xf32>
      %get3A_1019 = arith.index_cast %scan3A_1008 : i32 to index
      %get3A_1020 = arith.constant 16 : index
      %get3A_1021 = tpu.vector_load %arg11[%get3A_1019, %get3A_1020] {strides = array<i32>} : memref<64x128xf32, #tpu.memory_space<vmem>>, vector<16xf32>,
      %get3A_1022 = arith.index_cast %scan3A_1008 : i32 to index
      %get3A_1023 = arith.constant 16 : index
      %get3A_1024 = tpu.vector_load %arg13[%get3A_1022, %get3A_1023] {strides = array<i32>} : memref<64x128xf32, #tpu.memory_space<vmem>>, vector<16xf32>,
      %sub3A_1025 = arith.subf %get3A_1021, %get3A_1024 : vector<16xf32>
      %mul3A_1026 = arith.mulf %sub3A_1025, %sub3A_1025 : vector<16xf32>
      %add3A_1027 = arith.addf %add3A_1018, %mul3A_1026 : vector<16xf32>
      %get3A_1028 = arith.index_cast %scan3A_1008 : i32 to index
      %get3A_1029 = arith.constant 32 : index
      %get3A_1030 = tpu.vector_load %arg11[%get3A_1028, %get3A_1029] {strides = array<i32>} : memref<64x128xf32, #tpu.memory_space<vmem>>, vector<16xf32>,
      %get3A_1031 = arith.index_cast %scan3A_1008 : i32 to index
      %get3A_1032 = arith.constant 32 : index
      %get3A_1033 = tpu.vector_load %arg13[%get3A_1031, %get3A_1032] {strides = array<i32>} : memref<64x128xf32, #tpu.memory_space<vmem>>, vector<16xf32>,
      %sub3A_1034 = arith.subf %get3A_1030, %get3A_1033 : vector<16xf32>
      %mul3A_1035 = arith.mulf %sub3A_1034, %sub3A_1034 : vector<16xf32>
      %add3A_1036 = arith.addf %add3A_1027, %mul3A_1035 : vector<16xf32>
      %get3A_1037 = arith.index_cast %scan3A_1008 : i32 to index
      %get3A_1038 = arith.constant 48 : index
      %get3A_1039 = tpu.vector_load %arg11[%get3A_1037, %get3A_1038] {strides = array<i32>} : memref<64x128xf32, #tpu.memory_space<vmem>>, vector<16xf32>,
      %get3A_1040 = arith.index_cast %scan3A_1008 : i32 to index
      %get3A_1041 = arith.constant 48 : index
      %get3A_1042 = tpu.vector_load %arg13[%get3A_1040, %get3A_1041] {strides = array<i32>} : memref<64x128xf32, #tpu.memory_space<vmem>>, vector<16xf32>,
      %sub3A_1043 = arith.subf %get3A_1039, %get3A_1042 : vector<16xf32>
      %mul3A_1044 = arith.mulf %sub3A_1043, %sub3A_1043 : vector<16xf32>
      %add3A_1045 = arith.addf %add3A_1036, %mul3A_1044 : vector<16xf32>
      %get3A_1046 = arith.index_cast %scan3A_1008 : i32 to index
      %get3A_1047 = arith.constant 64 : index
      %get3A_1048 = tpu.vector_load %arg11[%get3A_1046, %get3A_1047] {strides = array<i32>} : memref<64x128xf32, #tpu.memory_space<vmem>>, vector<16xf32>,
      %get3A_1049 = arith.index_cast %scan3A_1008 : i32 to index
      %get3A_1050 = arith.constant 64 : index
      %get3A_1051 = tpu.vector_load %arg13[%get3A_1049, %get3A_1050] {strides = array<i32>} : memref<64x128xf32, #tpu.memory_space<vmem>>, vector<16xf32>,
      %sub3A_1052 = arith.subf %get3A_1048, %get3A_1051 : vector<16xf32>
      %mul3A_1053 = arith.mulf %sub3A_1052, %sub3A_1052 : vector<16xf32>
      %add3A_1054 = arith.addf %add3A_1045, %mul3A_1053 : vector<16xf32>
      %get3A_1055 = arith.index_cast %scan3A_1008 : i32 to index
      %get3A_1056 = arith.constant 80 : index
      %get3A_1057 = tpu.vector_load %arg11[%get3A_1055, %get3A_1056] {strides = array<i32>} : memref<64x128xf32, #tpu.memory_space<vmem>>, vector<16xf32>,
      %get3A_1058 = arith.index_cast %scan3A_1008 : i32 to index
      %get3A_1059 = arith.constant 80 : index
      %get3A_1060 = tpu.vector_load %arg13[%get3A_1058, %get3A_1059] {strides = array<i32>} : memref<64x128xf32, #tpu.memory_space<vmem>>, vector<16xf32>,
      %sub3A_1061 = arith.subf %get3A_1057, %get3A_1060 : vector<16xf32>
      %mul3A_1062 = arith.mulf %sub3A_1061, %sub3A_1061 : vector<16xf32>
      %add3A_1063 = arith.addf %add3A_1054, %mul3A_1062 : vector<16xf32>
      %get3A_1064 = arith.index_cast %scan3A_1008 : i32 to index
      %get3A_1065 = arith.constant 96 : index
      %get3A_1066 = tpu.vector_load %arg11[%get3A_1064, %get3A_1065] {strides = array<i32>} : memref<64x128xf32, #tpu.memory_space<vmem>>, vector<16xf32>,
      %get3A_1067 = arith.index_cast %scan3A_1008 : i32 to index
      %get3A_1068 = arith.constant 96 : index
      %get3A_1069 = tpu.vector_load %arg13[%get3A_1067, %get3A_1068] {strides = array<i32>} : memref<64x128xf32, #tpu.memory_space<vmem>>, vector<16xf32>,
      %sub3A_1070 = arith.subf %get3A_1066, %get3A_1069 : vector<16xf32>
      %mul3A_1071 = arith.mulf %sub3A_1070, %sub3A_1070 : vector<16xf32>
      %add3A_1072 = arith.addf %add3A_1063, %mul3A_1071 : vector<16xf32>
      %get3A_1073 = arith.index_cast %scan3A_1008 : i32 to index
      %get3A_1074 = arith.constant 112 : index
      %get3A_1075 = tpu.vector_load %arg11[%get3A_1073, %get3A_1074] {strides = array<i32>} : memref<64x128xf32, #tpu.memory_space<vmem>>, vector<16xf32>,
      %get3A_1076 = arith.index_cast %scan3A_1008 : i32 to index
      %get3A_1077 = arith.constant 112 : index
      %get3A_1078 = tpu.vector_load %arg13[%get3A_1076, %get3A_1077] {strides = array<i32>} : memref<64x128xf32, #tpu.memory_space<vmem>>, vector<16xf32>,
      %sub3A_1079 = arith.subf %get3A_1075, %get3A_1078 : vector<16xf32>
      %mul3A_1080 = arith.mulf %sub3A_1079, %sub3A_1079 : vector<16xf32>
      %add3A_1081 = arith.addf %add3A_1072, %mul3A_1080 : vector<16xf32>
      scf.yield %add3A_1081 : vector<16xf32>
    }
    %scan3A_1002 = arith.constant 64 : i32
    %mul3A_1003 = arith.constant 2.500000e-01 : f32
    %mul3A_1004 = vector.broadcast %mul3A_1003 : f32 to vector<16xf32>
    %mul3A_1005 = arith.mulf %mul3A_1004, %scan3A_1001 : vector<16xf32>
    %sub3A_1006 = arith.subf %mul3A_1005, %add3A_777 : vector<16xf32>
    %swap3A = arith.constant 0 : index
    %swap3A_1007 = tpu.vector_load %arg14[%swap3A] {strides = array<i32>} : memref<16xf32, #tpu.memory_space<vmem>>, vector<16xf32>,
    tpu.vector_store %arg14[%swap3A], %sub3A_1006 {strides = array<i32>} : memref<16xf32, #tpu.memory_space<vmem>>, vector<16xf32>,
    "tpu.region"() ({
      %run_scoped3A = tpu.sem_alloc : memref<!tpu.dma_semaphore, #tpu.memory_space<semaphore_mem>>
      %dma_start3A_1008 = arith.constant 0 : i32
      %dma_start3A_1009 = tpu.memref_slice %arg6[%add3A, %dma_start3A_1008] : memref<32x16xf32, #tpu.memory_space<hbm>> -> memref<1x16xf32, #tpu.memory_space<hbm>>
      %dma_start3A_1010 = tpu.memref_squeeze %dma_start3A_1009 : memref<1x16xf32, #tpu.memory_space<hbm>> -> memref<16xf32, #tpu.memory_space<hbm>>
      %dma_start3A_1011 = arith.constant 0 : i32
      %dma_start3A_1012 = tpu.memref_slice %arg6[%add3A, %dma_start3A_1011] : memref<32x16xf32, #tpu.memory_space<hbm>> -> memref<1x16xf32, #tpu.memory_space<hbm>>
      %dma_start3A_1013 = tpu.memref_squeeze %dma_start3A_1012 : memref<1x16xf32, #tpu.memory_space<hbm>> -> memref<16xf32, #tpu.memory_space<hbm>>
      tpu.enqueue_dma source(%arg14 : memref<16xf32, #tpu.memory_space<vmem>>) target(%dma_start3A_1013 : memref<16xf32, #tpu.memory_space<hbm>>) target_semaphore(%run_scoped3A : memref<!tpu.dma_semaphore, #tpu.memory_space<semaphore_mem>>)
      %dma_wait3A_1014 = arith.constant 0 : i32
      %dma_wait3A_1015 = tpu.memref_slice %arg6[%add3A, %dma_wait3A_1014] : memref<32x16xf32, #tpu.memory_space<hbm>> -> memref<1x16xf32, #tpu.memory_space<hbm>>
      %dma_wait3A_1016 = tpu.memref_squeeze %dma_wait3A_1015 : memref<1x16xf32, #tpu.memory_space<hbm>> -> memref<16xf32, #tpu.memory_space<hbm>>
      %dma_wait3A_1017 = arith.constant 0 : i32
      %dma_wait3A_1018 = tpu.memref_slice %arg6[%add3A, %dma_wait3A_1017] : memref<32x16xf32, #tpu.memory_space<hbm>> -> memref<1x16xf32, #tpu.memory_space<hbm>>
      %dma_wait3A_1019 = tpu.memref_squeeze %dma_wait3A_1018 : memref<1x16xf32, #tpu.memory_space<hbm>> -> memref<16xf32, #tpu.memory_space<hbm>>
      tpu.wait_dma2 semaphore(%run_scoped3A : memref<!tpu.dma_semaphore, #tpu.memory_space<semaphore_mem>>) src(%arg14 : memref<16xf32, #tpu.memory_space<vmem>>) dst(%dma_wait3A_1019 : memref<16xf32, #tpu.memory_space<hbm>>)
      tpu.yield
    }) : () -> ()
    return
  }
}

module attributes {stable_mosaic.version = 14 : i64} {
  func.func @_tc_body(%arg0: i32, %arg1: memref<896x2048xf32, #tpu.memory_space<vmem>>, %arg2: memref<1x2048xi32, #tpu.memory_space<vmem>>, %arg3: memref<1x2048xf32, #tpu.memory_space<vmem>>) attributes {dimension_semantics = [#tpu.dimension_semantics<arbitrary>], iteration_bounds = array<i64: 8>, scalar_prefetch = 0 : i64, scratch_operands = 0 : i64, tpu.core_type = #tpu.core_type<tc>, window_params = [{transform_indices = @transform_0, window_bounds = array<i64: 896, 2048>}, {transform_indices = @transform_1, window_bounds = array<i64: 1, 2048>}, {transform_indices = @transform_2, window_bounds = array<i64: 1, 2048>}]} {
    %get3A = arith.constant 0 : index
    %get3A_0 = arith.constant 0 : index
    %get3A_1 = vector.load %arg2[%get3A, %get3A_0] : memref<1x2048xi32, #tpu.memory_space<vmem>>, vector<1x2048xi32>
    %get3A_2 = vector.shape_cast %get3A_1 : vector<1x2048xi32> to vector<2048xi32>
    %iota3A = tpu.iota {dimensions = array<i32: 0>} : vector<896x2048xi32>
    %broadcast_in_dim3A = vector.shape_cast %get3A_2 : vector<2048xi32> to vector<1x2048xi32>
    %eq3A = vector.broadcast %broadcast_in_dim3A : vector<1x2048xi32> to vector<896x2048xi32>
    %eq3A_3 = arith.cmpi eq, %iota3A, %eq3A : vector<896x2048xi32>
    %get3A_4 = arith.constant 0 : index
    %get3A_5 = arith.constant 0 : index
    %get3A_6 = vector.load %arg1[%get3A_4, %get3A_5] : memref<896x2048xf32, #tpu.memory_space<vmem>>, vector<896x2048xf32>
    %jit3A = arith.constant 0.000000e+00 : f32
    %broadcast_in_dim3A_7 = vector.broadcast %jit3A : f32 to vector<896x2048xf32>
    %select_n3A = arith.select %eq3A_3, %get3A_6, %broadcast_in_dim3A_7 : vector<896x2048xi1>, vector<896x2048xf32>
    %reduce_sum3A = arith.constant dense<0.000000e+00> : vector<2048xf32>
    %reduce_sum3A_8 = vector.multi_reduction <add>, %select_n3A, %reduce_sum3A [0] : vector<896x2048xf32> to vector<2048xf32>
    %broadcast_in_dim3A_9 = vector.shape_cast %reduce_sum3A_8 : vector<2048xf32> to vector<1x2048xf32>
    %swap3A = arith.constant 0 : index
    %swap3A_10 = arith.constant 0 : index
    %swap3A_11 = vector.load %arg3[%swap3A, %swap3A_10] : memref<1x2048xf32, #tpu.memory_space<vmem>>, vector<1x2048xf32>
    tpu.vector_store %arg3[%swap3A, %swap3A_10], %broadcast_in_dim3A_9 {strides = array<i32>} : memref<1x2048xf32, #tpu.memory_space<vmem>>, vector<1x2048xf32>,
    return
  }
  func.func @transform_0(%arg0: i32) -> (i32, i32) {
    %c0_i32 = arith.constant 0 : i32
    %c0_i32_0 = arith.constant 0 : i32
    return %c0_i32, %arg0 : i32, i32
  }
  func.func @transform_1(%arg0: i32) -> (i32, i32) {
    %c0_i32 = arith.constant 0 : i32
    %c0_i32_0 = arith.constant 0 : i32
    return %c0_i32, %arg0 : i32, i32
  }
  func.func @transform_2(%arg0: i32) -> (i32, i32) {
    %c0_i32 = arith.constant 0 : i32
    %c0_i32_0 = arith.constant 0 : i32
    return %c0_i32, %arg0 : i32, i32
  }
}

</mosaic_0001>

<sc_bundles>
// kernel: _loss.4.cloned.1.call-start
scs
__scs_entry_jumppad:
0x0: {  	(pc) =	sbr.rel $0x88, $3  }
0x1: {  	(tag) =	ssettag $0x0;
	lr =	simm.s32 $0x1  }
0x2: {  	[smem:$0x3F9D] =	sst lr;
	_ =	strace $0xD0000000  }
0x3: {  	_ = 	snop  }
0x4: {  	_ = 	snop  }
0x5: {  	_ = 	snop  }
0x6: {  	_ = 	snop  }
0x7: {  	_ = 	snop  }
__scs_overlays_trampoline_lowered:
0x8: {  	[smem:$0x3FAC] =	sst s0  }
0x9: {  	[smem:$0x3FAD] =	sst s1  }
0xa: {  	[smem:$0x3FAE] =	sst s2  }
0xb: {  	[smem:$0x3FAF] =	sst s3  }
0xc: {  	[smem:$0x3FB0] =	sst s4  }
0xd: {  	[smem:$0x3FB1] =	sst s5  }
0xe: {  	[smem:$0x3FB2] =	sst s6  }
0xf: {  	[smem:$0x3FB3] =	sst s7  }
0x10: {  	[smem:$0x3FB4] =	sst s8  }
0x11: {  	[smem:$0x3FB5] =	sst s9;
	s0 =	simm.s32 @!p0 $0x0  }
0x12: {  	s1 =	sld [smem:$0x3F9B];
	s0 =	simm.s32 @p0 $0x1  }
0x13: {  	[smem:$0x3FB6] =	sst s0;
	s0 =	simm.s32 @!p1 $0x0  }
0x14: {  	s2 =	sld [smem:$0x3F9A];
	s0 =	simm.s32 @p1 $0x1  }
0x15: {  	[smem:$0x3FB7] =	sst s0;
	s0 =	simm.s32 @!p2 $0x0  }
0x16: {  	s3 =	sld [smem:$0x3FDB];
	s0 =	simm.s32 @p2 $0x1  }
0x17: {  	s4 =	simm.s32 $0x1BF5;
	[smem:$0x3FB9] =	sst s0  }
0x18: {  	s0 =	sld [smem:$0x3F9C];
	_ =	swait.ge [sflag:s4], $0x0  }
0x19: {  	s7 =	sld [smem:$0x3F9D]  }
0x1a: {  	s8 =	sadd.s32 $0xFFFFE003, lr  }
0x1b: {  	s9 =	sadd.s32 $0xFFFFFEF7, lr;
	s5 =	simm.s32 $0xFFFFFFFF;
	p2 =	slt.u32 s8, $0xFFFFF086  }
0x1c: {  	p1 =	slt.u32 s9, $0xF7A;
	s5 =	simm.s32 @!p2 $0x0  }
0x1d: {  	s5 =	simm.s32 @p1 $0x1;
	p0 =	seq.s32 s7, s2  }
0x1e: {  	s7 =	smul.u32 @!p0 $0xF7A, s2;
	p2 =	seq.s32 @!p0 s5, $0x0  }
0x1f: {  	s9 =	smul.u32 $0xF7A, s1;
	s8 =	simm.s32 @!p0 $0x1BF5;
	p2 =	por !p2, p0  }
0x20: {  	[sflag:s8] =	ssyncset.s32 @!p0 $0xFFFFF086;
	s6 =	sadd.s32 @!p0 s3, s7;
	s7 =	simm.s32 @!p0 $0x108  }
0x21: {  	s3 =	sadd.s32 s3, s9;
	s6 =	sadd.s32 @!p0 $0x88, s6;
	s7 =	simm.s32 @p2 $0x1082  }
0x22: {  	[simem:s7], [sflag:s8] =	dma.local @!p0 [hbm:s6], $0xF7A  }
0x23: {  	s9 =	sor.u32 $0xD0000000, s2;
	s6 =	simm.s32 $0x108;
	_ =	swait.ge @!p0 [sflag:s8], $0x0  }
0x24: {  	s3 =	sadd.s32 $0x88, s3;
	s6 =	simm.s32 @!p1 $0x1082;
	[sflag:s4] =	ssyncset.s32 $0xFFFFF086  }
0x25: {  	[simem:s6], [sflag:s4] =	dma.local [hbm:s3], $0xF7A  }
0x26: {  	[smem:$0x3F9D] =	sst s1;
	(tag) =	ssettag s2;
	_ =	strace s9  }
0x27: {  	s1 =	sld [smem:$0x3FAD]  }
0x28: {  	s2 =	sld [smem:$0x3FAE]  }
0x29: {  	s4 =	sld [smem:$0x3FB0]  }
0x2a: {  	p0 =	seq.s32 s5, $0x0;
	s5 =	sld [smem:$0x3FB1]  }
0x2b: {  	s6 =	sld [smem:$0x3FB2]  }
0x2c: {  	s7 =	sld [smem:$0x3FB3]  }
0x2d: {  	s3 =	simm.s32 $0x108;
	s8 =	sld [smem:$0x3FB4]  }
0x2e: {  	s3 =	simm.s32 @!p0 $0x1082;
	s9 =	sld [smem:$0x3FB5]  }
0x2f: {  	lr =	sadd.s32 s0, s3;
	s0 =	sld [smem:$0x3FAC]  }
0x30: {  	s3 =	sld [smem:$0x3FAF]  }
0x31: {  	[smem:$0x3FB8] =	sst s10  }
0x32: {  	s10 =	sld [smem:$0x3FB6];
	_ =	sdelay $0x3  }
0x33: {  	p0 =	seq.s32 s10, $0x1;
	s10 =	sld [smem:$0x3FB8];
	_ =	sdelay $0x3  }
0x34: {  	[smem:$0x3FB8] =	sst s10  }
0x35: {  	s10 =	sld [smem:$0x3FB7];
	_ =	sdelay $0x3  }
0x36: {  	p1 =	seq.s32 s10, $0x1;
	s10 =	sld [smem:$0x3FB8];
	_ =	sdelay $0x3  }
0x37: {  	[smem:$0x3FB8] =	sst s10  }
0x38: {  	s10 =	sld [smem:$0x3FB9]  }
0x39: {  	_ = 	snop;
	(pc) =	sbr.ind lr, $3  }
0x3a: {  	_ = 	snop  }
0x3b: {  	_ = 	snop  }
0x3c: {  	p2 =	seq.s32 s10, $0x1;
	s10 =	sld [smem:$0x3FB8]  }
0x3d: {  	_ =	shalt  }
0x3e: {  	_ =	shalt  }
0x3f: {  	_ =	shalt  }
0x40: {  	_ =	shalt  }
0x41: {  	_ =	shalt  }
0x42: {  	_ =	shalt  }
0x43: {  	_ =	shalt  }
0x44: {  	_ =	shalt  }
0x45: {  	_ =	shalt  }
0x46: {  	_ =	shalt  }
0x47: {  	_ =	shalt  }
0x48: {  	_ =	shalt  }
0x49: {  	_ =	shalt  }
0x4a: {  	_ =	shalt  }
0x4b: {  	_ =	shalt  }
0x4c: {  	_ =	shalt  }
0x4d: {  	_ =	shalt  }
0x4e: {  	_ =	shalt  }
0x4f: {  	_ =	shalt  }
0x50: {  	_ =	shalt  }
0x51: {  	_ =	shalt  }
0x52: {  	_ =	shalt  }
0x53: {  	_ =	shalt  }
0x54: {  	_ =	shalt  }
0x55: {  	_ =	shalt  }
0x56: {  	_ =	shalt  }
0x57: {  	_ =	shalt  }
0x58: {  	_ =	shalt  }
0x59: {  	_ =	shalt  }
0x5a: {  	_ =	shalt  }
0x5b: {  	_ =	shalt  }
0x5c: {  	_ =	shalt  }
0x5d: {  	_ =	shalt  }
0x5e: {  	_ =	shalt  }
0x5f: {  	_ =	shalt  }
0x60: {  	_ =	shalt  }
0x61: {  	_ =	shalt  }
0x62: {  	_ =	shalt  }
0x63: {  	_ =	shalt  }
0x64: {  	_ =	shalt  }
0x65: {  	_ =	shalt  }
0x66: {  	_ =	shalt  }
0x67: {  	_ =	shalt  }
0x68: {  	_ =	shalt  }
0x69: {  	_ =	shalt  }
0x6a: {  	_ =	shalt  }
0x6b: {  	_ =	shalt  }
0x6c: {  	_ =	shalt  }
0x6d: {  	_ =	shalt  }
0x6e: {  	_ =	shalt  }
0x6f: {  	_ =	shalt  }
0x70: {  	_ =	shalt  }
0x71: {  	_ =	shalt  }
0x72: {  	_ =	shalt  }
0x73: {  	_ =	shalt  }
0x74: {  	_ =	shalt  }
0x75: {  	_ =	shalt  }
0x76: {  	_ =	shalt  }
0x77: {  	_ =	shalt  }
0x78: {  	_ =	shalt  }
0x79: {  	_ =	shalt  }
0x7a: {  	_ =	shalt  }
0x7b: {  	_ =	shalt  }
0x7c: {  	_ =	shalt  }
0x7d: {  	_ =	shalt  }
0x7e: {  	_ =	shalt  }
0x7f: {  	_ =	shalt  }
0x80: {  	_ =	shalt  }
0x81: {  	_ =	shalt  }
0x82: {  	_ =	shalt  }
0x83: {  	_ =	shalt  }
0x84: {  	_ =	shalt  }
0x85: {  	_ =	shalt  }
0x86: {  	_ =	shalt  }
0x87: {  	_ =	shalt  }
.Lfunc_end0:
.L_simem_size_0:
called_computation_lowered:
.L_overlay_start_0:
0x88: {  	s2 =	sld [smem:$0x3FD9]  }
0x89: {  	s3 =	sld [smem:$0x3FFE];
	_ =	sdelay $0x1  }
0x8a: {  	s1 =	srdreg.scid  }
0x8b: {  	s0 =	sand.u32 $0x1, s1  }
0x8c: {  	s17 =	sshll.u32 s0, $0xA;
	s2 =	sadd.s32 s3, s2  }
0x8d: {  	s2 =	sadd.s32 s2, s17  }
0x8e: {  	[smem:$0x3FC4] =	sst s2  }
0x8f: {  	_ = 	snop  }
0x90: {  	s2 =	sld [smem:$0x3FC9]  }
0x91: {  	s18 =	sld [smem:$0x3FC8]  }
0x92: {  	s4 =	sld [smem:$0x3FC7]  }
0x93: {  	s5 =	sld [smem:$0x3FC6];
	(tm) =	ssettm $0x1  }
0x94: {  	s6 =	sld [smem:$0x3FFB];
	_ =	sdelay $0x3  }
0x95: {  	_ =	strace s6  }
0x96: {  	s6 =	sld [smem:$0x3FFC];
	_ =	sdelay $0x3  }
0x97: {  	_ =	strace s6  }
0x98: {  	s6 =	sld [smem:$0x3FFD];
	_ =	sdelay $0x3  }
0x99: {  	_ =	strace s6  }
0x9a: {  	_ =	strace $0x8FFFFFFF  }
0x9b: {  	s19 =	sld [smem:$0x3FDB];
	_ =	sdelay $0x1  }
0x9c: {  	s7 =	simm.s32 $_scs_section_size  }
0x9d: {  	s8 =	simm.s32 $_size__tile_overlayer_lowered;
	s9 =	simm.s32 $_tile_overlayer_lowered  }
0x9e: {  	s22 =	simm.s32 $0x1BFF;
	s21 =	sshll.u32 s9, $0x1;
	s6 =	sadd.s32 s7, s19  }
0x9f: {  	s10 =	simm.s32 $0x0;
	s20 =	sshll.u32 s8, $0x1;
	s8 =	sadd.s32 s21, s6  }
0xa0: {  	[timem:s10], [sflag:s22] =	dma.local [hbm:s8], s20  }
0xa1: {  	_ =	swait.ge [sflag:s22], s20  }
0xa2: {  	s7 =	ssub.s32 $0x0, s20;
	[sflag:s22] =	ssyncset.done $0x0  }
0xa3: {  	[sflag:s22] =	ssyncadd.s32 s7;
	_ =	sdelay $0x1  }
0xa4: {  	s23 =	simm.s32 $0x1B8B  }
0xa5: {  	_ =	swait.ge [sflag:s23], $0x1  }
0xa6: {  	[sflag:s23] =	ssyncset.done $0x0  }
0xa7: {  	s25 =	simm.s32 $0x1B8E;
	s24 =	sld [smem:$0x3FFE];
	[sflag:s23] =	ssyncadd.s32 $0xFFFFFFFF  }
0xa8: {  	s26 =	simm.s32 $execute0_lowered;
	[smem:$0x3FD2] =	sst s25  }
0xa9: {  	s8 =	sshll.u32 s26, $0x1;
	_ =	strace $0x80000046;
	[dreg:$0x1] =	wrdreg $0xFFFFFFFF  }
0xaa: {  	s28 =	simm.s32 $_size_execute0_lowered;
	s6 =	sadd.s32 s6, s8;
	[dreg:$0x0] =	wrdreg $0x0  }
0xab: {  	s8 =	sshll.u32 s28, $0x1;
	[dreg:$0x2] =	wrdreg s6  }
0xac: {  	[dreg:$0x3] =	wrdreg s8  }
0xad: {  	[dreg:$0x4] =	wrdreg $0xC0  }
0xae: {  	_ =	task [dreg:s10], $0x5FFFF  }
0xaf: {  	[dreg:$0x1] =	wrdreg $0xFFFFFFFF  }
0xb0: {  	[dreg:$0x0] =	wrdreg $0x60  }
0xb1: {  	[dreg:$0x2] =	wrdreg s2  }
0xb2: {  	[dreg:$0x3] =	wrdreg s18  }
0xb3: {  	[dreg:$0x4] =	wrdreg s4  }
0xb4: {  	[dreg:$0x5] =	wrdreg s5  }
0xb5: {  	[dreg:$0x6] =	wrdreg s24  }
0xb6: {  	[dreg:$0x7] =	wrdreg $0x9  }
0xb7: {  	_ =	task.clear_ibuf [dreg:s10], $0x8FFFF;
	_ =	strace $0x90000046  }
0xb8: {  	s29 =	simm.s32 $0x9;
	_ =	strace $0x80000048  }
0xb9: {  	_ =	swait.ge [sflag:s29], $0x1  }
0xba: {  	[sflag:s29] =	ssyncadd.s32 $0xFFFFFFFF  }
0xbb: {  	_ =	strace $0x90000048  }
0xbc: {  	_ =	sfence  }
0xbd: {  	s30 =	sld [smem:$0x0];
	_ =	sdelay $0x2  }
0xbe: {  	s31 =	sshll.u32 s1, $0xD;
	s1 =	sshrl.u32 s1, $0x2  }
0xbf: {  	s3 =	sand.u32 $0x4000, s31;
	s1 =	sadd.s32 s1, s30  }
0xc0: {  	s0 =	sor.u32 s3, s0;
	s1 =	sshll.u32 s1, $0x11  }
0xc1: {  	s0 =	sor.u32 s1, s0  }
0xc2: {  	s0 =	sadd.s32 $0x8F2B, s0  }
0xc3: {  	[sflag:s0] =	ssyncadd.remote.s32 $0x1  }
0xc4: {  	_ =	sfence.sel $0xFFFF  }
0xc5: {  	[dreg:$0x0] =	wrdreg $0xFFFFFFFF;
	(pc) =	sbr.abs _section_cstart, $3  }
0xc6: {  	[dreg:$0x1] =	wrdreg $0xFFFFFFFF  }
0xc7: {  	_ =	task.clear_ibuf [dreg:s10], $0x2FFFF;
	_ =	strace $0x9FFFFFFF  }
0xc8: {  	(tm) =	ssettm $0x7FFFFFFF  }
0xc9: {  	_ =	shalt  }
tec
execute0_lowered:
.L_overlay_start_1:
0x0: {  	(tag) =	ssettag $0x1  }
0x1: {  	s0 =	rddreg [dreg:$0x0]  }
0x2: {  	s2 =	rddreg [dreg:$0x1]  }
0x3: {  	s4 =	rddreg [dreg:$0x2]  }
0x4: {  	s1 =	rddreg [dreg:$0x3]  }
0x5: {  	s15 =	rddreg [dreg:$0x4]  }
0x6: {  	s3 =	srdreg.scid;
	s8 =	stileid.u32;
	s17 =	simm.s32 $0x7  }
0x7: {  	s20 =	simm.s32 $0x200;
	s21 =	simm.s32 $0x8200;
	s22 =	simm.s32 $0x1  }
0x8: {  	s23 =	simm.s32 $0x2;
	s28 =	simm.s32 $0x12200;
	s29 =	simm.s32 $0x16200  }
0x9: {  	s30 =	simm.s32 $0x3;
	s31 =	simm.s32 $0x5;
	s18 =	simm.s32 $0x0  }
0xa: {  	s5 =	sand.u32 $0x1, s3;
	s3 =	simm.s32 $0x0;
	s8 =	sshll.u32 s8, $0x1  }
0xb: {  	s6 =	ssub.s32 $0x2, s5;
	[smem:$0x7FF] =	sst s3;
	s14 =	sor.u32 s5, s8  }
0xc: {  	s7 =	sshrl.u32 s6, $0x1;
	_ =	strace $0x80000047;
	s5 =	sshll.u32 s14, $0x9  }
0xd: {  	s24 =	sshll.u32 s14, $0x6;
	s25 =	sshll.u32 s14, $0xD;
	s26 =	sshll.u32 s14, $0x4  }
0xe: {  	s16 =	ssub.s32 s6, s7;
	s4 =	sadd.s32 s4, s24;
	s2 =	sadd.s32 s5, s2  }
0xf: {  	v0 =	vlaneseq.u32;
	s5 =	sadd.s32 s0, s25;
	s15 =	sadd.s32 s15, s26;
	s24 =	simm.s32 $0x10200  }
0x10: {  	v1 =	vor.u32 $0x10, v0;
	v2 =	vor.u32 $0x20, v0;
	v3 =	vor.u32 $0x30, v0;
	s25 =	simm.s32 $0x40;
	s26 =	simm.s32 $0x14200;
	s0 =	simm.s32 $0x6  }
0x11: {  	v4 =	vor.u32 $0x40, v0;
	v5 =	vor.u32 $0x50, v0;
	v6 =	vor.u32 $0x60, v0;
	[dreg:$0x6] =	wrdreg s4;
	s6 =	sadd.s32 $0x1C0000, s2;
	s7 =	sadd.s32 $0x1C0100, s2  }
0x12: {  	v7 =	vor.u32 $0x70, v0;
	v8 =	vor.u32 $0x400, v0;
	v9 =	vor.u32 $0x410, v0;
	s8 =	sadd.s32 $0x400, s5;
	s9 =	sadd.s32 $0x800, s5;
	s10 =	sadd.s32 $0xC00, s5  }
0x13: {  	v10 =	vor.u32 $0x420, v0;
	v11 =	vor.u32 $0x430, v0;
	v12 =	vor.u32 $0x440, v0;
	s11 =	sadd.s32 $0x1000, s5;
	s12 =	sadd.s32 $0x1400, s5;
	s13 =	sadd.s32 $0x1800, s5  }
0x14: {  	v13 =	vor.u32 $0x450, v0;
	v14 =	vor.u32 $0x460, v0;
	v15 =	vor.u32 $0x470, v0;
	[tilespmem:$0x1FFF0] =	vst v1;
	s14 =	sadd.s32 $0x1C00, s5;
	s16 =	smax.u32 s16, $0x1;
	s2 =	simm.s32 $0x4  }
.LBB2_1:
0x15: {  	s4 =	rddreg [dreg:$0x6]  }
0x16: {  	[tilespmem:s3], [sflag:$0x7] =	stream.linear.gather [hbm4b:s4+s3], $0x200, $0x38;
	[tilespmem:$0x18280] =	vst v63  }
0x17: {  	_ =	swait.ge [sflag:s17], $0x200  }
0x18: {  	[sflag:s17] =	ssyncset.done $0x0  }
0x19: {  	s19 =	simm.s32 $0x20000;
	s4 =	simm.s32 $0x800;
	[sflag:s17] =	ssyncadd.s32 $0xFFFFFE00  }
0x1a: {  	[tilespmem:s20], [sflag:$0x1] =	stream.strided.gather [hbm4b:s6+s4], $0x6800, s19, s4, $0x38;
	[tilespmem:$0x18280] =	vst v63  }
0x1b: {  	_ = 	snop  }
0x1c: {  	[tilespmem:s21], [sflag:$0x2] =	stream.strided.gather [hbm4b:s7+s4], $0x6800, s19, s4, $0x38;
	[tilespmem:$0x18280] =	vst v63  }
0x1d: {  	_ =	swait.ge [sflag:s22], $0x6800  }
0x1e: {  	[sflag:s22] =	ssyncset.done $0x0  }
0x1f: {  	[sflag:s22] =	ssyncadd.s32 $0xFFFF9800  }
0x20: {  	v16 =	vld [tilespmem:$0x0]  }
0x21: {  	v17 =	vld [tilespmem:$0x10]  }
0x22: {  	v18 =	vld [tilespmem:$0x20]  }
0x23: {  	v21 =	vld [tilespmem:$0x40];
	_ =	sdelay $0x2  }
0x24: {  	v0 =	vimm.s32 $0x0;
	v1 =	vimm.s32 $0x0  }
0x25: {  	v22 =	vimm.s32 $0x0;
	v16 =	vadd.s32 $0xFFFFFC80, v16;
	v17 =	vadd.s32 $0xFFFFFC80, v17  }
0x26: {  	v18 =	vadd.s32 $0xFFFFFC80, v18;
	v21 =	vadd.s32 $0xFFFFFC80, v21;
	vm0 =	vlt.u32 v16, $0x68  }
0x27: {  	v20 =	vld [tilespmem:$0x30];
	v0 =	vsel vm0, $0xFFFFFFFF, v0;
	v16 =	vnsel vm0, $0x0, v16;
	vm0 =	vlt.u32 v17, $0x68  }
0x28: {  	v19 =	vshll.u32 v16, $0x8;
	v16 =	vshll.u32 v16, $0x7;
	v1 =	vsel vm0, $0xFFFFFFFF, v1  }
0x29: {  	v17 =	vnsel vm0, $0x0, v17;
	v19 =	vand.u32 $0xFFFFF800, v19;
	v16 =	vand.u32 $0x380, v16  }
0x2a: {  	v16 =	vor.u32 v19, v16;
	v19 =	vshll.u32 v17, $0x8;
	v17 =	vshll.u32 v17, $0x7  }
0x2b: {  	vm0 =	vlt.u32 v18, $0x68;
	v19 =	vand.u32 $0xFFFFF800, v19;
	v17 =	vand.u32 $0x380, v17  }
0x2c: {  	[tilespmem:$0x1FEF0] =	vst v1;
	v1 =	vimm.s32 $0x0;
	v17 =	vor.u32 v19, v17;
	v19 =	vadd.s32 $0xFFFFFC80, v20  }
0x2d: {  	v18 =	vnsel vm0, $0x0, v18;
	v1 =	vsel vm0, $0xFFFFFFFF, v1;
	vm0 =	vlt.u32 v19, $0x68  }
0x2e: {  	v20 =	vshll.u32 v18, $0x8;
	v18 =	vshll.u32 v18, $0x7;
	v22 =	vsel vm0, $0xFFFFFFFF, v22  }
0x2f: {  	v20 =	vand.u32 $0xFFFFF800, v20;
	v18 =	vand.u32 $0x380, v18;
	v19 =	vnsel vm0, $0x0, v19;
	[tilespmem:$0x1FF10] =	vst v22;
	v22 =	vld [tilespmem:$0x50]  }
0x30: {  	v18 =	vor.u32 v20, v18;
	vm0 =	vlt.u32 v21, $0x68;
	v20 =	vimm.s32 $0x0  }
0x31: {  	v23 =	vshll.u32 v19, $0x8;
	v19 =	vshll.u32 v19, $0x7;
	v20 =	vsel vm0, $0xFFFFFFFF, v20  }
0x32: {  	v24 =	vld [tilespmem:$0x60];
	v23 =	vand.u32 $0xFFFFF800, v23;
	v19 =	vand.u32 $0x380, v19;
	[tilespmem:$0x1FF20] =	vst v20;
	v20 =	vnsel vm0, $0x0, v21  }
0x33: {  	v19 =	vor.u32 v23, v19;
	v21 =	vshll.u32 v20, $0x8;
	v20 =	vshll.u32 v20, $0x7;
	v23 =	vld [tilespmem:$0x70]  }
0x34: {  	v21 =	vand.u32 $0xFFFFF800, v21;
	v20 =	vand.u32 $0x380, v20;
	v22 =	vadd.s32 $0xFFFFFC80, v22  }
0x35: {  	v20 =	vor.u32 v21, v20;
	v21 =	vimm.s32 $0x0;
	vm0 =	vlt.u32 v22, $0x68  }
0x36: {  	v21 =	vsel vm0, $0xFFFFFFFF, v21  }
0x37: {  	[tilespmem:$0x1FF30] =	vst v21;
	v21 =	vnsel vm0, $0x0, v22;
	v22 =	vadd.s32 $0xFFFFFC80, v24  }
0x38: {  	v25 =	vimm.s32 $0x0;
	v23 =	vadd.s32 $0xFFFFFC80, v23;
	vm0 =	vlt.u32 v22, $0x68  }
0x39: {  	v24 =	vshll.u32 v21, $0x8;
	v21 =	vshll.u32 v21, $0x7;
	v25 =	vsel vm0, $0xFFFFFFFF, v25  }
0x3a: {  	v24 =	vand.u32 $0xFFFFF800, v24;
	v22 =	vnsel vm0, $0x0, v22;
	v21 =	vand.u32 $0x380, v21;
	[tilespmem:$0x1FF40] =	vst v25;
	v25 =	vld [tilespmem:$0x80]  }
0x3b: {  	vm0 =	vlt.u32 v23, $0x68;
	v26 =	vshll.u32 v22, $0x8;
	v22 =	vshll.u32 v22, $0x7  }
0x3c: {  	v21 =	vor.u32 v24, v21;
	v24 =	vimm.s32 $0x0;
	v23 =	vnsel vm0, $0x0, v23  }
0x3d: {  	v27 =	vld [tilespmem:$0x90];
	v26 =	vand.u32 $0xFFFFF800, v26;
	v22 =	vand.u32 $0x380, v22;
	v24 =	vsel vm0, $0xFFFFFFFF, v24  }
0x3e: {  	v22 =	vor.u32 v26, v22;
	[tilespmem:$0x1FF50] =	vst v24;
	v24 =	vshll.u32 v23, $0x8;
	v23 =	vshll.u32 v23, $0x7;
	v26 =	vld [tilespmem:$0xA0]  }
0x3f: {  	v24 =	vand.u32 $0xFFFFF800, v24;
	v23 =	vand.u32 $0x380, v23;
	v25 =	vadd.s32 $0xFFFFFC80, v25  }
0x40: {  	v23 =	vor.u32 v24, v23;
	v24 =	vimm.s32 $0x0;
	vm0 =	vlt.u32 v25, $0x68  }
0x41: {  	v24 =	vsel vm0, $0xFFFFFFFF, v24  }
0x42: {  	v28 =	vimm.s32 $0x0;
	[tilespmem:$0x1FF60] =	vst v24;
	v24 =	vnsel vm0, $0x0, v25;
	v25 =	vadd.s32 $0xFFFFFC80, v27  }
0x43: {  	[tilespmem:$0x1FEE0] =	vst v0;
	v0 =	vlaneseq.u32;
	v26 =	vadd.s32 $0xFFFFFC80, v26;
	vm0 =	vlt.u32 v25, $0x68  }
0x44: {  	v27 =	vshll.u32 v24, $0x8;
	v24 =	vshll.u32 v24, $0x7;
	v25 =	vnsel vm0, $0x0, v25  }
0x45: {  	[tilespmem:$0x1FF00] =	vst v1;
	v1 =	vld [tilespmem:$0x1FFF0];
	v27 =	vand.u32 $0xFFFFF800, v27;
	v29 =	vshll.u32 v25, $0x8;
	v25 =	vshll.u32 v25, $0x7  }
0x46: {  	v28 =	vsel vm0, $0xFFFFFFFF, v28;
	v29 =	vand.u32 $0xFFFFF800, v29;
	v25 =	vand.u32 $0x380, v25  }
0x47: {  	v24 =	vand.u32 $0x380, v24;
	vm0 =	vlt.u32 v26, $0x68;
	[tilespmem:$0x1FF70] =	vst v28;
	v28 =	vld [tilespmem:$0xB0];
	v25 =	vor.u32 v25, v29  }
0x48: {  	v24 =	vor.u32 v24, v27;
	v27 =	vor.u32 v9, v25;
	v25 =	vimm.s32 $0x0  }
0x49: {  	v31 =	vimm.s32 $0x0;
	v16 =	vor.u32 v0, v16;
	v25 =	vsel vm0, $0xFFFFFFFF, v25  }
0x4a: {  	v30 =	vld [tilespmem:$0xC0];
	v18 =	vor.u32 v2, v18;
	v17 =	vor.u32 v1, v17;
	[tilespmem:$0x1FF80] =	vst v25;
	v25 =	vnsel vm0, $0x0, v26  }
0x4b: {  	v19 =	vor.u32 v3, v19;
	v26 =	vshll.u32 v25, $0x8;
	v25 =	vshll.u32 v25, $0x7  }
0x4c: {  	v28 =	vadd.s32 $0xFFFFFC80, v28;
	v26 =	vand.u32 $0xFFFFF800, v26;
	v25 =	vand.u32 $0x380, v25  }
0x4d: {  	v29 =	vld [tilespmem:$0xD0];
	vm0 =	vlt.u32 v28, $0x68;
	v25 =	vor.u32 v25, v26;
	v26 =	vimm.s32 $0x0  }
0x4e: {  	v20 =	vor.u32 v4, v20;
	v21 =	vor.u32 v5, v21;
	v26 =	vsel vm0, $0xFFFFFFFF, v26  }
0x4f: {  	[tilespmem:$0x1FF90] =	vst v26;
	v26 =	vnsel vm0, $0x0, v28;
	v28 =	vadd.s32 $0xFFFFFC80, v30;
	v30 =	vor.u32 v10, v25  }
0x50: {  	v25 =	vshll.u32 v26, $0x8;
	vm0 =	vlt.u32 v28, $0x68;
	v26 =	vshll.u32 v26, $0x7  }
0x51: {  	v25 =	vand.u32 $0xFFFFF800, v25;
	v31 =	vsel vm0, $0xFFFFFFFF, v31;
	v26 =	vand.u32 $0x380, v26  }
0x52: {  	v29 =	vadd.s32 $0xFFFFFC80, v29;
	v28 =	vnsel vm0, $0x0, v28;
	[tilespmem:$0x1FFA0] =	vst v31;
	v31 =	vld [tilespmem:$0xE0];
	v25 =	vor.u32 v26, v25  }
0x53: {  	vm0 =	vlt.u32 v29, $0x68;
	v62 =	vor.u32 v11, v25;
	v25 =	vimm.s32 $0x0  }
0x54: {  	v32 =	vshll.u32 v28, $0x8;
	v28 =	vshll.u32 v28, $0x7;
	v25 =	vsel vm0, $0xFFFFFFFF, v25  }
0x55: {  	v33 =	vld [tilespmem:$0xF0];
	v32 =	vand.u32 $0xFFFFF800, v32;
	v28 =	vand.u32 $0x380, v28;
	[tilespmem:$0x1FFB0] =	vst v25;
	v25 =	vnsel vm0, $0x0, v29  }
0x56: {  	v26 =	vor.u32 v28, v32;
	v28 =	vshll.u32 v25, $0x8;
	v25 =	vshll.u32 v25, $0x7  }
0x57: {  	v29 =	vadd.s32 $0xFFFFFC80, v31;
	v28 =	vand.u32 $0xFFFFF800, v28;
	v25 =	vand.u32 $0x380, v25  }
0x58: {  	v16 =	vld.idx.msk [tilespmem:v16+s20+$0x0], $0xffff;
	vm0 =	vlt.u32 v29, $0x68;
	v25 =	vor.u32 v25, v28;
	v28 =	vimm.s32 $0x0  }
0x59: {  	v18 =	vld.idx.msk [tilespmem:v18+s20+$0x0], $0xffff;
	v22 =	vor.u32 v6, v22;
	v23 =	vor.u32 v7, v23;
	v28 =	vsel vm0, $0xFFFFFFFF, v28  }
0x5a: {  	v17 =	vld.idx.msk [tilespmem:v17+s20+$0x0], $0xffff;
	v24 =	vor.u32 v8, v24;
	[tilespmem:$0x1FFC0] =	vst v28;
	v28 =	vnsel vm0, $0x0, v29;
	v29 =	vadd.s32 $0xFFFFFC80, v33  }
0x5b: {  	v19 =	vld.idx.msk [tilespmem:v19+s20+$0x0], $0xffff;
	v63 =	vor.u32 v13, v25;
	v25 =	vshll.u32 v28, $0x8;
	vm0 =	vlt.u32 v29, $0x68  }
0x5c: {  	v20 =	vld.idx.msk [tilespmem:v20+s20+$0x0], $0xffff;
	v31 =	vand.u32 $0xFFFFF800, v25;
	v25 =	vshll.u32 v28, $0x7;
	v28 =	vimm.s32 $0x0  }
0x5d: {  	v21 =	vld.idx.msk [tilespmem:v21+s20+$0x0], $0xffff;
	v28 =	vsel vm0, $0xFFFFFFFF, v28  }
0x5e: {  	v22 =	vld.idx.msk [tilespmem:v22+s20+$0x0], $0xffff;
	v26 =	vor.u32 v12, v26;
	[tilespmem:$0x1FFD0] =	vst v28;
	v28 =	vnsel vm0, $0x0, v29  }
0x5f: {  	v23 =	vld.idx.msk [tilespmem:v23+s20+$0x0], $0xffff;
	v29 =	vand.u32 $0x380, v25;
	v34 =	vshll.u32 v28, $0x8;
	v28 =	vshll.u32 v28, $0x7  }
0x60: {  	v25 =	vld.idx.msk [tilespmem:v24+s20+$0x0], $0xffff;
	v24 =	vor.u32 v29, v31;
	v29 =	vand.u32 $0xFFFFF800, v34;
	v31 =	vand.u32 $0x380, v28  }
0x61: {  	v28 =	vld.idx.msk [tilespmem:v27+s20+$0x0], $0xffff;
	v24 =	vor.u32 v14, v24;
	v27 =	vor.u32 v31, v29  }
0x62: {  	v30 =	vld.idx.msk [tilespmem:v30+s20+$0x0], $0xffff;
	v36 =	vor.u32 v15, v27  }
0x63: {  	v31 =	vld.idx.msk [tilespmem:v62+s20+$0x0], $0xffff  }
0x64: {  	v29 =	vld.idx.msk [tilespmem:v26+s20+$0x0], $0xffff  }
0x65: {  	v27 =	vld.idx.msk [tilespmem:v63+s20+$0x0], $0xffff  }
0x66: {  	v26 =	vld.idx.msk [tilespmem:v24+s20+$0x0], $0xffff  }
0x67: {  	v24 =	vld.idx.msk [tilespmem:v36+s20+$0x0], $0xffff;
	_ =	swait.ge [sflag:s23], $0x6800  }
0x68: {  	[sflag:s23] =	ssyncset.done $0x0  }
0x69: {  	[sflag:s23] =	ssyncadd.s32 $0xFFFF9800  }
0x6a: {  	v37 =	vld [tilespmem:$0x100]  }
0x6b: {  	v38 =	vld [tilespmem:$0x110]  }
0x6c: {  	v36 =	vld [tilespmem:$0x130];
	_ =	sdelay $0x3  }
0x6d: {  	v39 =	vimm.s32 $0x0;
	v40 =	vld [tilespmem:$0x120];
	v32 =	vadd.s32 $0xFFFFFC80, v37  }
0x6e: {  	v33 =	vadd.s32 $0xFFFFFC80, v38;
	v42 =	vadd.s32 $0xFFFFFC80, v36;
	vm0 =	vlt.u32 v32, $0x68  }
0x6f: {  	v37 =	vld [tilespmem:$0x140];
	vm1 =	vlt.u32 v33, $0x68;
	vm3 =	vlt.u32 v42, $0x68;
	v32 =	vnsel vm0, $0x0, v32  }
0x70: {  	v38 =	vld [tilespmem:$0x150];
	v34 =	vsel vm0, $0xFFFFFFFF, v39;
	v33 =	vnsel vm1, $0x0, v33;
	v35 =	vshll.u32 v32, $0x8  }
0x71: {  	v32 =	vshll.u32 v32, $0x7;
	v41 =	vshll.u32 v33, $0x8;
	v33 =	vshll.u32 v33, $0x7  }
0x72: {  	[tilespmem:$0x1FFE0] =	vst v34;
	v34 =	vadd.s32 $0xFFFFFC80, v40;
	v35 =	vand.u32 $0xFFFFF800, v35;
	v32 =	vand.u32 $0x380, v32  }
0x73: {  	v33 =	vand.u32 $0x380, v33;
	vm2 =	vlt.u32 v34, $0x68;
	v32 =	vor.u32 v35, v32  }
0x74: {  	v35 =	vand.u32 $0xFFFFF800, v41;
	v34 =	vnsel vm2, $0x0, v34;
	v37 =	vadd.s32 $0xFFFFFC80, v37  }
0x75: {  	v38 =	vadd.s32 $0xFFFFFC80, v38;
	v32 =	vor.u32 v0, v32;
	v33 =	vor.u32 v35, v33  }
0x76: {  	v40 =	vld [tilespmem:$0x160];
	v43 =	vshll.u32 v34, $0x8;
	v34 =	vshll.u32 v34, $0x7;
	v35 =	vnsel vm3, $0x0, v42  }
0x77: {  	vm4 =	vlt.u32 v37, $0x68;
	vm6 =	vlt.u32 v38, $0x68;
	v33 =	vor.u32 v1, v33  }
0x78: {  	v36 =	vand.u32 $0xFFFFF800, v43;
	v34 =	vand.u32 $0x380, v34;
	v39 =	vshll.u32 v35, $0x8  }
0x79: {  	v45 =	vld [tilespmem:$0x170];
	v35 =	vshll.u32 v35, $0x7;
	v44 =	vnsel vm4, $0x0, v37;
	v46 =	vnsel vm6, $0x0, v38  }
0x7a: {  	v39 =	vand.u32 $0xFFFFF800, v39;
	v35 =	vand.u32 $0x380, v35;
	v34 =	vor.u32 v36, v34  }
0x7b: {  	v41 =	vld [tilespmem:$0x180];
	v37 =	vshll.u32 v44, $0x8;
	v36 =	vshll.u32 v44, $0x7;
	v47 =	vadd.s32 $0xFFFFFC80, v40  }
0x7c: {  	v48 =	vshll.u32 v46, $0x8;
	v35 =	vor.u32 v39, v35;
	v34 =	vor.u32 v2, v34  }
0x7d: {  	v37 =	vand.u32 $0xFFFFF800, v37;
	v36 =	vand.u32 $0x380, v36;
	vm5 =	vlt.u32 v47, $0x68  }
0x7e: {  	v40 =	vand.u32 $0xFFFFF800, v48;
	v39 =	vadd.s32 $0xFFFFFC80, v45;
	v35 =	vor.u32 v3, v35  }
0x7f: {  	v43 =	vld [tilespmem:$0x190];
	v36 =	vor.u32 v37, v36;
	v37 =	vshll.u32 v46, $0x7;
	v38 =	vnsel vm5, $0x0, v47  }
0x80: {  	vm7 =	vlt.u32 v39, $0x68;
	v41 =	vadd.s32 $0xFFFFFC80, v41;
	v36 =	vor.u32 v4, v36  }
0x81: {  	v50 =	vld [tilespmem:$0x1A0];
	v37 =	vand.u32 $0x380, v37;
	v42 =	vshll.u32 v38, $0x8;
	v38 =	vshll.u32 v38, $0x7  }
0x82: {  	v44 =	vld [tilespmem:$0x1B0];
	v39 =	vnsel vm7, $0x0, v39;
	vm8 =	vlt.u32 v41, $0x68;
	v42 =	vand.u32 $0xFFFFF800, v42  }
0x83: {  	v38 =	vand.u32 $0x380, v38;
	v37 =	vor.u32 v40, v37;
	v49 =	vshll.u32 v39, $0x8  }
0x84: {  	v39 =	vshll.u32 v39, $0x7;
	v51 =	vnsel vm8, $0x0, v41;
	v52 =	vadd.s32 $0xFFFFFC80, v43  }
0x85: {  	v38 =	vor.u32 v42, v38;
	v37 =	vor.u32 v5, v37;
	v40 =	vand.u32 $0xFFFFF800, v49  }
0x86: {  	v39 =	vand.u32 $0x380, v39;
	v53 =	vshll.u32 v51, $0x8;
	vm9 =	vlt.u32 v52, $0x68  }
0x87: {  	v46 =	vld [tilespmem:$0x1C0];
	v42 =	vadd.s32 $0xFFFFFC80, v50;
	v56 =	vadd.s32 $0xFFFFFC80, v44;
	v38 =	vor.u32 v6, v38  }
0x88: {  	v39 =	vor.u32 v40, v39;
	v43 =	vand.u32 $0xFFFFF800, v53;
	v40 =	vshll.u32 v51, $0x7  }
0x89: {  	v57 =	vld [tilespmem:$0x1D0];
	v41 =	vnsel vm9, $0x0, v52;
	vm10 =	vlt.u32 v42, $0x68;
	vm11 =	vlt.u32 v56, $0x68  }
0x8a: {  	v39 =	vor.u32 v7, v39;
	v40 =	vand.u32 $0x380, v40;
	v45 =	vshll.u32 v41, $0x8  }
0x8b: {  	v61 =	vld [tilespmem:$0x1E0];
	v41 =	vshll.u32 v41, $0x7;
	v54 =	vnsel vm10, $0x0, v42;
	v58 =	vnsel vm11, $0x0, v56  }
0x8c: {  	v59 =	vadd.s32 $0xFFFFFC80, v46;
	v45 =	vand.u32 $0xFFFFF800, v45;
	v41 =	vand.u32 $0x380, v41  }
0x8d: {  	v40 =	vor.u32 v40, v43;
	v55 =	vshll.u32 v54, $0x8;
	v60 =	vshll.u32 v58, $0x8  }
0x8e: {  	vm12 =	vlt.u32 v59, $0x68;
	v43 =	vadd.s32 $0xFFFFFC80, v57;
	v41 =	vor.u32 v41, v45  }
0x8f: {  	v48 =	vor.u32 v8, v40;
	v40 =	vshll.u32 v54, $0x7;
	v42 =	vnsel vm12, $0x0, v59  }
0x90: {  	v51 =	vld [tilespmem:$0x1F0];
	vm13 =	vlt.u32 v43, $0x68;
	v59 =	vadd.s32 $0xFFFFFC80, v61;
	v49 =	vor.u32 v9, v41  }
0x91: {  	v41 =	vand.u32 $0xFFFFF800, v55;
	v40 =	vand.u32 $0x380, v40;
	v62 =	vshll.u32 v42, $0x8  }
0x92: {  	v42 =	vshll.u32 v42, $0x7;
	v57 =	vnsel vm13, $0x0, v43;
	vm14 =	vlt.u32 v59, $0x68  }
0x93: {  	v40 =	vor.u32 v40, v41;
	v41 =	vshll.u32 v58, $0x7;
	v44 =	vand.u32 $0xFFFFF800, v62  }
0x94: {  	v47 =	vld.idx.msk [tilespmem:v35+s21+$0x0], $0xffff;
	v63 =	vand.u32 $0x380, v42;
	v58 =	vshll.u32 v57, $0x8;
	v61 =	vnsel vm14, $0x0, v59  }
0x95: {  	v46 =	vld.idx.msk [tilespmem:v36+s21+$0x0], $0xffff;
	v62 =	vadd.s32 $0xFFFFFC80, v51;
	v50 =	vor.u32 v10, v40;
	v40 =	vand.u32 $0xFFFFF800, v60  }
0x96: {  	v45 =	vld.idx.msk [tilespmem:v34+s21+$0x0], $0xffff;
	v41 =	vand.u32 $0x380, v41;
	v55 =	vor.u32 v63, v44;
	v34 =	vand.u32 $0xFFFFF800, v58  }
0x97: {  	v43 =	vld.idx.msk [tilespmem:v37+s21+$0x0], $0xffff;
	v63 =	vshll.u32 v61, $0x8;
	vm15 =	vlt.u32 v62, $0x68;
	v35 =	vshll.u32 v61, $0x7  }
0x98: {  	v42 =	vld.idx.msk [tilespmem:v32+s21+$0x0], $0xffff;
	v54 =	vor.u32 v41, v40;
	v56 =	vor.u32 v12, v55;
	v40 =	vshll.u32 v57, $0x7  }
0x99: {  	v44 =	vld.idx.msk [tilespmem:v33+s21+$0x0], $0xffff;
	v37 =	vand.u32 $0xFFFFF800, v63;
	v36 =	vnsel vm15, $0x0, v62;
	v35 =	vand.u32 $0x380, v35  }
0x9a: {  	v41 =	vld.idx.msk [tilespmem:v38+s21+$0x0], $0xffff;
	v32 =	vor.u32 v11, v54;
	v60 =	vand.u32 $0x380, v40;
	v51 =	vshll.u32 v36, $0x8  }
0x9b: {  	v40 =	vld.idx.msk [tilespmem:v39+s21+$0x0], $0xffff;
	v36 =	vshll.u32 v36, $0x7;
	v35 =	vor.u32 v35, v37;
	v34 =	vor.u32 v60, v34  }
0x9c: {  	v39 =	vld.idx.msk [tilespmem:v48+s21+$0x0], $0xffff;
	v52 =	vand.u32 $0xFFFFF800, v51;
	v36 =	vand.u32 $0x380, v36;
	v53 =	vor.u32 v14, v35  }
0x9d: {  	v38 =	vld.idx.msk [tilespmem:v49+s21+$0x0], $0xffff;
	v34 =	vor.u32 v13, v34;
	v54 =	vor.u32 v36, v52  }
0x9e: {  	v37 =	vld.idx.msk [tilespmem:v50+s21+$0x0], $0xffff;
	v55 =	vor.u32 v15, v54  }
0x9f: {  	v35 =	vld.idx.msk [tilespmem:v56+s21+$0x0], $0xffff  }
0xa0: {  	v36 =	vld.idx.msk [tilespmem:v32+s21+$0x0], $0xffff  }
0xa1: {  	v33 =	vld.idx.msk [tilespmem:v53+s21+$0x0], $0xffff  }
0xa2: {  	v34 =	vld.idx.msk [tilespmem:v34+s21+$0x0], $0xffff  }
0xa3: {  	v32 =	vld.idx.msk [tilespmem:v55+s21+$0x0], $0xffff;
	[tilespmem:s24], [sflag:$0x3] =	stream.linear.gather [hbm4b:s5+s3], $0x2000, $0x38  }
0xa4: {  	_ = 	snop  }
0xa5: {  	[tilespmem:s26], [sflag:$0x5] =	stream.indirect.gather [hbm4b:s1+s25], $0x80, s3, s25, $0xb8;
	[tilespmem:$0x18280] =	vst v63  }
0xa6: {  	_ = 	snop  }
0xa7: {  	[tilespmem:s28], [sflag:$0x4] =	stream.linear.gather [hbm4b:s8+s3], $0x2000, $0x38;
	[tilespmem:$0x18280] =	vst v63  }
0xa8: {  	_ = 	snop  }
0xa9: {  	[tilespmem:s29], [sflag:$0x6] =	stream.indirect.gather [hbm4b:s1+s25], $0x80, s25, s25, $0xb8;
	[tilespmem:$0x18280] =	vst v63  }
0xaa: {  	_ =	swait.ge [sflag:s30], $0x2000  }
0xab: {  	[sflag:s30] =	ssyncset.done $0x0  }
0xac: {  	[sflag:s30] =	ssyncadd.s32 $0xFFFFE000  }
0xad: {  	_ =	swait.ge [sflag:s31], $0x2000  }
0xae: {  	[sflag:s31] =	ssyncset.done $0x0  }
0xaf: {  	s4 =	simm.s32 $0x0;
	[sflag:s31] =	ssyncadd.s32 $0xFFFFE000  }
0xb0: {  	v56 =	vld [tilespmem:s4+$0x10200]  }
0xb1: {  	v57 =	vld [tilespmem:s4+$0x14200]  }
0xb2: {  	v58 =	vld [tilespmem:s4+$0x10210]  }
0xb3: {  	v59 =	vld [tilespmem:s4+$0x14210]  }
0xb4: {  	v52 =	vld [tilespmem:s4+$0x10220]  }
0xb5: {  	v53 =	vld [tilespmem:s4+$0x14220]  }
0xb6: {  	v60 =	vld [tilespmem:s4+$0x10230];
	v48 =	vsub.f32 v56, v57  }
0xb7: {  	v54 =	vld [tilespmem:s4+$0x14230]  }
0xb8: {  	v55 =	vld [tilespmem:s4+$0x10240];
	v50 =	vsub.f32 v58, v59;
	v48 =	vmul.f32 v48, v48  }
0xb9: {  	v61 =	vimm.f32 $0.0e+00;
	v56 =	vld [tilespmem:s4+$0x14240]  }
0xba: {  	v62 =	vsub.f32 v52, v53;
	v57 =	vld [tilespmem:s4+$0x10250];
	v50 =	vmul.f32 v50, v50;
	v48 =	vadd.f32 v48, v61  }
0xbb: {  	v58 =	vld [tilespmem:s4+$0x14250]  }
0xbc: {  	v51 =	vld [tilespmem:s4+$0x14260];
	v49 =	vsub.f32 v60, v54;
	v52 =	vmul.f32 v62, v62;
	v50 =	vadd.f32 v50, v48  }
0xbd: {  	v48 =	vld [tilespmem:s4+$0x10260]  }
0xbe: {  	v54 =	vmul.f32 v49, v49;
	v49 =	vld [tilespmem:s4+$0x10270];
	v55 =	vsub.f32 v55, v56;
	v63 =	vadd.f32 v52, v50  }
0xbf: {  	s19 =	simm.s32 $0x80;
	v52 =	vld [tilespmem:s4+$0x14270]  }
0xc0: {  	v50 =	vld [tilespmem:s19+$0x10200];
	s4 =	simm.s32 $0x400;
	v53 =	vadd.f32 v54, v63;
	v54 =	vmul.f32 v55, v55;
	v55 =	vsub.f32 v57, v58  }
.LBB2_2:
0xc1: {  	p0 =	sne.s32 s4, $0x7E00;
	v56 =	vld [tilespmem:s19+$0x14200]  }
0xc2: {  	v57 =	vld [tilespmem:s19+$0x10210];
	v53 =	vadd.f32 v54, v53;
	v54 =	vmul.f32 v55, v55;
	v48 =	vsub.f32 v48, v51  }
0xc3: {  	v51 =	vld [tilespmem:s19+$0x14210]  }
0xc4: {  	v55 =	vld [tilespmem:s19+$0x10220];
	v53 =	vadd.f32 v54, v53;
	v48 =	vmul.f32 v48, v48;
	v49 =	vsub.f32 v49, v52  }
0xc5: {  	v52 =	vld [tilespmem:s19+$0x14220]  }
0xc6: {  	v50 =	vsub.f32 v50, v56;
	v54 =	vld [tilespmem:s19+$0x10230];
	v48 =	vadd.f32 v48, v53;
	v49 =	vmul.f32 v49, v49  }
0xc7: {  	v53 =	vld [tilespmem:s19+$0x14230]  }
0xc8: {  	v50 =	vmul.f32 v50, v50;
	v51 =	vsub.f32 v57, v51;
	v56 =	vld [tilespmem:s19+$0x10240];
	v48 =	vadd.f32 v49, v48  }
0xc9: {  	v49 =	vld [tilespmem:s19+$0x14240]  }
0xca: {  	v48 =	vadd.f32 v50, v48;
	v50 =	vmul.f32 v51, v51;
	v51 =	vsub.f32 v55, v52;
	v55 =	vld [tilespmem:s19+$0x10250]  }
0xcb: {  	v57 =	vld [tilespmem:s19+$0x14250]  }
.Ltmp0:
0xcc: {  	v50 =	vadd.f32 v50, v48;
	v52 =	vmul.f32 v51, v51;
	v53 =	vsub.f32 v54, v53;
	v48 =	vld [tilespmem:s19+$0x10260];
	(pc) =	sbr.rel @p0 .LBB2_2-.Ltmp0, $4  }
0xcd: {  	v51 =	vld [tilespmem:s19+$0x14260]  }
0xce: {  	v54 =	vadd.f32 v52, v50;
	v53 =	vmul.f32 v53, v53;
	v56 =	vsub.f32 v56, v49;
	v49 =	vld [tilespmem:s19+$0x10270]  }
0xcf: {  	v52 =	vld [tilespmem:s19+$0x14270];
	s19 =	sshra.s32 s4, $0x2  }
0xd0: {  	s4 =	sadd.s32 $0x200, s4;
	v50 =	vld [tilespmem:s19+$0x10200];
	v53 =	vadd.f32 v53, v54;
	v54 =	vmul.f32 v56, v56;
	v55 =	vsub.f32 v55, v57  }
0xd1: {  	v56 =	vld [tilespmem:s19+$0x14200]  }
0xd2: {  	v57 =	vld [tilespmem:s19+$0x10210]  }
0xd3: {  	v58 =	vld [tilespmem:s19+$0x14210]  }
0xd4: {  	v59 =	vld [tilespmem:s19+$0x10220]  }
0xd5: {  	v60 =	vld [tilespmem:s19+$0x14220]  }
0xd6: {  	v61 =	vld [tilespmem:s19+$0x10230]  }
0xd7: {  	v62 =	vld [tilespmem:s19+$0x14230]  }
0xd8: {  	v63 =	vld [tilespmem:s19+$0x10240]  }
0xd9: {  	v0 =	vld [tilespmem:s19+$0x14240]  }
0xda: {  	v1 =	vld [tilespmem:s19+$0x10250];
	v53 =	vadd.f32 v54, v53;
	v54 =	vmul.f32 v55, v55;
	v48 =	vsub.f32 v48, v51  }
0xdb: {  	v51 =	vld [tilespmem:s19+$0x14250]  }
0xdc: {  	v55 =	vld [tilespmem:s19+$0x10260];
	v53 =	vadd.f32 v54, v53;
	v48 =	vmul.f32 v48, v48;
	v49 =	vsub.f32 v49, v52  }
0xdd: {  	v52 =	vld [tilespmem:s19+$0x14260]  }
0xde: {  	s4 =	simm.s32 $0x0;
	v54 =	vld [tilespmem:s19+$0x10270];
	v50 =	vsub.f32 v50, v56;
	v48 =	vadd.f32 v48, v53;
	v49 =	vmul.f32 v49, v49  }
0xdf: {  	v53 =	vld [tilespmem:s19+$0x14270];
	[tilespmem:s24], [sflag:$0x3] =	stream.linear.gather [hbm4b:s9+s4], $0x2000, $0x38  }
0xe0: {  	v56 =	vsub.f32 v57, v58;
	s19 =	simm.s32 $0x80;
	v48 =	vadd.f32 v49, v48;
	v58 =	vmul.f32 v50, v50  }
0xe1: {  	[tilespmem:s26], [sflag:$0x5] =	stream.indirect.gather [hbm4b:s1+s25], $0x80, s19, s25, $0xb8;
	[tilespmem:$0x18280] =	vst v63  }
0xe2: {  	v57 =	vsub.f32 v59, v60;
	_ =	swait.ge [sflag:s2], $0x2000;
	v48 =	vadd.f32 v58, v48;
	v58 =	vmul.f32 v56, v56  }
0xe3: {  	[sflag:s2] =	ssyncset.done $0x0  }
0xe4: {  	v59 =	vsub.f32 v61, v62;
	v49 =	vmul.f32 v57, v57;
	[sflag:s2] =	ssyncadd.s32 $0xFFFFE000;
	v48 =	vadd.f32 v58, v48  }
0xe5: {  	_ =	swait.ge [sflag:s0], $0x2000  }
0xe6: {  	v0 =	vsub.f32 v63, v0;
	v60 =	vmul.f32 v59, v59;
	[sflag:s0] =	ssyncset.done $0x0;
	v48 =	vadd.f32 v49, v48  }
0xe7: {  	s4 =	simm.s32 $0x0;
	[sflag:s0] =	ssyncadd.s32 $0xFFFFE000  }
0xe8: {  	v1 =	vsub.f32 v1, v51;
	v0 =	vmul.f32 v0, v0;
	v49 =	vld [tilespmem:s4+$0x12200];
	v48 =	vadd.f32 v60, v48  }
0xe9: {  	v61 =	vld [tilespmem:s4+$0x16200]  }
0xea: {  	v1 =	vmul.f32 v1, v1;
	v62 =	vsub.f32 v55, v52;
	v63 =	vld [tilespmem:s4+$0x12210];
	v0 =	vadd.f32 v0, v48  }
0xeb: {  	v57 =	vld [tilespmem:s4+$0x16210]  }
0xec: {  	v58 =	vsub.f32 v54, v53;
	v59 =	vld [tilespmem:s4+$0x12220];
	v0 =	vadd.f32 v1, v0;
	v1 =	vmul.f32 v62, v62  }
0xed: {  	v60 =	vld [tilespmem:s4+$0x16220]  }
0xee: {  	v50 =	vld [tilespmem:s4+$0x16230];
	v61 =	vsub.f32 v49, v61;
	v0 =	vadd.f32 v1, v0;
	v1 =	vmul.f32 v58, v58  }
0xef: {  	v49 =	vld [tilespmem:s4+$0x12230]  }
0xf0: {  	v52 =	vld [tilespmem:s4+$0x12240];
	v62 =	vsub.f32 v63, v57;
	v0 =	vadd.f32 v1, v0;
	v1 =	vmul.f32 v61, v61  }
0xf1: {  	v63 =	vld [tilespmem:s4+$0x16240]  }
0xf2: {  	v60 =	vsub.f32 v59, v60;
	v61 =	vld [tilespmem:s4+$0x12250];
	v0 =	vadd.f32 v1, v0;
	v1 =	vmul.f32 v62, v62  }
0xf3: {  	v62 =	vld [tilespmem:s4+$0x16250]  }
0xf4: {  	v51 =	vld [tilespmem:s4+$0x16260];
	v49 =	vsub.f32 v49, v50;
	v0 =	vadd.f32 v1, v0;
	v1 =	vmul.f32 v60, v60  }
0xf5: {  	v48 =	vld [tilespmem:s4+$0x12260]  }
0xf6: {  	v63 =	vsub.f32 v52, v63;
	v52 =	vld [tilespmem:s4+$0x16270];
	v0 =	vadd.f32 v1, v0;
	v1 =	vmul.f32 v49, v49  }
0xf7: {  	s19 =	simm.s32 $0x80;
	v49 =	vld [tilespmem:s4+$0x12270]  }
0xf8: {  	v50 =	vld [tilespmem:s19+$0x12200];
	v54 =	vmul.f32 v63, v63;
	s4 =	simm.s32 $0x400;
	v55 =	vsub.f32 v61, v62;
	v53 =	vadd.f32 v1, v0  }
.LBB2_4:
0xf9: {  	p0 =	sne.s32 s4, $0x7E00;
	v0 =	vld [tilespmem:s19+$0x16200]  }
0xfa: {  	v1 =	vld [tilespmem:s19+$0x12210];
	v53 =	vadd.f32 v54, v53;
	v54 =	vmul.f32 v55, v55;
	v48 =	vsub.f32 v48, v51  }
0xfb: {  	v51 =	vld [tilespmem:s19+$0x16210]  }
0xfc: {  	v55 =	vld [tilespmem:s19+$0x12220];
	v53 =	vadd.f32 v54, v53;
	v48 =	vmul.f32 v48, v48;
	v49 =	vsub.f32 v49, v52  }
0xfd: {  	v52 =	vld [tilespmem:s19+$0x16220]  }
0xfe: {  	v0 =	vsub.f32 v50, v0;
	v50 =	vld [tilespmem:s19+$0x12230];
	v48 =	vadd.f32 v48, v53;
	v49 =	vmul.f32 v49, v49  }
0xff: {  	v53 =	vld [tilespmem:s19+$0x16230]  }
0x100: {  	v0 =	vmul.f32 v0, v0;
	v1 =	vsub.f32 v1, v51;
	v54 =	vld [tilespmem:s19+$0x12240];
	v48 =	vadd.f32 v49, v48  }
0x101: {  	v49 =	vld [tilespmem:s19+$0x16240]  }
0x102: {  	v0 =	vadd.f32 v0, v48;
	v1 =	vmul.f32 v1, v1;
	v48 =	vsub.f32 v55, v52;
	v55 =	vld [tilespmem:s19+$0x12250]  }
0x103: {  	v56 =	vld [tilespmem:s19+$0x16250]  }
.Ltmp1:
0x104: {  	v0 =	vadd.f32 v1, v0;
	v1 =	vmul.f32 v48, v48;
	v50 =	vsub.f32 v50, v53;
	v48 =	vld [tilespmem:s19+$0x12260];
	(pc) =	sbr.rel @p0 .LBB2_4-.Ltmp1, $4  }
0x105: {  	v51 =	vld [tilespmem:s19+$0x16260]  }
0x106: {  	v0 =	vadd.f32 v1, v0;
	v1 =	vmul.f32 v50, v50;
	v54 =	vsub.f32 v54, v49;
	v49 =	vld [tilespmem:s19+$0x12270]  }
0x107: {  	v52 =	vld [tilespmem:s19+$0x16270];
	s19 =	sshra.s32 s4, $0x2  }
0x108: {  	s4 =	sadd.s32 $0x200, s4;
	v50 =	vld [tilespmem:s19+$0x12200];
	v53 =	vadd.f32 v1, v0;
	v54 =	vmul.f32 v54, v54;
	v55 =	vsub.f32 v55, v56  }
0x109: {  	v0 =	vld [tilespmem:s19+$0x16200]  }
0x10a: {  	v1 =	vld [tilespmem:s19+$0x12210]  }
0x10b: {  	v56 =	vld [tilespmem:s19+$0x16210]  }
0x10c: {  	v57 =	vld [tilespmem:s19+$0x12220]  }
0x10d: {  	v58 =	vld [tilespmem:s19+$0x16220]  }
0x10e: {  	v59 =	vld [tilespmem:s19+$0x12230]  }
0x10f: {  	v60 =	vld [tilespmem:s19+$0x16230]  }
0x110: {  	v61 =	vld [tilespmem:s19+$0x12240]  }
0x111: {  	v62 =	vld [tilespmem:s19+$0x16240]  }
0x112: {  	v63 =	vld [tilespmem:s19+$0x12250];
	v53 =	vadd.f32 v54, v53;
	v54 =	vmul.f32 v55, v55;
	v48 =	vsub.f32 v48, v51  }
0x113: {  	v51 =	vld [tilespmem:s19+$0x16250]  }
0x114: {  	v55 =	vld [tilespmem:s19+$0x12260];
	v53 =	vadd.f32 v54, v53;
	v48 =	vmul.f32 v48, v48;
	v49 =	vsub.f32 v49, v52  }
0x115: {  	v52 =	vld [tilespmem:s19+$0x16260]  }
0x116: {  	s4 =	simm.s32 $0x0;
	v54 =	vld [tilespmem:s19+$0x12270];
	v0 =	vsub.f32 v50, v0;
	v48 =	vadd.f32 v48, v53;
	v49 =	vmul.f32 v49, v49  }
0x117: {  	v50 =	vld [tilespmem:s19+$0x16270];
	[tilespmem:s28], [sflag:$0x4] =	stream.linear.gather [hbm4b:s10+s4], $0x2000, $0x38  }
0x118: {  	v1 =	vsub.f32 v1, v56;
	s19 =	simm.s32 $0xC0;
	v48 =	vadd.f32 v49, v48;
	v0 =	vmul.f32 v0, v0  }
0x119: {  	[tilespmem:s29], [sflag:$0x6] =	stream.indirect.gather [hbm4b:s1+s25], $0x80, s19, s25, $0xb8;
	[tilespmem:$0x18280] =	vst v63  }
0x11a: {  	v58 =	vsub.f32 v57, v58;
	v1 =	vmul.f32 v1, v1;
	_ =	swait.ge [sflag:s30], $0x2000;
	v0 =	vadd.f32 v0, v48  }
0x11b: {  	[sflag:s30] =	ssyncset.done $0x0  }
0x11c: {  	v48 =	vmul.f32 v58, v58;
	[sflag:s30] =	ssyncadd.s32 $0xFFFFE000;
	v0 =	vadd.f32 v1, v0;
	v1 =	vsub.f32 v59, v60  }
0x11d: {  	_ =	swait.ge [sflag:s31], $0x2000  }
0x11e: {  	v59 =	vsub.f32 v61, v62;
	[sflag:s31] =	ssyncset.done $0x0;
	v0 =	vadd.f32 v48, v0;
	v1 =	vmul.f32 v1, v1  }
0x11f: {  	s4 =	simm.s32 $0x0;
	[sflag:s31] =	ssyncadd.s32 $0xFFFFE000  }
0x120: {  	v60 =	vsub.f32 v63, v51;
	v49 =	vld [tilespmem:s4+$0x10200];
	v0 =	vadd.f32 v1, v0;
	v1 =	vmul.f32 v59, v59  }
0x121: {  	v61 =	vld [tilespmem:s4+$0x14200]  }
0x122: {  	v62 =	vsub.f32 v55, v52;
	v63 =	vld [tilespmem:s4+$0x10210];
	v0 =	vadd.f32 v1, v0;
	v1 =	vmul.f32 v60, v60  }
0x123: {  	v57 =	vld [tilespmem:s4+$0x14210]  }
0x124: {  	v58 =	vsub.f32 v54, v50;
	v59 =	vld [tilespmem:s4+$0x10220];
	v0 =	vadd.f32 v1, v0;
	v1 =	vmul.f32 v62, v62  }
0x125: {  	v60 =	vld [tilespmem:s4+$0x14220]  }
0x126: {  	v51 =	vld [tilespmem:s4+$0x14230];
	v61 =	vsub.f32 v49, v61;
	v0 =	vadd.f32 v1, v0;
	v1 =	vmul.f32 v58, v58  }
0x127: {  	v49 =	vld [tilespmem:s4+$0x10230]  }
0x128: {  	v52 =	vld [tilespmem:s4+$0x10240];
	v62 =	vsub.f32 v63, v57;
	v0 =	vadd.f32 v1, v0;
	v1 =	vmul.f32 v61, v61  }
0x129: {  	v63 =	vld [tilespmem:s4+$0x14240]  }
0x12a: {  	v60 =	vsub.f32 v59, v60;
	v61 =	vld [tilespmem:s4+$0x10250];
	v0 =	vadd.f32 v1, v0;
	v1 =	vmul.f32 v62, v62  }
0x12b: {  	v62 =	vld [tilespmem:s4+$0x14250]  }
0x12c: {  	v48 =	vld [tilespmem:s4+$0x10260];
	v49 =	vsub.f32 v49, v51;
	v0 =	vadd.f32 v1, v0;
	v1 =	vmul.f32 v60, v60  }
0x12d: {  	v51 =	vld [tilespmem:s4+$0x14260]  }
0x12e: {  	v63 =	vsub.f32 v52, v63;
	v52 =	vld [tilespmem:s4+$0x14270];
	v0 =	vadd.f32 v1, v0;
	v1 =	vmul.f32 v49, v49  }
0x12f: {  	s19 =	simm.s32 $0x80;
	v49 =	vld [tilespmem:s4+$0x10270]  }
0x130: {  	v50 =	vld [tilespmem:s19+$0x10200];
	v54 =	vmul.f32 v63, v63;
	s4 =	simm.s32 $0x400;
	v55 =	vsub.f32 v61, v62;
	v53 =	vadd.f32 v1, v0  }
.LBB2_6:
0x131: {  	p0 =	sne.s32 s4, $0x7E00;
	v0 =	vld [tilespmem:s19+$0x14200]  }
0x132: {  	v1 =	vld [tilespmem:s19+$0x10210];
	v53 =	vadd.f32 v54, v53;
	v54 =	vmul.f32 v55, v55;
	v48 =	vsub.f32 v48, v51  }
0x133: {  	v51 =	vld [tilespmem:s19+$0x14210]  }
0x134: {  	v55 =	vld [tilespmem:s19+$0x10220];
	v53 =	vadd.f32 v54, v53;
	v48 =	vmul.f32 v48, v48;
	v49 =	vsub.f32 v49, v52  }
0x135: {  	v52 =	vld [tilespmem:s19+$0x14220]  }
0x136: {  	v0 =	vsub.f32 v50, v0;
	v50 =	vld [tilespmem:s19+$0x10230];
	v48 =	vadd.f32 v48, v53;
	v49 =	vmul.f32 v49, v49  }
0x137: {  	v53 =	vld [tilespmem:s19+$0x14230]  }
0x138: {  	v0 =	vmul.f32 v0, v0;
	v1 =	vsub.f32 v1, v51;
	v54 =	vld [tilespmem:s19+$0x10240];
	v48 =	vadd.f32 v49, v48  }
0x139: {  	v49 =	vld [tilespmem:s19+$0x14240]  }
0x13a: {  	v0 =	vadd.f32 v0, v48;
	v1 =	vmul.f32 v1, v1;
	v48 =	vsub.f32 v55, v52;
	v55 =	vld [tilespmem:s19+$0x10250]  }
0x13b: {  	v56 =	vld [tilespmem:s19+$0x14250]  }
.Ltmp2:
0x13c: {  	v0 =	vadd.f32 v1, v0;
	v1 =	vmul.f32 v48, v48;
	v50 =	vsub.f32 v50, v53;
	v48 =	vld [tilespmem:s19+$0x10260];
	(pc) =	sbr.rel @p0 .LBB2_6-.Ltmp2, $4  }
0x13d: {  	v51 =	vld [tilespmem:s19+$0x14260]  }
0x13e: {  	v0 =	vadd.f32 v1, v0;
	v1 =	vmul.f32 v50, v50;
	v54 =	vsub.f32 v54, v49;
	v49 =	vld [tilespmem:s19+$0x10270]  }
0x13f: {  	v52 =	vld [tilespmem:s19+$0x14270];
	s19 =	sshra.s32 s4, $0x2  }
0x140: {  	s4 =	sadd.s32 $0x200, s4;
	v50 =	vld [tilespmem:s19+$0x10200];
	v53 =	vadd.f32 v1, v0;
	v54 =	vmul.f32 v54, v54;
	v55 =	vsub.f32 v55, v56  }
0x141: {  	v0 =	vld [tilespmem:s19+$0x14200]  }
0x142: {  	v1 =	vld [tilespmem:s19+$0x10210]  }
0x143: {  	v56 =	vld [tilespmem:s19+$0x14210]  }
0x144: {  	v57 =	vld [tilespmem:s19+$0x10220]  }
0x145: {  	v58 =	vld [tilespmem:s19+$0x14220]  }
0x146: {  	v59 =	vld [tilespmem:s19+$0x10230]  }
0x147: {  	v60 =	vld [tilespmem:s19+$0x14230]  }
0x148: {  	v61 =	vld [tilespmem:s19+$0x10240]  }
0x149: {  	v62 =	vld [tilespmem:s19+$0x14240]  }
0x14a: {  	v63 =	vld [tilespmem:s19+$0x10250];
	v53 =	vadd.f32 v54, v53;
	v54 =	vmul.f32 v55, v55;
	v48 =	vsub.f32 v48, v51  }
0x14b: {  	v51 =	vld [tilespmem:s19+$0x14250]  }
0x14c: {  	v55 =	vld [tilespmem:s19+$0x10260];
	v53 =	vadd.f32 v54, v53;
	v48 =	vmul.f32 v48, v48;
	v49 =	vsub.f32 v49, v52  }
0x14d: {  	v52 =	vld [tilespmem:s19+$0x14260]  }
0x14e: {  	s4 =	simm.s32 $0x0;
	v54 =	vld [tilespmem:s19+$0x10270];
	v0 =	vsub.f32 v50, v0;
	v48 =	vadd.f32 v48, v53;
	v49 =	vmul.f32 v49, v49  }
0x14f: {  	v50 =	vld [tilespmem:s19+$0x14270];
	[tilespmem:s24], [sflag:$0x3] =	stream.linear.gather [hbm4b:s11+s4], $0x2000, $0x38  }
0x150: {  	v1 =	vsub.f32 v1, v56;
	s19 =	simm.s32 $0x100;
	v48 =	vadd.f32 v49, v48;
	v0 =	vmul.f32 v0, v0  }
0x151: {  	[tilespmem:s26], [sflag:$0x5] =	stream.indirect.gather [hbm4b:s1+s25], $0x80, s19, s25, $0xb8;
	[tilespmem:$0x18280] =	vst v63  }
0x152: {  	v58 =	vsub.f32 v57, v58;
	v1 =	vmul.f32 v1, v1;
	_ =	swait.ge [sflag:s2], $0x2000;
	v0 =	vadd.f32 v0, v48  }
0x153: {  	[sflag:s2] =	ssyncset.done $0x0  }
0x154: {  	v48 =	vmul.f32 v58, v58;
	[sflag:s2] =	ssyncadd.s32 $0xFFFFE000;
	v0 =	vadd.f32 v1, v0;
	v1 =	vsub.f32 v59, v60  }
0x155: {  	_ =	swait.ge [sflag:s0], $0x2000  }
0x156: {  	v59 =	vsub.f32 v61, v62;
	[sflag:s0] =	ssyncset.done $0x0;
	v0 =	vadd.f32 v48, v0;
	v1 =	vmul.f32 v1, v1  }
0x157: {  	s4 =	simm.s32 $0x0;
	[sflag:s0] =	ssyncadd.s32 $0xFFFFE000  }
0x158: {  	v60 =	vsub.f32 v63, v51;
	v49 =	vld [tilespmem:s4+$0x12200];
	v0 =	vadd.f32 v1, v0;
	v1 =	vmul.f32 v59, v59  }
0x159: {  	v61 =	vld [tilespmem:s4+$0x16200]  }
0x15a: {  	v62 =	vsub.f32 v55, v52;
	v63 =	vld [tilespmem:s4+$0x12210];
	v0 =	vadd.f32 v1, v0;
	v1 =	vmul.f32 v60, v60  }
0x15b: {  	v57 =	vld [tilespmem:s4+$0x16210]  }
0x15c: {  	v58 =	vsub.f32 v54, v50;
	v59 =	vld [tilespmem:s4+$0x12220];
	v0 =	vadd.f32 v1, v0;
	v1 =	vmul.f32 v62, v62  }
0x15d: {  	v60 =	vld [tilespmem:s4+$0x16220]  }
0x15e: {  	v51 =	vld [tilespmem:s4+$0x16230];
	v61 =	vsub.f32 v49, v61;
	v0 =	vadd.f32 v1, v0;
	v1 =	vmul.f32 v58, v58  }
0x15f: {  	v49 =	vld [tilespmem:s4+$0x12230]  }
0x160: {  	v52 =	vld [tilespmem:s4+$0x12240];
	v62 =	vsub.f32 v63, v57;
	v0 =	vadd.f32 v1, v0;
	v1 =	vmul.f32 v61, v61  }
0x161: {  	v63 =	vld [tilespmem:s4+$0x16240]  }
0x162: {  	v60 =	vsub.f32 v59, v60;
	v61 =	vld [tilespmem:s4+$0x12250];
	v0 =	vadd.f32 v1, v0;
	v1 =	vmul.f32 v62, v62  }
0x163: {  	v62 =	vld [tilespmem:s4+$0x16250]  }
0x164: {  	v48 =	vld [tilespmem:s4+$0x12260];
	v49 =	vsub.f32 v49, v51;
	v0 =	vadd.f32 v1, v0;
	v1 =	vmul.f32 v60, v60  }
0x165: {  	v51 =	vld [tilespmem:s4+$0x16260]  }
0x166: {  	v63 =	vsub.f32 v52, v63;
	v52 =	vld [tilespmem:s4+$0x16270];
	v0 =	vadd.f32 v1, v0;
	v1 =	vmul.f32 v49, v49  }
0x167: {  	s19 =	simm.s32 $0x80;
	v49 =	vld [tilespmem:s4+$0x12270]  }
0x168: {  	v50 =	vld [tilespmem:s19+$0x12200];
	v54 =	vmul.f32 v63, v63;
	s4 =	simm.s32 $0x400;
	v55 =	vsub.f32 v61, v62;
	v53 =	vadd.f32 v1, v0  }
.LBB2_8:
0x169: {  	p0 =	sne.s32 s4, $0x7E00;
	v0 =	vld [tilespmem:s19+$0x16200]  }
0x16a: {  	v1 =	vld [tilespmem:s19+$0x12210];
	v53 =	vadd.f32 v54, v53;
	v54 =	vmul.f32 v55, v55;
	v48 =	vsub.f32 v48, v51  }
0x16b: {  	v51 =	vld [tilespmem:s19+$0x16210]  }
0x16c: {  	v55 =	vld [tilespmem:s19+$0x12220];
	v53 =	vadd.f32 v54, v53;
	v48 =	vmul.f32 v48, v48;
	v49 =	vsub.f32 v49, v52  }
0x16d: {  	v52 =	vld [tilespmem:s19+$0x16220]  }
0x16e: {  	v0 =	vsub.f32 v50, v0;
	v50 =	vld [tilespmem:s19+$0x12230];
	v48 =	vadd.f32 v48, v53;
	v49 =	vmul.f32 v49, v49  }
0x16f: {  	v53 =	vld [tilespmem:s19+$0x16230]  }
0x170: {  	v0 =	vmul.f32 v0, v0;
	v1 =	vsub.f32 v1, v51;
	v54 =	vld [tilespmem:s19+$0x12240];
	v48 =	vadd.f32 v49, v48  }
0x171: {  	v49 =	vld [tilespmem:s19+$0x16240]  }
0x172: {  	v0 =	vadd.f32 v0, v48;
	v1 =	vmul.f32 v1, v1;
	v48 =	vsub.f32 v55, v52;
	v55 =	vld [tilespmem:s19+$0x12250]  }
0x173: {  	v56 =	vld [tilespmem:s19+$0x16250]  }
.Ltmp3:
0x174: {  	v0 =	vadd.f32 v1, v0;
	v1 =	vmul.f32 v48, v48;
	v50 =	vsub.f32 v50, v53;
	v48 =	vld [tilespmem:s19+$0x12260];
	(pc) =	sbr.rel @p0 .LBB2_8-.Ltmp3, $4  }
0x175: {  	v51 =	vld [tilespmem:s19+$0x16260]  }
0x176: {  	v0 =	vadd.f32 v1, v0;
	v1 =	vmul.f32 v50, v50;
	v54 =	vsub.f32 v54, v49;
	v49 =	vld [tilespmem:s19+$0x12270]  }
0x177: {  	v52 =	vld [tilespmem:s19+$0x16270];
	s19 =	sshra.s32 s4, $0x2  }
0x178: {  	s4 =	sadd.s32 $0x200, s4;
	v50 =	vld [tilespmem:s19+$0x12200];
	v53 =	vadd.f32 v1, v0;
	v54 =	vmul.f32 v54, v54;
	v55 =	vsub.f32 v55, v56  }
0x179: {  	v0 =	vld [tilespmem:s19+$0x16200]  }
0x17a: {  	v1 =	vld [tilespmem:s19+$0x12210]  }
0x17b: {  	v56 =	vld [tilespmem:s19+$0x16210]  }
0x17c: {  	v57 =	vld [tilespmem:s19+$0x12220]  }
0x17d: {  	v58 =	vld [tilespmem:s19+$0x16220]  }
0x17e: {  	v59 =	vld [tilespmem:s19+$0x12230]  }
0x17f: {  	v60 =	vld [tilespmem:s19+$0x16230]  }
0x180: {  	v61 =	vld [tilespmem:s19+$0x12240]  }
0x181: {  	v62 =	vld [tilespmem:s19+$0x16240]  }
0x182: {  	v63 =	vld [tilespmem:s19+$0x12250];
	v53 =	vadd.f32 v54, v53;
	v54 =	vmul.f32 v55, v55;
	v48 =	vsub.f32 v48, v51  }
0x183: {  	v51 =	vld [tilespmem:s19+$0x16250]  }
0x184: {  	v55 =	vld [tilespmem:s19+$0x12260];
	v53 =	vadd.f32 v54, v53;
	v48 =	vmul.f32 v48, v48;
	v49 =	vsub.f32 v49, v52  }
0x185: {  	v52 =	vld [tilespmem:s19+$0x16260]  }
0x186: {  	s4 =	simm.s32 $0x0;
	v54 =	vld [tilespmem:s19+$0x12270];
	v0 =	vsub.f32 v50, v0;
	v48 =	vadd.f32 v48, v53;
	v49 =	vmul.f32 v49, v49  }
0x187: {  	v50 =	vld [tilespmem:s19+$0x16270];
	[tilespmem:s28], [sflag:$0x4] =	stream.linear.gather [hbm4b:s12+s4], $0x2000, $0x38  }
0x188: {  	v1 =	vsub.f32 v1, v56;
	s19 =	simm.s32 $0x140;
	v48 =	vadd.f32 v49, v48;
	v0 =	vmul.f32 v0, v0  }
0x189: {  	[tilespmem:s29], [sflag:$0x6] =	stream.indirect.gather [hbm4b:s1+s25], $0x80, s19, s25, $0xb8;
	[tilespmem:$0x18280] =	vst v63  }
0x18a: {  	v58 =	vsub.f32 v57, v58;
	v1 =	vmul.f32 v1, v1;
	_ =	swait.ge [sflag:s30], $0x2000;
	v0 =	vadd.f32 v0, v48  }
0x18b: {  	[sflag:s30] =	ssyncset.done $0x0  }
0x18c: {  	v48 =	vmul.f32 v58, v58;
	[sflag:s30] =	ssyncadd.s32 $0xFFFFE000;
	v0 =	vadd.f32 v1, v0;
	v1 =	vsub.f32 v59, v60  }
0x18d: {  	_ =	swait.ge [sflag:s31], $0x2000  }
0x18e: {  	v59 =	vsub.f32 v61, v62;
	[sflag:s31] =	ssyncset.done $0x0;
	v0 =	vadd.f32 v48, v0;
	v1 =	vmul.f32 v1, v1  }
0x18f: {  	s4 =	simm.s32 $0x0;
	[sflag:s31] =	ssyncadd.s32 $0xFFFFE000  }
0x190: {  	v60 =	vsub.f32 v63, v51;
	v49 =	vld [tilespmem:s4+$0x10200];
	v0 =	vadd.f32 v1, v0;
	v1 =	vmul.f32 v59, v59  }
0x191: {  	v61 =	vld [tilespmem:s4+$0x14200]  }
0x192: {  	v62 =	vsub.f32 v55, v52;
	v63 =	vld [tilespmem:s4+$0x10210];
	v0 =	vadd.f32 v1, v0;
	v1 =	vmul.f32 v60, v60  }
0x193: {  	v57 =	vld [tilespmem:s4+$0x14210]  }
0x194: {  	v58 =	vsub.f32 v54, v50;
	v59 =	vld [tilespmem:s4+$0x10220];
	v0 =	vadd.f32 v1, v0;
	v1 =	vmul.f32 v62, v62  }
0x195: {  	v60 =	vld [tilespmem:s4+$0x14220]  }
0x196: {  	v51 =	vld [tilespmem:s4+$0x14230];
	v61 =	vsub.f32 v49, v61;
	v0 =	vadd.f32 v1, v0;
	v1 =	vmul.f32 v58, v58  }
0x197: {  	v49 =	vld [tilespmem:s4+$0x10230]  }
0x198: {  	v52 =	vld [tilespmem:s4+$0x10240];
	v62 =	vsub.f32 v63, v57;
	v0 =	vadd.f32 v1, v0;
	v1 =	vmul.f32 v61, v61  }
0x199: {  	v63 =	vld [tilespmem:s4+$0x14240]  }
0x19a: {  	v60 =	vsub.f32 v59, v60;
	v61 =	vld [tilespmem:s4+$0x10250];
	v0 =	vadd.f32 v1, v0;
	v1 =	vmul.f32 v62, v62  }
0x19b: {  	v62 =	vld [tilespmem:s4+$0x14250]  }
0x19c: {  	v48 =	vld [tilespmem:s4+$0x10260];
	v49 =	vsub.f32 v49, v51;
	v0 =	vadd.f32 v1, v0;
	v1 =	vmul.f32 v60, v60  }
0x19d: {  	v51 =	vld [tilespmem:s4+$0x14260]  }
0x19e: {  	v63 =	vsub.f32 v52, v63;
	v52 =	vld [tilespmem:s4+$0x14270];
	v0 =	vadd.f32 v1, v0;
	v1 =	vmul.f32 v49, v49  }
0x19f: {  	s19 =	simm.s32 $0x80;
	v49 =	vld [tilespmem:s4+$0x10270]  }
0x1a0: {  	v50 =	vld [tilespmem:s19+$0x10200];
	v54 =	vmul.f32 v63, v63;
	s4 =	simm.s32 $0x400;
	v55 =	vsub.f32 v61, v62;
	v53 =	vadd.f32 v1, v0  }
.LBB2_10:
0x1a1: {  	p0 =	sne.s32 s4, $0x7E00;
	v0 =	vld [tilespmem:s19+$0x14200]  }
0x1a2: {  	v1 =	vld [tilespmem:s19+$0x10210];
	v53 =	vadd.f32 v54, v53;
	v54 =	vmul.f32 v55, v55;
	v48 =	vsub.f32 v48, v51  }
0x1a3: {  	v51 =	vld [tilespmem:s19+$0x14210]  }
0x1a4: {  	v55 =	vld [tilespmem:s19+$0x10220];
	v53 =	vadd.f32 v54, v53;
	v48 =	vmul.f32 v48, v48;
	v49 =	vsub.f32 v49, v52  }
0x1a5: {  	v52 =	vld [tilespmem:s19+$0x14220]  }
0x1a6: {  	v0 =	vsub.f32 v50, v0;
	v50 =	vld [tilespmem:s19+$0x10230];
	v48 =	vadd.f32 v48, v53;
	v49 =	vmul.f32 v49, v49  }
0x1a7: {  	v53 =	vld [tilespmem:s19+$0x14230]  }
0x1a8: {  	v0 =	vmul.f32 v0, v0;
	v1 =	vsub.f32 v1, v51;
	v54 =	vld [tilespmem:s19+$0x10240];
	v48 =	vadd.f32 v49, v48  }
0x1a9: {  	v49 =	vld [tilespmem:s19+$0x14240]  }
0x1aa: {  	v0 =	vadd.f32 v0, v48;
	v1 =	vmul.f32 v1, v1;
	v48 =	vsub.f32 v55, v52;
	v55 =	vld [tilespmem:s19+$0x10250]  }
0x1ab: {  	v56 =	vld [tilespmem:s19+$0x14250]  }
.Ltmp4:
0x1ac: {  	v0 =	vadd.f32 v1, v0;
	v1 =	vmul.f32 v48, v48;
	v50 =	vsub.f32 v50, v53;
	v48 =	vld [tilespmem:s19+$0x10260];
	(pc) =	sbr.rel @p0 .LBB2_10-.Ltmp4, $4  }
0x1ad: {  	v51 =	vld [tilespmem:s19+$0x14260]  }
0x1ae: {  	v0 =	vadd.f32 v1, v0;
	v1 =	vmul.f32 v50, v50;
	v54 =	vsub.f32 v54, v49;
	v49 =	vld [tilespmem:s19+$0x10270]  }
0x1af: {  	v52 =	vld [tilespmem:s19+$0x14270];
	s19 =	sshra.s32 s4, $0x2  }
0x1b0: {  	s4 =	sadd.s32 $0x200, s4;
	v50 =	vld [tilespmem:s19+$0x10200];
	v53 =	vadd.f32 v1, v0;
	v54 =	vmul.f32 v54, v54;
	v55 =	vsub.f32 v55, v56  }
0x1b1: {  	v0 =	vld [tilespmem:s19+$0x14200]  }
0x1b2: {  	v1 =	vld [tilespmem:s19+$0x10210]  }
0x1b3: {  	v56 =	vld [tilespmem:s19+$0x14210]  }
0x1b4: {  	v57 =	vld [tilespmem:s19+$0x10220]  }
0x1b5: {  	v58 =	vld [tilespmem:s19+$0x14220]  }
0x1b6: {  	v59 =	vld [tilespmem:s19+$0x10230]  }
0x1b7: {  	v60 =	vld [tilespmem:s19+$0x14230]  }
0x1b8: {  	v61 =	vld [tilespmem:s19+$0x10240]  }
0x1b9: {  	v62 =	vld [tilespmem:s19+$0x14240]  }
0x1ba: {  	v63 =	vld [tilespmem:s19+$0x10250];
	v53 =	vadd.f32 v54, v53;
	v54 =	vmul.f32 v55, v55;
	v48 =	vsub.f32 v48, v51  }
0x1bb: {  	v51 =	vld [tilespmem:s19+$0x14250]  }
0x1bc: {  	v55 =	vld [tilespmem:s19+$0x10260];
	v53 =	vadd.f32 v54, v53;
	v48 =	vmul.f32 v48, v48;
	v49 =	vsub.f32 v49, v52  }
0x1bd: {  	v52 =	vld [tilespmem:s19+$0x14260]  }
0x1be: {  	s4 =	simm.s32 $0x0;
	v54 =	vld [tilespmem:s19+$0x10270];
	v0 =	vsub.f32 v50, v0;
	v48 =	vadd.f32 v48, v53;
	v49 =	vmul.f32 v49, v49  }
0x1bf: {  	v50 =	vld [tilespmem:s19+$0x14270];
	[tilespmem:s24], [sflag:$0x3] =	stream.linear.gather [hbm4b:s13+s4], $0x2000, $0x38  }
0x1c0: {  	v1 =	vsub.f32 v1, v56;
	s19 =	simm.s32 $0x180;
	v48 =	vadd.f32 v49, v48;
	v0 =	vmul.f32 v0, v0  }
0x1c1: {  	[tilespmem:s26], [sflag:$0x5] =	stream.indirect.gather [hbm4b:s1+s25], $0x80, s19, s25, $0xb8;
	[tilespmem:$0x18280] =	vst v63  }
0x1c2: {  	v58 =	vsub.f32 v57, v58;
	v1 =	vmul.f32 v1, v1;
	_ =	swait.ge [sflag:s2], $0x2000;
	v0 =	vadd.f32 v0, v48  }
0x1c3: {  	[sflag:s2] =	ssyncset.done $0x0  }
0x1c4: {  	v48 =	vmul.f32 v58, v58;
	[sflag:s2] =	ssyncadd.s32 $0xFFFFE000;
	v0 =	vadd.f32 v1, v0;
	v1 =	vsub.f32 v59, v60  }
0x1c5: {  	_ =	swait.ge [sflag:s0], $0x2000  }
0x1c6: {  	v59 =	vsub.f32 v61, v62;
	[sflag:s0] =	ssyncset.done $0x0;
	v0 =	vadd.f32 v48, v0;
	v1 =	vmul.f32 v1, v1  }
0x1c7: {  	s4 =	simm.s32 $0x0;
	[sflag:s0] =	ssyncadd.s32 $0xFFFFE000  }
0x1c8: {  	v60 =	vsub.f32 v63, v51;
	v49 =	vld [tilespmem:s4+$0x12200];
	v0 =	vadd.f32 v1, v0;
	v1 =	vmul.f32 v59, v59  }
0x1c9: {  	v61 =	vld [tilespmem:s4+$0x16200]  }
0x1ca: {  	v62 =	vsub.f32 v55, v52;
	v63 =	vld [tilespmem:s4+$0x12210];
	v0 =	vadd.f32 v1, v0;
	v1 =	vmul.f32 v60, v60  }
0x1cb: {  	v57 =	vld [tilespmem:s4+$0x16210]  }
0x1cc: {  	v58 =	vsub.f32 v54, v50;
	v59 =	vld [tilespmem:s4+$0x12220];
	v0 =	vadd.f32 v1, v0;
	v1 =	vmul.f32 v62, v62  }
0x1cd: {  	v60 =	vld [tilespmem:s4+$0x16220]  }
0x1ce: {  	v51 =	vld [tilespmem:s4+$0x16230];
	v61 =	vsub.f32 v49, v61;
	v0 =	vadd.f32 v1, v0;
	v1 =	vmul.f32 v58, v58  }
0x1cf: {  	v49 =	vld [tilespmem:s4+$0x12230]  }
0x1d0: {  	v52 =	vld [tilespmem:s4+$0x12240];
	v62 =	vsub.f32 v63, v57;
	v0 =	vadd.f32 v1, v0;
	v1 =	vmul.f32 v61, v61  }
0x1d1: {  	v63 =	vld [tilespmem:s4+$0x16240]  }
0x1d2: {  	v60 =	vsub.f32 v59, v60;
	v61 =	vld [tilespmem:s4+$0x12250];
	v0 =	vadd.f32 v1, v0;
	v1 =	vmul.f32 v62, v62  }
0x1d3: {  	v62 =	vld [tilespmem:s4+$0x16250]  }
0x1d4: {  	v48 =	vld [tilespmem:s4+$0x12260];
	v49 =	vsub.f32 v49, v51;
	v0 =	vadd.f32 v1, v0;
	v1 =	vmul.f32 v60, v60  }
0x1d5: {  	v51 =	vld [tilespmem:s4+$0x16260]  }
0x1d6: {  	v63 =	vsub.f32 v52, v63;
	v52 =	vld [tilespmem:s4+$0x16270];
	v0 =	vadd.f32 v1, v0;
	v1 =	vmul.f32 v49, v49  }
0x1d7: {  	s19 =	simm.s32 $0x80;
	v49 =	vld [tilespmem:s4+$0x12270]  }
0x1d8: {  	v50 =	vld [tilespmem:s19+$0x12200];
	v54 =	vmul.f32 v63, v63;
	s4 =	simm.s32 $0x400;
	v55 =	vsub.f32 v61, v62;
	v53 =	vadd.f32 v1, v0  }
.LBB2_12:
0x1d9: {  	p0 =	sne.s32 s4, $0x7E00;
	v0 =	vld [tilespmem:s19+$0x16200]  }
0x1da: {  	v1 =	vld [tilespmem:s19+$0x12210];
	v53 =	vadd.f32 v54, v53;
	v54 =	vmul.f32 v55, v55;
	v48 =	vsub.f32 v48, v51  }
0x1db: {  	v51 =	vld [tilespmem:s19+$0x16210]  }
0x1dc: {  	v55 =	vld [tilespmem:s19+$0x12220];
	v53 =	vadd.f32 v54, v53;
	v48 =	vmul.f32 v48, v48;
	v49 =	vsub.f32 v49, v52  }
0x1dd: {  	v52 =	vld [tilespmem:s19+$0x16220]  }
0x1de: {  	v0 =	vsub.f32 v50, v0;
	v50 =	vld [tilespmem:s19+$0x12230];
	v48 =	vadd.f32 v48, v53;
	v49 =	vmul.f32 v49, v49  }
0x1df: {  	v53 =	vld [tilespmem:s19+$0x16230]  }
0x1e0: {  	v0 =	vmul.f32 v0, v0;
	v1 =	vsub.f32 v1, v51;
	v54 =	vld [tilespmem:s19+$0x12240];
	v48 =	vadd.f32 v49, v48  }
0x1e1: {  	v49 =	vld [tilespmem:s19+$0x16240]  }
0x1e2: {  	v0 =	vadd.f32 v0, v48;
	v1 =	vmul.f32 v1, v1;
	v48 =	vsub.f32 v55, v52;
	v55 =	vld [tilespmem:s19+$0x12250]  }
0x1e3: {  	v56 =	vld [tilespmem:s19+$0x16250]  }
.Ltmp5:
0x1e4: {  	v0 =	vadd.f32 v1, v0;
	v1 =	vmul.f32 v48, v48;
	v50 =	vsub.f32 v50, v53;
	v48 =	vld [tilespmem:s19+$0x12260];
	(pc) =	sbr.rel @p0 .LBB2_12-.Ltmp5, $4  }
0x1e5: {  	v51 =	vld [tilespmem:s19+$0x16260]  }
0x1e6: {  	v0 =	vadd.f32 v1, v0;
	v1 =	vmul.f32 v50, v50;
	v54 =	vsub.f32 v54, v49;
	v49 =	vld [tilespmem:s19+$0x12270]  }
0x1e7: {  	v52 =	vld [tilespmem:s19+$0x16270];
	s19 =	sshra.s32 s4, $0x2  }
0x1e8: {  	s4 =	sadd.s32 $0x200, s4;
	v50 =	vld [tilespmem:s19+$0x12200];
	v53 =	vadd.f32 v1, v0;
	v54 =	vmul.f32 v54, v54;
	v55 =	vsub.f32 v55, v56  }
0x1e9: {  	v0 =	vld [tilespmem:s19+$0x16200]  }
0x1ea: {  	v1 =	vld [tilespmem:s19+$0x12210]  }
0x1eb: {  	v56 =	vld [tilespmem:s19+$0x16210]  }
0x1ec: {  	v57 =	vld [tilespmem:s19+$0x12220]  }
0x1ed: {  	v58 =	vld [tilespmem:s19+$0x16220]  }
0x1ee: {  	v59 =	vld [tilespmem:s19+$0x12230]  }
0x1ef: {  	v60 =	vld [tilespmem:s19+$0x16230]  }
0x1f0: {  	v61 =	vld [tilespmem:s19+$0x12240]  }
0x1f1: {  	v62 =	vld [tilespmem:s19+$0x16240]  }
0x1f2: {  	v63 =	vld [tilespmem:s19+$0x12250];
	v53 =	vadd.f32 v54, v53;
	v54 =	vmul.f32 v55, v55;
	v48 =	vsub.f32 v48, v51  }
0x1f3: {  	v51 =	vld [tilespmem:s19+$0x16250]  }
0x1f4: {  	v55 =	vld [tilespmem:s19+$0x12260];
	v53 =	vadd.f32 v54, v53;
	v48 =	vmul.f32 v48, v48;
	v49 =	vsub.f32 v49, v52  }
0x1f5: {  	v52 =	vld [tilespmem:s19+$0x16260]  }
0x1f6: {  	s4 =	simm.s32 $0x0;
	v54 =	vld [tilespmem:s19+$0x12270];
	v0 =	vsub.f32 v50, v0;
	v48 =	vadd.f32 v48, v53;
	v49 =	vmul.f32 v49, v49  }
0x1f7: {  	v50 =	vld [tilespmem:s19+$0x16270];
	[tilespmem:s28], [sflag:$0x4] =	stream.linear.gather [hbm4b:s14+s4], $0x2000, $0x38  }
0x1f8: {  	v1 =	vsub.f32 v1, v56;
	s19 =	simm.s32 $0x1C0;
	v48 =	vadd.f32 v49, v48;
	v0 =	vmul.f32 v0, v0  }
0x1f9: {  	[tilespmem:s29], [sflag:$0x6] =	stream.indirect.gather [hbm4b:s1+s25], $0x80, s19, s25, $0xb8;
	[tilespmem:$0x18280] =	vst v63  }
0x1fa: {  	v58 =	vsub.f32 v57, v58;
	v1 =	vmul.f32 v1, v1;
	_ =	swait.ge [sflag:s30], $0x2000;
	v0 =	vadd.f32 v0, v48  }
0x1fb: {  	[sflag:s30] =	ssyncset.done $0x0  }
0x1fc: {  	v48 =	vmul.f32 v58, v58;
	[sflag:s30] =	ssyncadd.s32 $0xFFFFE000;
	v0 =	vadd.f32 v1, v0;
	v1 =	vsub.f32 v59, v60  }
0x1fd: {  	_ =	swait.ge [sflag:s31], $0x2000  }
0x1fe: {  	v59 =	vsub.f32 v61, v62;
	[sflag:s31] =	ssyncset.done $0x0;
	v0 =	vadd.f32 v48, v0;
	v1 =	vmul.f32 v1, v1  }
0x1ff: {  	s4 =	simm.s32 $0x0;
	[sflag:s31] =	ssyncadd.s32 $0xFFFFE000  }
0x200: {  	v60 =	vsub.f32 v63, v51;
	v49 =	vld [tilespmem:s4+$0x10200];
	v0 =	vadd.f32 v1, v0;
	v1 =	vmul.f32 v59, v59  }
0x201: {  	v61 =	vld [tilespmem:s4+$0x14200]  }
0x202: {  	v62 =	vsub.f32 v55, v52;
	v63 =	vld [tilespmem:s4+$0x10210];
	v0 =	vadd.f32 v1, v0;
	v1 =	vmul.f32 v60, v60  }
0x203: {  	v57 =	vld [tilespmem:s4+$0x14210]  }
0x204: {  	v58 =	vsub.f32 v54, v50;
	v59 =	vld [tilespmem:s4+$0x10220];
	v0 =	vadd.f32 v1, v0;
	v1 =	vmul.f32 v62, v62  }
0x205: {  	v60 =	vld [tilespmem:s4+$0x14220]  }
0x206: {  	v51 =	vld [tilespmem:s4+$0x14230];
	v61 =	vsub.f32 v49, v61;
	v0 =	vadd.f32 v1, v0;
	v1 =	vmul.f32 v58, v58  }
0x207: {  	v49 =	vld [tilespmem:s4+$0x10230]  }
0x208: {  	v52 =	vld [tilespmem:s4+$0x10240];
	v62 =	vsub.f32 v63, v57;
	v0 =	vadd.f32 v1, v0;
	v1 =	vmul.f32 v61, v61  }
0x209: {  	v63 =	vld [tilespmem:s4+$0x14240]  }
0x20a: {  	v60 =	vsub.f32 v59, v60;
	v61 =	vld [tilespmem:s4+$0x10250];
	v0 =	vadd.f32 v1, v0;
	v1 =	vmul.f32 v62, v62  }
0x20b: {  	v62 =	vld [tilespmem:s4+$0x14250]  }
0x20c: {  	v48 =	vld [tilespmem:s4+$0x10260];
	v49 =	vsub.f32 v49, v51;
	v0 =	vadd.f32 v1, v0;
	v1 =	vmul.f32 v60, v60  }
0x20d: {  	v51 =	vld [tilespmem:s4+$0x14260]  }
0x20e: {  	v63 =	vsub.f32 v52, v63;
	v52 =	vld [tilespmem:s4+$0x14270];
	v0 =	vadd.f32 v1, v0;
	v1 =	vmul.f32 v49, v49  }
0x20f: {  	s19 =	simm.s32 $0x80;
	v49 =	vld [tilespmem:s4+$0x10270]  }
0x210: {  	v50 =	vld [tilespmem:s19+$0x10200];
	v54 =	vmul.f32 v63, v63;
	s4 =	simm.s32 $0x400;
	v55 =	vsub.f32 v61, v62;
	v53 =	vadd.f32 v1, v0  }
.LBB2_14:
0x211: {  	p0 =	sne.s32 s4, $0x7E00;
	v0 =	vld [tilespmem:s19+$0x14200]  }
0x212: {  	v1 =	vld [tilespmem:s19+$0x10210];
	v53 =	vadd.f32 v54, v53;
	v54 =	vmul.f32 v55, v55;
	v48 =	vsub.f32 v48, v51  }
0x213: {  	v51 =	vld [tilespmem:s19+$0x14210]  }
0x214: {  	v55 =	vld [tilespmem:s19+$0x10220];
	v53 =	vadd.f32 v54, v53;
	v48 =	vmul.f32 v48, v48;
	v49 =	vsub.f32 v49, v52  }
0x215: {  	v52 =	vld [tilespmem:s19+$0x14220]  }
0x216: {  	v0 =	vsub.f32 v50, v0;
	v50 =	vld [tilespmem:s19+$0x10230];
	v48 =	vadd.f32 v48, v53;
	v49 =	vmul.f32 v49, v49  }
0x217: {  	v53 =	vld [tilespmem:s19+$0x14230]  }
0x218: {  	v0 =	vmul.f32 v0, v0;
	v1 =	vsub.f32 v1, v51;
	v54 =	vld [tilespmem:s19+$0x10240];
	v48 =	vadd.f32 v49, v48  }
0x219: {  	v49 =	vld [tilespmem:s19+$0x14240]  }
0x21a: {  	v0 =	vadd.f32 v0, v48;
	v1 =	vmul.f32 v1, v1;
	v48 =	vsub.f32 v55, v52;
	v55 =	vld [tilespmem:s19+$0x10250]  }
0x21b: {  	v56 =	vld [tilespmem:s19+$0x14250]  }
.Ltmp6:
0x21c: {  	v0 =	vadd.f32 v1, v0;
	v1 =	vmul.f32 v48, v48;
	v50 =	vsub.f32 v50, v53;
	v48 =	vld [tilespmem:s19+$0x10260];
	(pc) =	sbr.rel @p0 .LBB2_14-.Ltmp6, $4  }
0x21d: {  	v51 =	vld [tilespmem:s19+$0x14260]  }
0x21e: {  	v0 =	vadd.f32 v1, v0;
	v1 =	vmul.f32 v50, v50;
	v54 =	vsub.f32 v54, v49;
	v49 =	vld [tilespmem:s19+$0x10270]  }
0x21f: {  	v52 =	vld [tilespmem:s19+$0x14270];
	s19 =	sshra.s32 s4, $0x2  }
0x220: {  	s4 =	sadd.s32 $0x200, s4;
	v50 =	vld [tilespmem:s19+$0x10200];
	v53 =	vadd.f32 v1, v0;
	v54 =	vmul.f32 v54, v54;
	v55 =	vsub.f32 v55, v56  }
0x221: {  	v0 =	vld [tilespmem:s19+$0x14200]  }
0x222: {  	v1 =	vld [tilespmem:s19+$0x10210]  }
0x223: {  	v56 =	vld [tilespmem:s19+$0x14210]  }
0x224: {  	v57 =	vld [tilespmem:s19+$0x10220]  }
0x225: {  	v58 =	vld [tilespmem:s19+$0x14220]  }
0x226: {  	v59 =	vld [tilespmem:s19+$0x10230]  }
0x227: {  	v60 =	vld [tilespmem:s19+$0x14230];
	v53 =	vadd.f32 v54, v53;
	v63 =	vmul.f32 v55, v55;
	v48 =	vsub.f32 v48, v51  }
0x228: {  	v61 =	vld [tilespmem:s19+$0x14250]  }
0x229: {  	v62 =	vld [tilespmem:s19+$0x10260];
	v53 =	vadd.f32 v63, v53;
	v48 =	vmul.f32 v48, v48;
	v49 =	vsub.f32 v49, v52  }
0x22a: {  	v51 =	vld [tilespmem:s19+$0x10240]  }
0x22b: {  	v55 =	vld [tilespmem:s19+$0x14240];
	v0 =	vsub.f32 v50, v0;
	v48 =	vadd.f32 v48, v53;
	v49 =	vmul.f32 v49, v49  }
0x22c: {  	v52 =	vld [tilespmem:s19+$0x10250]  }
0x22d: {  	v63 =	vld [tilespmem:s19+$0x14260];
	v1 =	vsub.f32 v1, v56;
	v0 =	vmul.f32 v0, v0;
	v48 =	vadd.f32 v49, v48  }
0x22e: {  	v56 =	vld [tilespmem:s19+$0x14270]  }
0x22f: {  	v58 =	vsub.f32 v57, v58;
	v49 =	vld [tilespmem:s19+$0x10270];
	v1 =	vmul.f32 v1, v1;
	_ =	swait.ge [sflag:s2], $0x2000;
	v0 =	vadd.f32 v0, v48  }
0x230: {  	[sflag:s2] =	ssyncset.done $0x0  }
0x231: {  	v48 =	vmul.f32 v58, v58;
	[sflag:s2] =	ssyncadd.s32 $0xFFFFE000;
	v0 =	vadd.f32 v1, v0;
	v1 =	vsub.f32 v59, v60  }
0x232: {  	_ =	swait.ge [sflag:s0], $0x2000  }
0x233: {  	v59 =	vsub.f32 v51, v55;
	[sflag:s0] =	ssyncset.done $0x0;
	v0 =	vadd.f32 v48, v0;
	v1 =	vmul.f32 v1, v1  }
0x234: {  	s4 =	simm.s32 $0x0;
	[sflag:s0] =	ssyncadd.s32 $0xFFFFE000  }
0x235: {  	v60 =	vsub.f32 v52, v61;
	v51 =	vld [tilespmem:s4+$0x12200];
	v0 =	vadd.f32 v1, v0;
	v1 =	vmul.f32 v59, v59  }
0x236: {  	v61 =	vld [tilespmem:s4+$0x16200]  }
0x237: {  	v62 =	vsub.f32 v62, v63;
	v63 =	vld [tilespmem:s4+$0x12210];
	v0 =	vadd.f32 v1, v0;
	v1 =	vmul.f32 v60, v60  }
0x238: {  	v57 =	vld [tilespmem:s4+$0x16210]  }
0x239: {  	v58 =	vsub.f32 v49, v56;
	v59 =	vld [tilespmem:s4+$0x12220];
	v0 =	vadd.f32 v1, v0;
	v1 =	vmul.f32 v62, v62  }
0x23a: {  	v60 =	vld [tilespmem:s4+$0x16220]  }
0x23b: {  	v52 =	vld [tilespmem:s4+$0x16230];
	v61 =	vsub.f32 v51, v61;
	v0 =	vadd.f32 v1, v0;
	v1 =	vmul.f32 v58, v58  }
0x23c: {  	v51 =	vld [tilespmem:s4+$0x12230]  }
0x23d: {  	v53 =	vld [tilespmem:s4+$0x12240];
	v62 =	vsub.f32 v63, v57;
	v0 =	vadd.f32 v1, v0;
	v1 =	vmul.f32 v61, v61  }
0x23e: {  	v55 =	vld [tilespmem:s4+$0x16240]  }
0x23f: {  	v63 =	vsub.f32 v59, v60;
	v60 =	vld [tilespmem:s4+$0x12250];
	v0 =	vadd.f32 v1, v0;
	v1 =	vmul.f32 v62, v62  }
0x240: {  	v61 =	vld [tilespmem:s4+$0x16250]  }
0x241: {  	v50 =	vld [tilespmem:s4+$0x12260];
	v62 =	vsub.f32 v51, v52;
	v0 =	vadd.f32 v1, v0;
	v1 =	vmul.f32 v63, v63  }
0x242: {  	v52 =	vld [tilespmem:s4+$0x16260]  }
0x243: {  	v48 =	vld [tilespmem:s4+$0x12270];
	v63 =	vsub.f32 v53, v55;
	v0 =	vadd.f32 v1, v0;
	v1 =	vmul.f32 v62, v62  }
0x244: {  	s19 =	simm.s32 $0x80;
	v51 =	vld [tilespmem:s4+$0x16270]  }
0x245: {  	v49 =	vld [tilespmem:s19+$0x12200];
	s4 =	simm.s32 $0x400;
	v55 =	vsub.f32 v60, v61;
	v54 =	vmul.f32 v63, v63;
	v53 =	vadd.f32 v1, v0  }
.LBB2_16:
0x246: {  	p0 =	sne.s32 s4, $0x7E00;
	v0 =	vld [tilespmem:s19+$0x16200]  }
0x247: {  	v1 =	vld [tilespmem:s19+$0x12210];
	v53 =	vadd.f32 v54, v53;
	v54 =	vmul.f32 v55, v55;
	v50 =	vsub.f32 v50, v52  }
0x248: {  	v52 =	vld [tilespmem:s19+$0x16210]  }
0x249: {  	v55 =	vld [tilespmem:s19+$0x12220];
	v53 =	vadd.f32 v54, v53;
	v50 =	vmul.f32 v50, v50;
	v48 =	vsub.f32 v48, v51  }
0x24a: {  	v51 =	vld [tilespmem:s19+$0x16220]  }
0x24b: {  	v0 =	vsub.f32 v49, v0;
	v49 =	vld [tilespmem:s19+$0x12230];
	v50 =	vadd.f32 v50, v53;
	v48 =	vmul.f32 v48, v48  }
0x24c: {  	v53 =	vld [tilespmem:s19+$0x16230]  }
0x24d: {  	v0 =	vmul.f32 v0, v0;
	v1 =	vsub.f32 v1, v52;
	v54 =	vld [tilespmem:s19+$0x12240];
	v48 =	vadd.f32 v48, v50  }
0x24e: {  	v56 =	vld [tilespmem:s19+$0x16240]  }
0x24f: {  	v0 =	vadd.f32 v0, v48;
	v1 =	vmul.f32 v1, v1;
	v48 =	vsub.f32 v55, v51;
	v55 =	vld [tilespmem:s19+$0x12250]  }
0x250: {  	v57 =	vld [tilespmem:s19+$0x16250]  }
.Ltmp7:
0x251: {  	v0 =	vadd.f32 v1, v0;
	v1 =	vmul.f32 v48, v48;
	v48 =	vsub.f32 v49, v53;
	v50 =	vld [tilespmem:s19+$0x12260];
	(pc) =	sbr.rel @p0 .LBB2_16-.Ltmp7, $4  }
0x252: {  	v52 =	vld [tilespmem:s19+$0x16260]  }
0x253: {  	v0 =	vadd.f32 v1, v0;
	v1 =	vmul.f32 v48, v48;
	v54 =	vsub.f32 v54, v56;
	v48 =	vld [tilespmem:s19+$0x12270]  }
0x254: {  	v51 =	vld [tilespmem:s19+$0x16270];
	s19 =	sshra.s32 s4, $0x2  }
0x255: {  	s4 =	sadd.s32 $0x200, s4;
	v49 =	vld [tilespmem:s19+$0x12200];
	v53 =	vadd.f32 v1, v0;
	v54 =	vmul.f32 v54, v54;
	v55 =	vsub.f32 v55, v57  }
0x256: {  	v1 =	vld [tilespmem:$0x1FEE0];
	_ =	sdelay $0x4  }
0x257: {  	vm0 =	vnez.u8 v1;
	v1 =	vld [tilespmem:$0x1FEF0];
	_ =	sdelay $0x2  }
0x258: {  	v0 =	vadd.f32 $0.0e+00, v16;
	_ =	sdelay $0x1  }
0x259: {  	v0 =	vnsel vm0, $0x0, v0;
	vm0 =	vnez.u8 v1  }
0x25a: {  	v1 =	vnsel vm0, $0x0, v17  }
0x25b: {  	v0 =	vadd.f32 v1, v0;
	v1 =	vld [tilespmem:$0x1FF00];
	_ =	sdelay $0x4  }
0x25c: {  	vm0 =	vnez.u8 v1  }
0x25d: {  	v1 =	vnsel vm0, $0x0, v18  }
0x25e: {  	v0 =	vadd.f32 v1, v0;
	v1 =	vld [tilespmem:$0x1FF10];
	_ =	sdelay $0x4  }
0x25f: {  	vm0 =	vnez.u8 v1  }
0x260: {  	v1 =	vnsel vm0, $0x0, v19  }
0x261: {  	v0 =	vadd.f32 v1, v0;
	v1 =	vld [tilespmem:$0x1FF20];
	_ =	sdelay $0x4  }
0x262: {  	vm0 =	vnez.u8 v1  }
0x263: {  	v1 =	vnsel vm0, $0x0, v20  }
0x264: {  	v0 =	vadd.f32 v1, v0;
	v1 =	vld [tilespmem:$0x1FF30];
	_ =	sdelay $0x4  }
0x265: {  	vm0 =	vnez.u8 v1  }
0x266: {  	v1 =	vnsel vm0, $0x0, v21  }
0x267: {  	v0 =	vadd.f32 v1, v0;
	v1 =	vld [tilespmem:$0x1FF40];
	_ =	sdelay $0x4  }
0x268: {  	vm0 =	vnez.u8 v1  }
0x269: {  	v1 =	vnsel vm0, $0x0, v22  }
0x26a: {  	v0 =	vadd.f32 v1, v0;
	v1 =	vld [tilespmem:$0x1FF50];
	_ =	sdelay $0x4  }
0x26b: {  	vm0 =	vnez.u8 v1  }
0x26c: {  	v1 =	vnsel vm0, $0x0, v23  }
0x26d: {  	v0 =	vadd.f32 v1, v0;
	v1 =	vld [tilespmem:$0x1FF60];
	_ =	sdelay $0x4  }
0x26e: {  	vm0 =	vnez.u8 v1  }
0x26f: {  	v1 =	vnsel vm0, $0x0, v25  }
0x270: {  	v0 =	vadd.f32 v1, v0;
	v1 =	vld [tilespmem:$0x1FF70];
	_ =	sdelay $0x4  }
0x271: {  	vm0 =	vnez.u8 v1  }
0x272: {  	v1 =	vnsel vm0, $0x0, v28  }
0x273: {  	v0 =	vadd.f32 v1, v0;
	v1 =	vld [tilespmem:$0x1FF80];
	_ =	sdelay $0x4  }
0x274: {  	vm0 =	vnez.u8 v1  }
0x275: {  	v1 =	vnsel vm0, $0x0, v30  }
0x276: {  	v0 =	vadd.f32 v1, v0;
	v1 =	vld [tilespmem:$0x1FF90];
	_ =	sdelay $0x4  }
0x277: {  	vm0 =	vnez.u8 v1  }
0x278: {  	v1 =	vnsel vm0, $0x0, v31  }
0x279: {  	v0 =	vadd.f32 v1, v0;
	v1 =	vld [tilespmem:$0x1FFA0];
	_ =	sdelay $0x4  }
0x27a: {  	vm0 =	vnez.u8 v1  }
0x27b: {  	v1 =	vnsel vm0, $0x0, v29  }
0x27c: {  	v0 =	vadd.f32 v1, v0;
	v1 =	vld [tilespmem:$0x1FFB0];
	_ =	sdelay $0x4  }
0x27d: {  	vm0 =	vnez.u8 v1  }
0x27e: {  	v1 =	vnsel vm0, $0x0, v27  }
0x27f: {  	v0 =	vadd.f32 v1, v0;
	v1 =	vld [tilespmem:$0x1FFC0];
	_ =	sdelay $0x4  }
0x280: {  	vm0 =	vnez.u8 v1  }
0x281: {  	v1 =	vnsel vm0, $0x0, v26  }
0x282: {  	v0 =	vadd.f32 v1, v0;
	v1 =	vld [tilespmem:$0x1FFD0];
	_ =	sdelay $0x4  }
0x283: {  	vm0 =	vnez.u8 v1  }
0x284: {  	v1 =	vnsel vm0, $0x0, v24  }
0x285: {  	v0 =	vadd.f32 v1, v0;
	v1 =	vld [tilespmem:$0x1FFE0];
	_ =	sdelay $0x4  }
0x286: {  	vm0 =	vnez.u8 v1  }
0x287: {  	v1 =	vnsel vm0, $0x0, v42  }
0x288: {  	v0 =	vadd.f32 v1, v0  }
0x289: {  	v1 =	vnsel vm1, $0x0, v44  }
0x28a: {  	v0 =	vadd.f32 v1, v0  }
0x28b: {  	v1 =	vnsel vm2, $0x0, v45  }
0x28c: {  	v17 =	vld [tilespmem:s19+$0x16200];
	v28 =	vsub.f32 v50, v52;
	v0 =	vadd.f32 v1, v0  }
0x28d: {  	v16 =	vnsel vm3, $0x0, v47;
	v30 =	vld [tilespmem:s19+$0x16210];
	v27 =	vmul.f32 v55, v55;
	v26 =	vadd.f32 v54, v53  }
0x28e: {  	v31 =	vmul.f32 v28, v28;
	v1 =	vld [tilespmem:s19+$0x12210];
	v0 =	vadd.f32 v16, v0  }
0x28f: {  	v29 =	vnsel vm4, $0x0, v46;
	v18 =	vadd.f32 v27, v26;
	v42 =	vsub.f32 v48, v51;
	v44 =	vld [tilespmem:s19+$0x16220]  }
0x290: {  	v43 =	vnsel vm6, $0x0, v43;
	v16 =	vld [tilespmem:s19+$0x12220];
	v0 =	vadd.f32 v29, v0  }
0x291: {  	v17 =	vsub.f32 v49, v17;
	v18 =	vadd.f32 v31, v18;
	v48 =	vld [tilespmem:s19+$0x16230];
	v46 =	vmul.f32 v42, v42  }
0x292: {  	v47 =	vnsel vm5, $0x0, v41;
	v45 =	vld [tilespmem:s19+$0x12230];
	v0 =	vadd.f32 v43, v0  }
0x293: {  	v49 =	vld [tilespmem:s19+$0x12240];
	v17 =	vmul.f32 v17, v17;
	v18 =	vadd.f32 v46, v18;
	v1 =	vsub.f32 v1, v30  }
0x294: {  	v50 =	vnsel vm7, $0x0, v40;
	v51 =	vld [tilespmem:s19+$0x16240];
	v0 =	vadd.f32 v47, v0  }
0x295: {  	v52 =	vld [tilespmem:s19+$0x12250];
	v17 =	vadd.f32 v17, v18;
	v1 =	vmul.f32 v1, v1;
	v16 =	vsub.f32 v16, v44  }
0x296: {  	v53 =	vnsel vm8, $0x0, v39;
	v54 =	vld [tilespmem:s19+$0x16250];
	v0 =	vadd.f32 v50, v0  }
0x297: {  	v1 =	vadd.f32 v1, v17;
	v16 =	vmul.f32 v16, v16;
	v17 =	vsub.f32 v45, v48  }
0x298: {  	v56 =	vld [tilespmem:s19+$0x12260];
	v55 =	vnsel vm9, $0x0, v38;
	v0 =	vadd.f32 v53, v0  }
0x299: {  	v57 =	vld [tilespmem:s19+$0x16260];
	v1 =	vadd.f32 v16, v1;
	v16 =	vmul.f32 v17, v17;
	v17 =	vsub.f32 v49, v51  }
0x29a: {  	v58 =	vnsel vm10, $0x0, v37;
	v59 =	vld [tilespmem:s19+$0x12270];
	v0 =	vadd.f32 v55, v0  }
0x29b: {  	v60 =	vld [tilespmem:s19+$0x16270];
	v1 =	vadd.f32 v16, v1;
	v16 =	vmul.f32 v17, v17;
	v17 =	vsub.f32 v52, v54  }
0x29c: {  	v0 =	vadd.f32 v58, v0  }
0x29d: {  	v61 =	vnsel vm11, $0x0, v36;
	v1 =	vadd.f32 v16, v1;
	v16 =	vmul.f32 v17, v17  }
0x29e: {  	v17 =	vsub.f32 v56, v57;
	v0 =	vadd.f32 v61, v0  }
0x29f: {  	v62 =	vnsel vm12, $0x0, v35;
	v1 =	vadd.f32 v16, v1  }
0x2a0: {  	v16 =	vmul.f32 v17, v17;
	v17 =	vsub.f32 v59, v60;
	v0 =	vadd.f32 v62, v0  }
0x2a1: {  	v63 =	vnsel vm13, $0x0, v34  }
0x2a2: {  	v1 =	vadd.f32 v16, v1;
	v16 =	vmul.f32 v17, v17;
	v0 =	vadd.f32 v63, v0  }
0x2a3: {  	v17 =	vnsel vm14, $0x0, v33  }
0x2a4: {  	v1 =	vadd.f32 v16, v1;
	v0 =	vadd.f32 v17, v0  }
0x2a5: {  	v16 =	vnsel vm15, $0x0, v32  }
0x2a6: {  	v1 =	vmul.f32 $2.500000000e-01, v1;
	v0 =	vadd.f32 v16, v0;
	_ =	sdelay $0x1  }
0x2a7: {  	s18 =	sadd.s32 $0x1, s18;
	v0 =	vsub.f32 v1, v0  }
0x2a8: {  	p0 =	sne.s32 s18, s16  }
.Ltmp8:
0x2a9: {  	s4 =	simm.s32 $0x18200;
	[tilespmem:$0x18200] =	vst v0;
	(pc) =	sbr.rel @p0 .LBB2_1-.Ltmp8, $4  }
0x2aa: {  	[hbm4b:s15+s3] =	stream.linear.scatter [tilespmem:s4], [sflag:$0x7], $0x80, $0x38;
	[tilespmem:$0x18280] =	vst v63  }
0x2ab: {  	_ =	swait.ge [sflag:s17], $0x80  }
0x2ac: {  	[sflag:s17] =	ssyncset.done $0x0  }
0x2ad: {  	[sflag:s17] =	ssyncadd.s32 $0xFFFFFF80  }
0x2ae: {  	_ =	sfence.sel $0x180000  }
0x2af: {  	[bflag:$0x0] =	sbarrier.arrive $0xFFFF  }
0x2b0: {  	_ =	strace $0x90000047  }
0x2b1: {  	s0 =	stileid.u32;
	[bflag:$0x2] =	sbarrier.arrive $0xFFFF  }
0x2b2: {  	p0 =	sne.s32 s0, $0x0;
	s0 =	rddreg [dreg:$0x5]  }
0x2b3: {  	s0 =	sadd.s32 @!p0 $0x100000, s0  }
0x2b4: {  	[sflag:s0] =	ssyncadd.tile.s32 @!p0 $0x1;
	_ =	shalt  }
.Lfunc_end2:
_tile_overlayer_lowered:
.L_overlay_start_2:
0x2b5: {  	(tag) =	ssettag $0x2  }
0x2b6: {  	s0 =	rddreg [dreg:$0x0];
	s2 =	stileid.u32  }
0x2b7: {  	s1 =	rddreg [dreg:$0x1];
	p0 =	sne.s32 s2, $0x0  }
0x2b8: {  	s3 =	rddreg [dreg:$0x2];
	[bflag:$0x3] =	sbarrier.arrive $0xFFFF;
	s2 =	simm.s32 @!p0 $0x1C07  }
0x2b9: {  	[timem:s3], [sflag:s2] =	dma.local @!p0 [hbm:s0], s1  }
0x2ba: {  	s0 =	simm.s32 @!p0 $0x7  }
0x2bb: {  	_ =	swait.ge @!p0 [sflag:s0], s1  }
0x2bc: {  	s1 =	ssub.s32 @!p0 $0x0, s1;
	[sflag:s0] =	ssyncset.done @!p0 $0x0  }
0x2bd: {  	[sflag:s0] =	ssyncadd.s32 @!p0 s1  }
0x2be: {  	[bflag:$0x3] =	sbarrier.arrive $0xFFFF  }
0x2bf: {  	_ =	shalt  }

</sc_bundles>
